<compile_context>
chip_gen: v7x
topology: tpu7x:2x2x1
jax: 0.10.2.dev20260603
libtpu: 0.0.44.dev20260713+nightly
codegen_flags: <defaults>
</compile_context>

<pallas_src>
import functools

import jax
import jax.numpy as jnp
from jax.experimental import pallas as pl
from jax.experimental.pallas import tpu as pltpu
from jax.experimental.pallas import tpu_sc as plsc
from jax import lax

DIM = 768
HID = 1024
NHEADS = 12
HEAD_DIM = 64
HALF = 32
LAT = 256
N_ROUTED = 63
NEP = 128
S = 2048
EPS = 1e-05
BLK = 256
T = 64
NT = 96
BUF = 6144
NCHUNK = S // NEP

F32 = jnp.float32
HIGHEST = jax.lax.Precision.HIGHEST



def _fiota(shape, dim):
    return jax.lax.broadcasted_iota(jnp.int32, shape, dim).astype(F32)

def _rms(x, w):
    norm = jnp.sqrt(jnp.mean(x * x, axis=-1, keepdims=True)) + EPS
    return x / norm * w


def _fused_kernel(xp_ref, xq_ref, wqd_ref, wkvd_ref, wqu_ref, wku_ref,
                  wvu_ref, ln1_ref, cos_ref, sin_ref, rot_ref,
                  wo_ref, ln2_ref, shg_ref, shu_ref, shd_ref,
                  wr_ref, bias_ref, mask_ref,
                  base_ref, h2_ref, ar_ref, qs_ref, ks_ref, vs_ref):
    i = pl.program_id(0)
    nblk = S // BLK
    bf16 = jnp.bfloat16
    scale = 1.0 / (HALF ** 0.5)

    @pl.when(i < nblk)
    def _proj_phase():
        x = xp_ref[...]
        h = _rms(x, ln1_ref[0:1, :])
        ql = jax.lax.dot(h, wqd_ref[...], preferred_element_type=F32)
        kl = jax.lax.dot(h, wkvd_ref[...], preferred_element_type=F32)
        q = jax.lax.dot(ql, wqu_ref[...], preferred_element_type=F32)
        k = jax.lax.dot(kl, wku_ref[...], preferred_element_type=F32)
        v = jax.lax.dot(kl, wvu_ref[...], preferred_element_type=F32)
        cos = cos_ref[...]
        sin = sin_ref[...]
        rot = rot_ref[...]
        qr = q * cos + jax.lax.dot(q, rot, preferred_element_type=F32) * sin
        kr = k * cos + jax.lax.dot(k, rot, preferred_element_type=F32) * sin
        row = i * BLK
        qs_ref[pl.ds(row, BLK), :] = (qr * scale).astype(bf16)
        ks_ref[pl.ds(row, BLK), :] = kr.astype(bf16)
        vs_ref[pl.ds(row, BLK), :] = v.astype(bf16)

    @pl.when(i >= nblk)
    def _attn_post_phase():
        row = (i - nblk) * BLK
        q_bf = qs_ref[pl.ds(row, BLK), :]
        ones = jnp.ones((S, 1), bf16)
        outs = []
        for h in range(NHEADS):
            qh = q_bf[:, h * HALF:(h + 1) * HALF]
            kh = ks_ref[:, h * HALF:(h + 1) * HALF]
            vh = vs_ref[:, h * HEAD_DIM:(h + 1) * HEAD_DIM]
            s = jax.lax.dot_general(qh, kh, (((1,), (1,)), ((), ())),
                                    preferred_element_type=F32)
            e = jnp.exp(s).astype(bf16)
            ssum = jax.lax.dot(e, ones, preferred_element_type=F32)
            oh = jax.lax.dot(e, vh, preferred_element_type=F32)
            outs.append(oh * (1.0 / ssum))
        attn = jnp.concatenate(outs, axis=-1)
        x1 = jax.lax.dot(attn, wo_ref[...],
                         preferred_element_type=F32) + xq_ref[...]
        h2 = _rms(x1, ln2_ref[0:1, :])
        g = jax.lax.dot(h2, shg_ref[...], preferred_element_type=F32)
        u = jax.lax.dot(h2, shu_ref[...], preferred_element_type=F32)
        act = g * (1.0 / (1.0 + jnp.exp(-g))) * u
        shared = jax.lax.dot(act, shd_ref[...], preferred_element_type=F32)
        base_ref[...] = x1 + shared
        h2_ref[...] = h2
        logits = jax.lax.dot(h2, wr_ref[...], preferred_element_type=F32)
        ar_ref[...] = logits * bias_ref[0:1, :] + mask_ref[0:1, :]


def _dispatch_kernel(ar_ref, dsti_ref, dstf_ref, tmap_ref):
    lane_r = _fiota((1, NEP), 1)
    lane_b = _fiota((NEP, NEP), 1)
    sub_b = _fiota((NEP, NEP), 0)
    tri_incl = (sub_b >= lane_b).astype(F32)
    tri_sl = (sub_b < lane_b).astype(F32)
    tri_le = (sub_b <= lane_b).astype(F32)
    eye = (sub_b == lane_b).astype(F32)

    prefix = jnp.zeros((1, NEP), F32)
    idx_cols = []
    rank_cols = []
    for c in range(NCHUNK):
        a = ar_ref[c * NEP:(c + 1) * NEP, :]
        m = jnp.max(a, axis=-1, keepdims=True)
        idx = jnp.min(jnp.where(a >= m, lane_b, 1e9), axis=-1, keepdims=True)
        oh = (lane_b == idx).astype(F32)
        csum = jax.lax.dot(tri_incl, oh, precision=HIGHEST,
                           preferred_element_type=F32)
        rank = (jnp.sum(oh * (csum - 1.0), axis=-1, keepdims=True)
                + jnp.sum(oh * prefix, axis=-1, keepdims=True))
        prefix = prefix + jnp.sum(oh, axis=0, keepdims=True)
        idx_cols.append(idx)
        rank_cols.append(rank)

    counts = prefix
    pc = jnp.ceil(counts / T) * T
    off = jax.lax.dot(pc, tri_sl, precision=HIGHEST,
                      preferred_element_type=F32)
    nt = pc / T
    tcum = jax.lax.dot(nt, tri_le, precision=HIGHEST,
                       preferred_element_type=F32)
    tstart = tcum - nt
    total = jnp.sum(nt)

    kio = _fiota((NEP, 1), 0)
    texp = jnp.sum((tcum <= kio).astype(F32), axis=-1, keepdims=True)
    texp = jnp.minimum(texp, float(NEP - 1))
    oht = (lane_b == texp).astype(F32)
    tstart_k = jnp.sum(oht * tstart, axis=-1, keepdims=True)
    obase_k = jnp.sum(oht * (off / T), axis=-1, keepdims=True)
    trow = obase_k + (kio - tstart_k)
    valid = kio < total
    elast = jnp.max(jnp.where(counts > 0.0, lane_r, -1.0))
    trow = jnp.where(valid, trow, kio)
    texp = jnp.where(valid, texp, elast)

    def to_row(col):
        return jax.lax.dot_general(col, eye, (((0,), (0,)), ((), ())),
                                   precision=HIGHEST,
                                   preferred_element_type=F32)

    texp_row = to_row(texp)
    trow_row = to_row(trow)
    valid_row = to_row(valid.astype(F32))
    rio8 = _fiota((8, NEP), 0)
    tm = (jnp.where(rio8 == 0.0, texp_row, 0.0)
          + jnp.where(rio8 == 1.0, trow_row, 0.0)
          + jnp.where(rio8 == 2.0, valid_row, 0.0))
    tmap_ref[...] = tm.astype(jnp.int32)

    dst = jnp.zeros((NCHUNK, NEP), F32)
    rio16 = _fiota((NCHUNK, NEP), 0)
    for c in range(NCHUNK):
        oh = (lane_b == idx_cols[c]).astype(F32)
        drow = to_row(jnp.sum(oh * off, axis=-1, keepdims=True) + rank_cols[c])
        dst = dst + jnp.where(rio16 == float(c), drow, 0.0)
    dsti_ref[...] = dst.astype(jnp.int32)
    dstf_ref[...] = dst


_TPW = S // 32


def _sc_scatter_body(h2_hbm, dst_hbm, hbuf_hbm, idx_v, rows_v, sem):
    wid = lax.axis_index("s") * 2 + lax.axis_index("c")
    base = wid * _TPW
    pltpu.sync_copy(dst_hbm.at[pl.ds(base, _TPW)], idx_v)
    pltpu.sync_copy(h2_hbm.at[pl.ds(base, _TPW)], rows_v)
    pltpu.async_copy(rows_v, hbuf_hbm.at[idx_v], sem).wait()


def _sc_gather_body(obuf_hbm, dst_hbm, out_hbm, idx_v, rows_v, sem):
    wid = lax.axis_index("s") * 2 + lax.axis_index("c")
    base = wid * _TPW
    pltpu.sync_copy(dst_hbm.at[pl.ds(base, _TPW)], idx_v)
    pltpu.async_copy(obuf_hbm.at[idx_v], rows_v, sem).wait()
    pltpu.sync_copy(rows_v, out_hbm.at[pl.ds(base, _TPW)])


def _sc_permute(body, out_rows):
    return functools.partial(
        pl.kernel, body,
        out_type=jax.ShapeDtypeStruct((out_rows, DIM), F32),
        mesh=plsc.VectorSubcoreMesh(core_axis_name="c", subcore_axis_name="s"),
        scratch_types=[pltpu.VMEM((_TPW,), jnp.int32),
                       pltpu.VMEM((_TPW, DIM), F32),
                       pltpu.SemaphoreType.DMA],
    )()


def _add_kernel(a_ref, b_ref, o_ref):
    o_ref[...] = a_ref[...] + b_ref[...]


def _moe_kernel(texp_ref, trow_ref, tval_ref, h_ref, g_ref, u_ref, d_ref,
                o_ref):
    i = pl.program_id(0)

    @pl.when(tval_ref[i] == 1)
    def _compute():
        h = h_ref[...]
        g = jax.lax.dot(h, g_ref[0], preferred_element_type=F32)
        u = jax.lax.dot(h, u_ref[0], preferred_element_type=F32)
        act = g * (1.0 / (1.0 + jnp.exp(-g))) * u
        o_ref[...] = jax.lax.dot(act, d_ref[0], preferred_element_type=F32)

    @pl.when(tval_ref[i] == 0)
    def _pad():
        o_ref[...] = jnp.zeros((T, DIM), F32)




def _rope_tables():
    inv_freq = 1.0 / (10000.0 ** (jnp.arange(0, HALF, 2, dtype=F32) / HALF))
    t = jnp.arange(S, dtype=F32)
    freqs = jnp.einsum('i,j->ij', t, inv_freq)
    emb = jnp.concatenate([freqs, freqs], axis=-1)
    cos = jnp.tile(jnp.cos(emb), (1, NHEADS))
    sin = jnp.tile(jnp.sin(emb), (1, NHEADS))
    return cos, sin


def _rot_matrix():
    r = jnp.zeros((NHEADS * HALF, NHEADS * HALF), F32)
    h16 = HALF // 2
    for h in range(NHEADS):
        b = h * HALF
        r = r.at[b + h16:b + HALF, b:b + h16].set(-jnp.eye(h16, dtype=F32))
        r = r.at[b:b + h16, b + h16:b + HALF].set(jnp.eye(h16, dtype=F32))
    return r


def kernel(x, wq_d, wkv_d, wq_u, wk_u, wv_u, wo, ln1_w, ln2_w, sh_gate,
           sh_up, sh_down, r_gate, r_up, r_down, w_router, routing_bias):
    b, s, d = x.shape
    x2 = x.reshape(S, DIM)
    cos_t, sin_t = _rope_tables()
    rot = _rot_matrix()
    ln1 = jnp.broadcast_to(ln1_w.reshape(1, DIM), (8, DIM))
    ln2 = jnp.broadcast_to(ln2_w.reshape(1, DIM), (8, DIM))
    wr_pad = jnp.zeros((DIM, NEP), F32).at[:, :N_ROUTED].set(w_router)
    bias_pad = jnp.zeros((NEP,), F32).at[:N_ROUTED].set(routing_bias)
    bias8 = jnp.broadcast_to(bias_pad.reshape(1, NEP), (8, NEP))
    mask = jnp.where(jnp.arange(NEP) < N_ROUTED, 0.0, -1e30).astype(F32)
    mask8 = jnp.broadcast_to(mask.reshape(1, NEP), (8, NEP))

    nblk = S // BLK
    full = lambda shape: pl.BlockSpec(shape, lambda i: tuple(0 for _ in shape))
    rowblk = lambda w: pl.BlockSpec((BLK, w), lambda i: (i, 0))

    nblk = S // BLK
    clamp_lo = lambda i: (jnp.minimum(i, nblk - 1), 0)
    clamp_hi = lambda i: (jnp.maximum(i - nblk, 0), 0)
    base, h2, ar = pl.pallas_call(
        _fused_kernel,
        grid=(2 * nblk,),
        in_specs=[pl.BlockSpec((BLK, DIM), clamp_lo),
                  pl.BlockSpec((BLK, DIM), clamp_hi),
                  full((DIM, LAT)), full((DIM, LAT)),
                  full((LAT, NHEADS * HALF)), full((LAT, NHEADS * HALF)),
                  full((LAT, DIM)), full((8, DIM)),
                  pl.BlockSpec((BLK, NHEADS * HALF), clamp_lo),
                  pl.BlockSpec((BLK, NHEADS * HALF), clamp_lo),
                  full((NHEADS * HALF, NHEADS * HALF)),
                  full((DIM, DIM)), full((8, DIM)),
                  full((DIM, HID)), full((DIM, HID)), full((HID, DIM)),
                  full((DIM, NEP)), full((8, NEP)), full((8, NEP))],
        out_specs=[pl.BlockSpec((BLK, DIM), clamp_hi),
                   pl.BlockSpec((BLK, DIM), clamp_hi),
                   pl.BlockSpec((BLK, NEP), clamp_hi)],
        out_shape=[jax.ShapeDtypeStruct((S, DIM), F32),
                   jax.ShapeDtypeStruct((S, DIM), F32),
                   jax.ShapeDtypeStruct((S, NEP), F32)],
        scratch_shapes=[pltpu.VMEM((S, NHEADS * HALF), jnp.bfloat16),
                        pltpu.VMEM((S, NHEADS * HALF), jnp.bfloat16),
                        pltpu.VMEM((S, DIM), jnp.bfloat16)],
    )(x2, x2, wq_d, wkv_d, wq_u, wk_u, wv_u, ln1, cos_t, sin_t, rot,
      wo, ln2, sh_gate, sh_up, sh_down, wr_pad, bias8, mask8)

    dsti, dstf, tmap = pl.pallas_call(
        _dispatch_kernel,
        in_specs=[pl.BlockSpec((S, NEP), lambda: (0, 0))],
        out_specs=[pl.BlockSpec((NCHUNK, NEP), lambda: (0, 0)),
                   pl.BlockSpec((NCHUNK, NEP), lambda: (0, 0)),
                   pl.BlockSpec((8, NEP), lambda: (0, 0))],
        out_shape=[jax.ShapeDtypeStruct((NCHUNK, NEP), jnp.int32),
                   jax.ShapeDtypeStruct((NCHUNK, NEP), F32),
                   jax.ShapeDtypeStruct((8, NEP), jnp.int32)],
    )(ar)

    dst1d = dsti.reshape(S)
    hbuf = _sc_permute(_sc_scatter_body, BUF)(h2, dst1d)

    texp = tmap[0]
    trow = tmap[1]
    tval = tmap[2]
    obuf = pl.pallas_call(
        _moe_kernel,
        grid_spec=pltpu.PrefetchScalarGridSpec(
            num_scalar_prefetch=3,
            grid=(NT,),
            in_specs=[
                pl.BlockSpec((T, DIM), lambda i, te, tr, tv: (tr[i], 0)),
                pl.BlockSpec((1, DIM, HID),
                             lambda i, te, tr, tv: (te[i], 0, 0)),
                pl.BlockSpec((1, DIM, HID),
                             lambda i, te, tr, tv: (te[i], 0, 0)),
                pl.BlockSpec((1, HID, DIM),
                             lambda i, te, tr, tv: (te[i], 0, 0)),
            ],
            out_specs=pl.BlockSpec((T, DIM), lambda i, te, tr, tv: (tr[i], 0)),
        ),
        out_shape=jax.ShapeDtypeStruct((BUF, DIM), F32),
    )(texp, trow, tval, hbuf, r_gate, r_up, r_down)

    routed = _sc_permute(_sc_gather_body, S)(obuf, dst1d)
    out = pl.pallas_call(
        _add_kernel,
        grid=(nblk,),
        in_specs=[rowblk(DIM), rowblk(DIM)],
        out_specs=rowblk(DIM),
        out_shape=jax.ShapeDtypeStruct((S, DIM), F32),
    )(base, routed)

    return out.reshape(b, s, d)

# --- scband reference (transcript-rebuilt; emitter-appended) ---
"""Pipeline reference for scband-llama-decoder-layer-7267084665267 (READ-ONLY COPY).

The authoritative reference and input builder live on the scoring server;
editing this copy changes nothing except your own understanding.
"""

import jax, jax.numpy as jnp
import numpy as np

DIM = 768
HID = 1024
NHEADS = 12
HEAD_DIM = 64
HALF = 32
LAT = 256  # dim // compress_ratio(=3)
N_ROUTED = 63  # num_experts - num_shared_experts
TOPK = 1
B, S = 1, 2048
EPS = 1e-05


def setup_inputs(seed: int = 0):
    key = jax.random.key(seed)
    ks = jax.random.split(key, 16)
    def w(k, shape, s=0.02):
        return jax.random.normal(k, shape, dtype=jnp.float32) * s
    return {
        "x": jax.random.normal(ks[0], (B, S, DIM), dtype=jnp.float32),
        "wq_d": w(ks[1], (DIM, LAT)),
        "wkv_d": w(ks[2], (DIM, LAT)),
        "wq_u": w(ks[3], (LAT, NHEADS * HALF)),
        "wk_u": w(ks[4], (LAT, NHEADS * HALF)),
        "wv_u": w(ks[5], (LAT, DIM)),
        "wo": w(ks[6], (DIM, DIM)),
        "ln1_w": jnp.ones((DIM,), jnp.float32),
        "ln2_w": jnp.ones((DIM,), jnp.float32),
        "sh_gate": w(ks[7], (DIM, HID)),
        "sh_up": w(ks[8], (DIM, HID)),
        "sh_down": w(ks[9], (HID, DIM)),
        "r_gate": w(ks[10], (N_ROUTED, DIM, HID)),
        "r_up": w(ks[11], (N_ROUTED, DIM, HID)),
        "r_down": w(ks[12], (N_ROUTED, HID, DIM)),
        "w_router": w(ks[13], (DIM, N_ROUTED)),
        "routing_bias": jax.random.normal(ks[14], (N_ROUTED,), dtype=jnp.float32) * 0.5,
    }


def rms_norm(x, w):
    norm = jnp.sqrt(jnp.mean(x * x, axis=-1, keepdims=True)) + EPS
    return x / norm * w


def rope_tables(seq_len):
    inv_freq = 1.0 / (10000.0 ** (jnp.arange(0, HALF, 2, dtype=jnp.float32) / HALF))
    t = jnp.arange(seq_len, dtype=jnp.float32)
    freqs = jnp.einsum('i,j->ij', t, inv_freq)
    emb = jnp.concatenate([freqs, freqs], axis=-1)
    cos = jnp.cos(emb).reshape(1, seq_len, 1, HALF)
    sin = jnp.sin(emb).reshape(1, seq_len, 1, HALF)
    return cos, sin


def rotate_half(x):
    x1, x2 = jnp.split(x, 2, axis=-1)
    return jnp.concatenate([-x2, x1], axis=-1)


def attention(x, wq_d, wkv_d, wq_u, wk_u, wv_u, wo):
    b, s, _ = x.shape
    q_latent = x @ wq_d
    kv_latent = x @ wkv_d
    q = (q_latent @ wq_u).reshape(b, s, NHEADS, HALF)
    k = (kv_latent @ wk_u).reshape(b, s, NHEADS, HALF)
    v = (kv_latent @ wv_u).reshape(b, s, NHEADS, HEAD_DIM)
    cos, sin = rope_tables(s)
    q = q * cos + rotate_half(q) * sin
    k = k * cos + rotate_half(k) * sin
    q = q.transpose(0, 2, 1, 3)
    k = k.transpose(0, 2, 1, 3)
    v = v.transpose(0, 2, 1, 3)
    scale = 1.0 / np.sqrt(HALF)
    attn = jnp.matmul(q, k.transpose(0, 1, 3, 2)) * scale
    attn = jax.nn.softmax(attn, axis=-1)
    out = jnp.matmul(attn, v)
    out = out.transpose(0, 2, 1, 3).reshape(b, s, DIM)
    return out @ wo


def expert(x, g, u, d):
    return (jax.nn.silu(x @ g) * (x @ u)) @ d


def reference(x, wq_d, wkv_d, wq_u, wk_u, wv_u, wo, ln1_w, ln2_w, sh_gate, sh_up, sh_down, r_gate, r_up, r_down, w_router, routing_bias):
    residual = x
    h = rms_norm(x, ln1_w)
    h = attention(h, wq_d, wkv_d, wq_u, wk_u, wv_u, wo)
    x1 = h + residual
    residual2 = x1
    h2 = rms_norm(x1, ln2_w)
    b, s, d = h2.shape
    # shared experts (num_shared_experts == 1, so no averaging)
    shared = expert(h2, sh_gate, sh_up, sh_down)
    # router
    logits = (h2 @ w_router) * routing_bias
    probs = jax.nn.sigmoid(logits)
    scores, indices = jax.lax.top_k(probs, TOPK)
    scores = scores / jnp.sum(scores, axis=-1, keepdims=True)
    hf = h2.reshape(-1, d)
    cf = jnp.zeros_like(hf)
    idx_f = indices.reshape(-1, TOPK)
    sc_f = scores.reshape(-1, TOPK)
    for kk in range(TOPK):
        for i in range(N_ROUTED):
            mask = idx_f[:, kk] == i
            out_i = expert(hf, r_gate[i], r_up[i], r_down[i])
            weight = jnp.where(mask, sc_f[:, kk], 0.0)
            cf = cf + out_i * weight[:, None]
    moe_out = shared + cf.reshape(b, s, d)
    return moe_out + residual2

if __name__ == "__main__":
    import jax
    _d = setup_inputs()
    print(jax.jit(kernel)(*tuple(_d.values())))

</pallas_src>

<mosaic_0001>
#map = affine_map<(d0, d1) -> (0, 0)>
#map1 = affine_map<(d0, d1) -> (0)>
module attributes {stable_mosaic.version = 14 : i64} {
  func.func @_sc_gather_body(%arg0: i32, %arg1: i32, %arg2: memref<6144x768xf32, #tpu.memory_space<hbm>>, %arg3: memref<2048xi32, #tpu.memory_space<hbm>>, %arg4: memref<2048x768xf32, #tpu.memory_space<hbm>>, %arg5: memref<64xi32, #tpu.memory_space<vmem>>, %arg6: memref<64x768xf32, #tpu.memory_space<vmem>>, %arg7: memref<!tpu.dma_semaphore, #tpu.memory_space<semaphore_mem>>) attributes {dimension_semantics = [#tpu.dimension_semantics<core_parallel>, #tpu.dimension_semantics<subcore_parallel>], iteration_bounds = array<i64: 2, 16>, scalar_prefetch = 0 : i64, scratch_operands = 3 : i64, tpu.core_type = #tpu.core_type<sc_vector_subcore>, window_params = [{transform_indices = #map}, {transform_indices = #map1}, {transform_indices = #map}]} {
    %mul3A = arith.constant 2 : i32
    %mul3A_0 = arith.muli %arg1, %mul3A : i32
    %add3A = arith.addi %mul3A_0, %arg0 : i32
    %mul3A_1 = arith.constant 64 : i32
    %mul3A_2 = arith.muli %add3A, %mul3A_1 : i32
    "tpu.region"() ({
      %run_scoped3A = tpu.sem_alloc : memref<!tpu.dma_semaphore, #tpu.memory_space<semaphore_mem>>
      %dma_start3A_7 = tpu.memref_slice %arg3[%mul3A_2] : memref<2048xi32, #tpu.memory_space<hbm>> -> memref<64xi32, #tpu.memory_space<hbm>>
      %dma_start3A_8 = tpu.memref_slice %arg3[%mul3A_2] : memref<2048xi32, #tpu.memory_space<hbm>> -> memref<64xi32, #tpu.memory_space<hbm>>
      tpu.enqueue_dma source(%dma_start3A_8 : memref<64xi32, #tpu.memory_space<hbm>>) target(%arg5 : memref<64xi32, #tpu.memory_space<vmem>>) target_semaphore(%run_scoped3A : memref<!tpu.dma_semaphore, #tpu.memory_space<semaphore_mem>>)
      %dma_wait3A_9 = tpu.memref_slice %arg3[%mul3A_2] : memref<2048xi32, #tpu.memory_space<hbm>> -> memref<64xi32, #tpu.memory_space<hbm>>
      %dma_wait3A_10 = tpu.memref_slice %arg3[%mul3A_2] : memref<2048xi32, #tpu.memory_space<hbm>> -> memref<64xi32, #tpu.memory_space<hbm>>
      tpu.wait_dma2 semaphore(%run_scoped3A : memref<!tpu.dma_semaphore, #tpu.memory_space<semaphore_mem>>) src(%dma_wait3A_10 : memref<64xi32, #tpu.memory_space<hbm>>) dst(%arg5 : memref<64xi32, #tpu.memory_space<vmem>>)
      tpu.yield
    }) : () -> ()
    %dma_start3A = arith.constant 0 : i32
    %dma_start3A_3 = arith.constant 0 : i32
    %dma_start3A_4 = tpu.memref_slice %arg2[%dma_start3A, %dma_start3A_3] : memref<6144x768xf32, #tpu.memory_space<hbm>> -> memref<6144x768xf32, #tpu.memory_space<hbm>>
    tpu.enqueue_indirect_dma source(%dma_start3A_4 : memref<6144x768xf32, #tpu.memory_space<hbm>>) target(%arg6 : memref<64x768xf32, #tpu.memory_space<vmem>>) offsets(%arg5 : memref<64xi32, #tpu.memory_space<vmem>>) semaphore(%arg7 : memref<!tpu.dma_semaphore, #tpu.memory_space<semaphore_mem>>)
    %dma_wait3A = arith.constant 0 : i32
    %dma_wait3A_5 = arith.constant 0 : i32
    %dma_wait3A_6 = tpu.memref_slice %arg2[%dma_wait3A, %dma_wait3A_5] : memref<6144x768xf32, #tpu.memory_space<hbm>> -> memref<6144x768xf32, #tpu.memory_space<hbm>>
    tpu.wait_indirect_dma semaphore(%arg7 : memref<!tpu.dma_semaphore, #tpu.memory_space<semaphore_mem>>) src(%dma_wait3A_6 : memref<6144x768xf32, #tpu.memory_space<hbm>>) dst(%arg6 : memref<64x768xf32, #tpu.memory_space<vmem>>)
    "tpu.region"() ({
      %run_scoped3A = tpu.sem_alloc : memref<!tpu.dma_semaphore, #tpu.memory_space<semaphore_mem>>
      %dma_start3A_7 = arith.constant 0 : i32
      %dma_start3A_8 = tpu.memref_slice %arg4[%mul3A_2, %dma_start3A_7] : memref<2048x768xf32, #tpu.memory_space<hbm>> -> memref<64x768xf32, #tpu.memory_space<hbm>>
      %dma_start3A_9 = arith.constant 0 : i32
      %dma_start3A_10 = tpu.memref_slice %arg4[%mul3A_2, %dma_start3A_9] : memref<2048x768xf32, #tpu.memory_space<hbm>> -> memref<64x768xf32, #tpu.memory_space<hbm>>
      tpu.enqueue_dma source(%arg6 : memref<64x768xf32, #tpu.memory_space<vmem>>) target(%dma_start3A_10 : memref<64x768xf32, #tpu.memory_space<hbm>>) target_semaphore(%run_scoped3A : memref<!tpu.dma_semaphore, #tpu.memory_space<semaphore_mem>>)
      %dma_wait3A_11 = arith.constant 0 : i32
      %dma_wait3A_12 = tpu.memref_slice %arg4[%mul3A_2, %dma_wait3A_11] : memref<2048x768xf32, #tpu.memory_space<hbm>> -> memref<64x768xf32, #tpu.memory_space<hbm>>
      %dma_wait3A_13 = arith.constant 0 : i32
      %dma_wait3A_14 = tpu.memref_slice %arg4[%mul3A_2, %dma_wait3A_13] : memref<2048x768xf32, #tpu.memory_space<hbm>> -> memref<64x768xf32, #tpu.memory_space<hbm>>
      tpu.wait_dma2 semaphore(%run_scoped3A : memref<!tpu.dma_semaphore, #tpu.memory_space<semaphore_mem>>) src(%arg6 : memref<64x768xf32, #tpu.memory_space<vmem>>) dst(%dma_wait3A_14 : memref<64x768xf32, #tpu.memory_space<hbm>>)
      tpu.yield
    }) : () -> ()
    return
  }
}

#map = affine_map<(d0, d1) -> (0, 0)>
#map1 = affine_map<(d0, d1) -> (0)>
module attributes {stable_mosaic.version = 14 : i64} {
  func.func @_sc_scatter_body(%arg0: i32, %arg1: i32, %arg2: memref<2048x768xf32, #tpu.memory_space<hbm>>, %arg3: memref<2048xi32, #tpu.memory_space<hbm>>, %arg4: memref<6144x768xf32, #tpu.memory_space<hbm>>, %arg5: memref<64xi32, #tpu.memory_space<vmem>>, %arg6: memref<64x768xf32, #tpu.memory_space<vmem>>, %arg7: memref<!tpu.dma_semaphore, #tpu.memory_space<semaphore_mem>>) attributes {dimension_semantics = [#tpu.dimension_semantics<core_parallel>, #tpu.dimension_semantics<subcore_parallel>], iteration_bounds = array<i64: 2, 16>, scalar_prefetch = 0 : i64, scratch_operands = 3 : i64, tpu.core_type = #tpu.core_type<sc_vector_subcore>, window_params = [{transform_indices = #map}, {transform_indices = #map1}, {transform_indices = #map}]} {
    %mul3A = arith.constant 2 : i32
    %mul3A_0 = arith.muli %arg1, %mul3A : i32
    %add3A = arith.addi %mul3A_0, %arg0 : i32
    %mul3A_1 = arith.constant 64 : i32
    %mul3A_2 = arith.muli %add3A, %mul3A_1 : i32
    "tpu.region"() ({
      %run_scoped3A = tpu.sem_alloc : memref<!tpu.dma_semaphore, #tpu.memory_space<semaphore_mem>>
      %dma_start3A_7 = tpu.memref_slice %arg3[%mul3A_2] : memref<2048xi32, #tpu.memory_space<hbm>> -> memref<64xi32, #tpu.memory_space<hbm>>
      %dma_start3A_8 = tpu.memref_slice %arg3[%mul3A_2] : memref<2048xi32, #tpu.memory_space<hbm>> -> memref<64xi32, #tpu.memory_space<hbm>>
      tpu.enqueue_dma source(%dma_start3A_8 : memref<64xi32, #tpu.memory_space<hbm>>) target(%arg5 : memref<64xi32, #tpu.memory_space<vmem>>) target_semaphore(%run_scoped3A : memref<!tpu.dma_semaphore, #tpu.memory_space<semaphore_mem>>)
      %dma_wait3A_9 = tpu.memref_slice %arg3[%mul3A_2] : memref<2048xi32, #tpu.memory_space<hbm>> -> memref<64xi32, #tpu.memory_space<hbm>>
      %dma_wait3A_10 = tpu.memref_slice %arg3[%mul3A_2] : memref<2048xi32, #tpu.memory_space<hbm>> -> memref<64xi32, #tpu.memory_space<hbm>>
      tpu.wait_dma2 semaphore(%run_scoped3A : memref<!tpu.dma_semaphore, #tpu.memory_space<semaphore_mem>>) src(%dma_wait3A_10 : memref<64xi32, #tpu.memory_space<hbm>>) dst(%arg5 : memref<64xi32, #tpu.memory_space<vmem>>)
      tpu.yield
    }) : () -> ()
    "tpu.region"() ({
      %run_scoped3A = tpu.sem_alloc : memref<!tpu.dma_semaphore, #tpu.memory_space<semaphore_mem>>
      %dma_start3A_7 = arith.constant 0 : i32
      %dma_start3A_8 = tpu.memref_slice %arg2[%mul3A_2, %dma_start3A_7] : memref<2048x768xf32, #tpu.memory_space<hbm>> -> memref<64x768xf32, #tpu.memory_space<hbm>>
      %dma_start3A_9 = arith.constant 0 : i32
      %dma_start3A_10 = tpu.memref_slice %arg2[%mul3A_2, %dma_start3A_9] : memref<2048x768xf32, #tpu.memory_space<hbm>> -> memref<64x768xf32, #tpu.memory_space<hbm>>
      tpu.enqueue_dma source(%dma_start3A_10 : memref<64x768xf32, #tpu.memory_space<hbm>>) target(%arg6 : memref<64x768xf32, #tpu.memory_space<vmem>>) target_semaphore(%run_scoped3A : memref<!tpu.dma_semaphore, #tpu.memory_space<semaphore_mem>>)
      %dma_wait3A_11 = arith.constant 0 : i32
      %dma_wait3A_12 = tpu.memref_slice %arg2[%mul3A_2, %dma_wait3A_11] : memref<2048x768xf32, #tpu.memory_space<hbm>> -> memref<64x768xf32, #tpu.memory_space<hbm>>
      %dma_wait3A_13 = arith.constant 0 : i32
      %dma_wait3A_14 = tpu.memref_slice %arg2[%mul3A_2, %dma_wait3A_13] : memref<2048x768xf32, #tpu.memory_space<hbm>> -> memref<64x768xf32, #tpu.memory_space<hbm>>
      tpu.wait_dma2 semaphore(%run_scoped3A : memref<!tpu.dma_semaphore, #tpu.memory_space<semaphore_mem>>) src(%dma_wait3A_14 : memref<64x768xf32, #tpu.memory_space<hbm>>) dst(%arg6 : memref<64x768xf32, #tpu.memory_space<vmem>>)
      tpu.yield
    }) : () -> ()
    %dma_start3A = arith.constant 0 : i32
    %dma_start3A_3 = arith.constant 0 : i32
    %dma_start3A_4 = tpu.memref_slice %arg4[%dma_start3A, %dma_start3A_3] : memref<6144x768xf32, #tpu.memory_space<hbm>> -> memref<6144x768xf32, #tpu.memory_space<hbm>>
    tpu.enqueue_indirect_dma source(%arg6 : memref<64x768xf32, #tpu.memory_space<vmem>>) target(%dma_start3A_4 : memref<6144x768xf32, #tpu.memory_space<hbm>>) offsets(%arg5 : memref<64xi32, #tpu.memory_space<vmem>>) semaphore(%arg7 : memref<!tpu.dma_semaphore, #tpu.memory_space<semaphore_mem>>)
    %dma_wait3A = arith.constant 0 : i32
    %dma_wait3A_5 = arith.constant 0 : i32
    %dma_wait3A_6 = tpu.memref_slice %arg4[%dma_wait3A, %dma_wait3A_5] : memref<6144x768xf32, #tpu.memory_space<hbm>> -> memref<6144x768xf32, #tpu.memory_space<hbm>>
    tpu.wait_indirect_dma semaphore(%arg7 : memref<!tpu.dma_semaphore, #tpu.memory_space<semaphore_mem>>) src(%arg6 : memref<64x768xf32, #tpu.memory_space<vmem>>) dst(%dma_wait3A_6 : memref<6144x768xf32, #tpu.memory_space<hbm>>)
    return
  }
}

module attributes {stable_mosaic.version = 14 : i64} {
  func.func @_fused_kernel(%arg0: i32, %arg1: memref<256x768xf32, #tpu.memory_space<vmem>>, %arg2: memref<256x768xf32, #tpu.memory_space<vmem>>, %arg3: memref<768x256xf32, #tpu.memory_space<vmem>>, %arg4: memref<768x256xf32, #tpu.memory_space<vmem>>, %arg5: memref<256x384xf32, #tpu.memory_space<vmem>>, %arg6: memref<256x384xf32, #tpu.memory_space<vmem>>, %arg7: memref<256x768xf32, #tpu.memory_space<vmem>>, %arg8: memref<8x768xf32, #tpu.memory_space<vmem>>, %arg9: memref<256x384xf32, #tpu.memory_space<vmem>>, %arg10: memref<256x384xf32, #tpu.memory_space<vmem>>, %arg11: memref<384x384xf32, #tpu.memory_space<vmem>>, %arg12: memref<768x768xf32, #tpu.memory_space<vmem>>, %arg13: memref<8x768xf32, #tpu.memory_space<vmem>>, %arg14: memref<768x1024xf32, #tpu.memory_space<vmem>>, %arg15: memref<768x1024xf32, #tpu.memory_space<vmem>>, %arg16: memref<1024x768xf32, #tpu.memory_space<vmem>>, %arg17: memref<768x128xf32, #tpu.memory_space<vmem>>, %arg18: memref<8x128xf32, #tpu.memory_space<vmem>>, %arg19: memref<8x128xf32, #tpu.memory_space<vmem>>, %arg20: memref<256x768xf32, #tpu.memory_space<vmem>>, %arg21: memref<256x768xf32, #tpu.memory_space<vmem>>, %arg22: memref<256x128xf32, #tpu.memory_space<vmem>>, %arg23: memref<2048x384xbf16, #tpu.memory_space<vmem>>, %arg24: memref<2048x384xbf16, #tpu.memory_space<vmem>>, %arg25: memref<2048x768xbf16, #tpu.memory_space<vmem>>) attributes {dimension_semantics = [#tpu.dimension_semantics<arbitrary>], iteration_bounds = array<i64: 16>, scalar_prefetch = 0 : i64, scratch_operands = 3 : i64, tpu.core_type = #tpu.core_type<tc>, window_params = [{transform_indices = @transform_0, window_bounds = array<i64: 256, 768>}, {transform_indices = @transform_1, window_bounds = array<i64: 256, 768>}, {pipeline_mode = #tpu.pipeline_mode<synchronous>, transform_indices = @transform_2, window_bounds = array<i64: 768, 256>}, {pipeline_mode = #tpu.pipeline_mode<synchronous>, transform_indices = @transform_3, window_bounds = array<i64: 768, 256>}, {pipeline_mode = #tpu.pipeline_mode<synchronous>, transform_indices = @transform_4, window_bounds = array<i64: 256, 384>}, {pipeline_mode = #tpu.pipeline_mode<synchronous>, transform_indices = @transform_5, window_bounds = array<i64: 256, 384>}, {pipeline_mode = #tpu.pipeline_mode<synchronous>, transform_indices = @transform_6, window_bounds = array<i64: 256, 768>}, {pipeline_mode = #tpu.pipeline_mode<synchronous>, transform_indices = @transform_7, window_bounds = array<i64: 8, 768>}, {transform_indices = @transform_8, window_bounds = array<i64: 256, 384>}, {transform_indices = @transform_9, window_bounds = array<i64: 256, 384>}, {pipeline_mode = #tpu.pipeline_mode<synchronous>, transform_indices = @transform_10, window_bounds = array<i64: 384, 384>}, {pipeline_mode = #tpu.pipeline_mode<synchronous>, transform_indices = @transform_11, window_bounds = array<i64: 768, 768>}, {pipeline_mode = #tpu.pipeline_mode<synchronous>, transform_indices = @transform_12, window_bounds = array<i64: 8, 768>}, {pipeline_mode = #tpu.pipeline_mode<synchronous>, transform_indices = @transform_13, window_bounds = array<i64: 768, 1024>}, {pipeline_mode = #tpu.pipeline_mode<synchronous>, transform_indices = @transform_14, window_bounds = array<i64: 768, 1024>}, {pipeline_mode = #tpu.pipeline_mode<synchronous>, transform_indices = @transform_15, window_bounds = array<i64: 1024, 768>}, {pipeline_mode = #tpu.pipeline_mode<synchronous>, transform_indices = @transform_16, window_bounds = array<i64: 768, 128>}, {pipeline_mode = #tpu.pipeline_mode<synchronous>, transform_indices = @transform_17, window_bounds = array<i64: 8, 128>}, {pipeline_mode = #tpu.pipeline_mode<synchronous>, transform_indices = @transform_18, window_bounds = array<i64: 8, 128>}, {transform_indices = @transform_19, window_bounds = array<i64: 256, 768>}, {transform_indices = @transform_20, window_bounds = array<i64: 256, 768>}, {transform_indices = @transform_21, window_bounds = array<i64: 256, 128>}]} {
    %lt3A = arith.constant 8 : i32
    %lt3A_0 = arith.cmpi slt, %arg0, %lt3A : i32
    %convert_element_type3A = arith.extui %lt3A_0 : i1 to i32
    %cond3A = arith.constant 0 : i32
    %cond3A_1 = arith.cmpi ne, %convert_element_type3A, %cond3A : i32
    scf.if %cond3A_1 {
      %get3A = arith.constant 0 : index
      %get3A_6 = arith.constant 0 : index
      %get3A_7 = vector.load %arg1[%get3A, %get3A_6] : memref<256x768xf32, #tpu.memory_space<vmem>>, vector<256x768xf32>
      %get3A_8 = arith.constant 0 : index
      %get3A_9 = arith.constant 0 : index
      %get3A_10 = vector.load %arg8[%get3A_8, %get3A_9] : memref<8x768xf32, #tpu.memory_space<vmem>>, vector<1x768xf32>
      %mul3A = arith.mulf %get3A_7, %get3A_7 : vector<256x768xf32>
      %reduce_sum3A = arith.constant dense<0.000000e+00> : vector<256xf32>
      %reduce_sum3A_11 = vector.multi_reduction <add>, %mul3A, %reduce_sum3A [1] : vector<256x768xf32> to vector<256xf32>
      %broadcast_in_dim3A = vector.shape_cast %reduce_sum3A_11 : vector<256xf32> to vector<256x1xf32>
      %div3A = arith.constant 7.680000e+02 : f32
      %div3A_12 = vector.broadcast %div3A : f32 to vector<256x1xf32>
      %div3A_13 = arith.divf %broadcast_in_dim3A, %div3A_12 : vector<256x1xf32>
      %sqrt3A = math.sqrt %div3A_13 : vector<256x1xf32>
      %add3A = arith.constant 9.99999974E-6 : f32
      %add3A_14 = vector.broadcast %add3A : f32 to vector<256x1xf32>
      %add3A_15 = arith.addf %sqrt3A, %add3A_14 : vector<256x1xf32>
      %div3A_16 = vector.broadcast %add3A_15 : vector<256x1xf32> to vector<256x768xf32>
      %div3A_17 = arith.divf %get3A_7, %div3A_16 : vector<256x768xf32>
      %mul3A_18 = vector.broadcast %get3A_10 : vector<1x768xf32> to vector<256x768xf32>
      %mul3A_19 = arith.mulf %div3A_17, %mul3A_18 : vector<256x768xf32>
      %get3A_20 = arith.constant 0 : index
      %get3A_21 = arith.constant 0 : index
      %get3A_22 = vector.load %arg3[%get3A_20, %get3A_21] : memref<768x256xf32, #tpu.memory_space<vmem>>, vector<768x256xf32>
      %dot_general3A = arith.constant dense<0.000000e+00> : vector<256x256xf32>
      %dot_general3A_23 = tpu.matmul %mul3A_19, %get3A_22, %dot_general3A {dimension_numbers = #tpu.dot_dimension_numbers<[1], [0], [0], [1], [0, 0, 1, 1], [], []>, transpose_lhs_hint = false} : vector<256x768xf32>, vector<768x256xf32>, vector<256x256xf32> -> vector<256x256xf32>
      %get3A_24 = arith.constant 0 : index
      %get3A_25 = arith.constant 0 : index
      %get3A_26 = vector.load %arg4[%get3A_24, %get3A_25] : memref<768x256xf32, #tpu.memory_space<vmem>>, vector<768x256xf32>
      %dot_general3A_27 = arith.constant dense<0.000000e+00> : vector<256x256xf32>
      %dot_general3A_28 = tpu.matmul %mul3A_19, %get3A_26, %dot_general3A_27 {dimension_numbers = #tpu.dot_dimension_numbers<[1], [0], [0], [1], [0, 0, 1, 1], [], []>, transpose_lhs_hint = false} : vector<256x768xf32>, vector<768x256xf32>, vector<256x256xf32> -> vector<256x256xf32>
      %get3A_29 = arith.constant 0 : index
      %get3A_30 = arith.constant 0 : index
      %get3A_31 = vector.load %arg5[%get3A_29, %get3A_30] : memref<256x384xf32, #tpu.memory_space<vmem>>, vector<256x384xf32>
      %dot_general3A_32 = arith.constant dense<0.000000e+00> : vector<256x384xf32>
      %dot_general3A_33 = tpu.matmul %dot_general3A_23, %get3A_31, %dot_general3A_32 {dimension_numbers = #tpu.dot_dimension_numbers<[1], [0], [0], [1], [0, 0, 1, 1], [], []>, transpose_lhs_hint = false} : vector<256x256xf32>, vector<256x384xf32>, vector<256x384xf32> -> vector<256x384xf32>
      %get3A_34 = arith.constant 0 : index
      %get3A_35 = arith.constant 0 : index
      %get3A_36 = vector.load %arg6[%get3A_34, %get3A_35] : memref<256x384xf32, #tpu.memory_space<vmem>>, vector<256x384xf32>
      %dot_general3A_37 = arith.constant dense<0.000000e+00> : vector<256x384xf32>
      %dot_general3A_38 = tpu.matmul %dot_general3A_28, %get3A_36, %dot_general3A_37 {dimension_numbers = #tpu.dot_dimension_numbers<[1], [0], [0], [1], [0, 0, 1, 1], [], []>, transpose_lhs_hint = false} : vector<256x256xf32>, vector<256x384xf32>, vector<256x384xf32> -> vector<256x384xf32>
      %get3A_39 = arith.constant 0 : index
      %get3A_40 = arith.constant 0 : index
      %get3A_41 = vector.load %arg7[%get3A_39, %get3A_40] : memref<256x768xf32, #tpu.memory_space<vmem>>, vector<256x768xf32>
      %dot_general3A_42 = arith.constant dense<0.000000e+00> : vector<256x768xf32>
      %dot_general3A_43 = tpu.matmul %dot_general3A_28, %get3A_41, %dot_general3A_42 {dimension_numbers = #tpu.dot_dimension_numbers<[1], [0], [0], [1], [0, 0, 1, 1], [], []>, transpose_lhs_hint = false} : vector<256x256xf32>, vector<256x768xf32>, vector<256x768xf32> -> vector<256x768xf32>
      %get3A_44 = arith.constant 0 : index
      %get3A_45 = arith.constant 0 : index
      %get3A_46 = vector.load %arg9[%get3A_44, %get3A_45] : memref<256x384xf32, #tpu.memory_space<vmem>>, vector<256x384xf32>
      %get3A_47 = arith.constant 0 : index
      %get3A_48 = arith.constant 0 : index
      %get3A_49 = vector.load %arg10[%get3A_47, %get3A_48] : memref<256x384xf32, #tpu.memory_space<vmem>>, vector<256x384xf32>
      %get3A_50 = arith.constant 0 : index
      %get3A_51 = arith.constant 0 : index
      %get3A_52 = vector.load %arg11[%get3A_50, %get3A_51] : memref<384x384xf32, #tpu.memory_space<vmem>>, vector<384x384xf32>
      %mul3A_53 = arith.mulf %dot_general3A_33, %get3A_46 : vector<256x384xf32>
      %dot_general3A_54 = arith.constant dense<0.000000e+00> : vector<256x384xf32>
      %dot_general3A_55 = tpu.matmul %dot_general3A_33, %get3A_52, %dot_general3A_54 {dimension_numbers = #tpu.dot_dimension_numbers<[1], [0], [0], [1], [0, 0, 1, 1], [], []>, transpose_lhs_hint = false} : vector<256x384xf32>, vector<384x384xf32>, vector<256x384xf32> -> vector<256x384xf32>
      %mul3A_56 = arith.mulf %dot_general3A_55, %get3A_49 : vector<256x384xf32>
      %add3A_57 = arith.addf %mul3A_53, %mul3A_56 : vector<256x384xf32>
      %mul3A_58 = arith.mulf %dot_general3A_38, %get3A_46 : vector<256x384xf32>
      %dot_general3A_59 = arith.constant dense<0.000000e+00> : vector<256x384xf32>
      %dot_general3A_60 = tpu.matmul %dot_general3A_38, %get3A_52, %dot_general3A_59 {dimension_numbers = #tpu.dot_dimension_numbers<[1], [0], [0], [1], [0, 0, 1, 1], [], []>, transpose_lhs_hint = false} : vector<256x384xf32>, vector<384x384xf32>, vector<256x384xf32> -> vector<256x384xf32>
      %mul3A_61 = arith.mulf %dot_general3A_60, %get3A_49 : vector<256x384xf32>
      %add3A_62 = arith.addf %mul3A_58, %mul3A_61 : vector<256x384xf32>
      %mul3A_63 = arith.constant 256 : i32
      %mul3A_64 = arith.muli %arg0, %mul3A_63 : i32
      %mul3A_65 = arith.constant 0.176776692 : f32
      %mul3A_66 = vector.broadcast %mul3A_65 : f32 to vector<256x384xf32>
      %mul3A_67 = arith.mulf %add3A_57, %mul3A_66 : vector<256x384xf32>
      %convert_element_type3A_68 = arith.truncf %mul3A_67 : vector<256x384xf32> to vector<256x384xbf16>
      %swap3A = arith.index_cast %mul3A_64 : i32 to index
      %swap3A_69 = arith.constant 0 : index
      %swap3A_70 = vector.load %arg23[%swap3A, %swap3A_69] : memref<2048x384xbf16, #tpu.memory_space<vmem>>, vector<256x384xbf16>
      tpu.vector_store %arg23[%swap3A, %swap3A_69], %convert_element_type3A_68 {strides = array<i32>} : memref<2048x384xbf16, #tpu.memory_space<vmem>>, vector<256x384xbf16>,
      %convert_element_type3A_71 = arith.truncf %add3A_62 : vector<256x384xf32> to vector<256x384xbf16>
      %swap3A_72 = arith.index_cast %mul3A_64 : i32 to index
      %swap3A_73 = arith.constant 0 : index
      %swap3A_74 = vector.load %arg24[%swap3A_72, %swap3A_73] : memref<2048x384xbf16, #tpu.memory_space<vmem>>, vector<256x384xbf16>
      tpu.vector_store %arg24[%swap3A_72, %swap3A_73], %convert_element_type3A_71 {strides = array<i32>} : memref<2048x384xbf16, #tpu.memory_space<vmem>>, vector<256x384xbf16>,
      %convert_element_type3A_75 = arith.truncf %dot_general3A_43 : vector<256x768xf32> to vector<256x768xbf16>
      %swap3A_76 = arith.index_cast %mul3A_64 : i32 to index
      %swap3A_77 = arith.constant 0 : index
      %swap3A_78 = vector.load %arg25[%swap3A_76, %swap3A_77] : memref<2048x768xbf16, #tpu.memory_space<vmem>>, vector<256x768xbf16>
      tpu.vector_store %arg25[%swap3A_76, %swap3A_77], %convert_element_type3A_75 {strides = array<i32>} : memref<2048x768xbf16, #tpu.memory_space<vmem>>, vector<256x768xbf16>,
    } else {
    }
    %ge3A = arith.constant 8 : i32
    %ge3A_2 = arith.cmpi sge, %arg0, %ge3A : i32
    %convert_element_type3A_3 = arith.extui %ge3A_2 : i1 to i32
    %cond3A_4 = arith.constant 0 : i32
    %cond3A_5 = arith.cmpi ne, %convert_element_type3A_3, %cond3A_4 : i32
    scf.if %cond3A_5 {
      %sub3A = arith.constant 8 : i32
      %sub3A_6 = arith.subi %arg0, %sub3A : i32
      %mul3A = arith.constant 256 : i32
      %mul3A_7 = arith.muli %sub3A_6, %mul3A : i32
      %get3A = arith.index_cast %mul3A_7 : i32 to index
      %get3A_8 = arith.constant 0 : index
      %get3A_9 = vector.load %arg23[%get3A, %get3A_8] : memref<2048x384xbf16, #tpu.memory_space<vmem>>, vector<256x384xbf16>
      %broadcast_in_dim3A = arith.constant 1.000000e+00 : bf16
      %broadcast_in_dim3A_10 = vector.broadcast %broadcast_in_dim3A : bf16 to vector<2048x1xbf16>
      %slice3A = vector.extract_strided_slice %get3A_9 {offsets = [0, 0], sizes = [256, 32], strides = [1, 1]} : vector<256x384xbf16> to vector<256x32xbf16>
      %get3A_11 = arith.constant 0 : index
      %get3A_12 = arith.constant 0 : index
      %get3A_13 = vector.load %arg24[%get3A_11, %get3A_12] : memref<2048x384xbf16, #tpu.memory_space<vmem>>, vector<2048x32xbf16>
      %get3A_14 = arith.constant 0 : index
      %get3A_15 = arith.constant 0 : index
      %get3A_16 = vector.load %arg25[%get3A_14, %get3A_15] : memref<2048x768xbf16, #tpu.memory_space<vmem>>, vector<2048x64xbf16>
      %dot_general3A = arith.constant dense<0.000000e+00> : vector<256x2048xf32>
      %dot_general3A_17 = tpu.matmul %slice3A, %get3A_13, %dot_general3A {dimension_numbers = #tpu.dot_dimension_numbers<[1], [1], [0], [0], [0, 0, 1, 0], [], []>, transpose_lhs_hint = false} : vector<256x32xbf16>, vector<2048x32xbf16>, vector<256x2048xf32> -> vector<256x2048xf32>
      %exp3A = math.exp %dot_general3A_17 : vector<256x2048xf32>
      %convert_element_type3A_18 = arith.truncf %exp3A : vector<256x2048xf32> to vector<256x2048xbf16>
      %dot_general3A_19 = arith.constant dense<0.000000e+00> : vector<256x1xf32>
      %dot_general3A_20 = tpu.matmul %convert_element_type3A_18, %broadcast_in_dim3A_10, %dot_general3A_19 {dimension_numbers = #tpu.dot_dimension_numbers<[1], [0], [0], [1], [0, 0, 1, 1], [], []>, transpose_lhs_hint = false} : vector<256x2048xbf16>, vector<2048x1xbf16>, vector<256x1xf32> -> vector<256x1xf32>
      %dot_general3A_21 = arith.constant dense<0.000000e+00> : vector<256x64xf32>
      %dot_general3A_22 = tpu.matmul %convert_element_type3A_18, %get3A_16, %dot_general3A_21 {dimension_numbers = #tpu.dot_dimension_numbers<[1], [0], [0], [1], [0, 0, 1, 1], [], []>, transpose_lhs_hint = false} : vector<256x2048xbf16>, vector<2048x64xbf16>, vector<256x64xf32> -> vector<256x64xf32>
      %div3A = arith.constant 1.000000e+00 : f32
      %div3A_23 = vector.broadcast %div3A : f32 to vector<256x1xf32>
      %div3A_24 = arith.divf %div3A_23, %dot_general3A_20 : vector<256x1xf32>
      %mul3A_25 = vector.broadcast %div3A_24 : vector<256x1xf32> to vector<256x64xf32>
      %mul3A_26 = arith.mulf %dot_general3A_22, %mul3A_25 : vector<256x64xf32>
      %slice3A_27 = vector.extract_strided_slice %get3A_9 {offsets = [0, 32], sizes = [256, 32], strides = [1, 1]} : vector<256x384xbf16> to vector<256x32xbf16>
      %get3A_28 = arith.constant 0 : index
      %get3A_29 = arith.constant 32 : index
      %get3A_30 = vector.load %arg24[%get3A_28, %get3A_29] : memref<2048x384xbf16, #tpu.memory_space<vmem>>, vector<2048x32xbf16>
      %get3A_31 = arith.constant 0 : index
      %get3A_32 = arith.constant 64 : index
      %get3A_33 = vector.load %arg25[%get3A_31, %get3A_32] : memref<2048x768xbf16, #tpu.memory_space<vmem>>, vector<2048x64xbf16>
      %dot_general3A_34 = arith.constant dense<0.000000e+00> : vector<256x2048xf32>
      %dot_general3A_35 = tpu.matmul %slice3A_27, %get3A_30, %dot_general3A_34 {dimension_numbers = #tpu.dot_dimension_numbers<[1], [1], [0], [0], [0, 0, 1, 0], [], []>, transpose_lhs_hint = false} : vector<256x32xbf16>, vector<2048x32xbf16>, vector<256x2048xf32> -> vector<256x2048xf32>
      %exp3A_36 = math.exp %dot_general3A_35 : vector<256x2048xf32>
      %convert_element_type3A_37 = arith.truncf %exp3A_36 : vector<256x2048xf32> to vector<256x2048xbf16>
      %dot_general3A_38 = arith.constant dense<0.000000e+00> : vector<256x1xf32>
      %dot_general3A_39 = tpu.matmul %convert_element_type3A_37, %broadcast_in_dim3A_10, %dot_general3A_38 {dimension_numbers = #tpu.dot_dimension_numbers<[1], [0], [0], [1], [0, 0, 1, 1], [], []>, transpose_lhs_hint = false} : vector<256x2048xbf16>, vector<2048x1xbf16>, vector<256x1xf32> -> vector<256x1xf32>
      %dot_general3A_40 = arith.constant dense<0.000000e+00> : vector<256x64xf32>
      %dot_general3A_41 = tpu.matmul %convert_element_type3A_37, %get3A_33, %dot_general3A_40 {dimension_numbers = #tpu.dot_dimension_numbers<[1], [0], [0], [1], [0, 0, 1, 1], [], []>, transpose_lhs_hint = false} : vector<256x2048xbf16>, vector<2048x64xbf16>, vector<256x64xf32> -> vector<256x64xf32>
      %div3A_42 = arith.constant 1.000000e+00 : f32
      %div3A_43 = vector.broadcast %div3A_42 : f32 to vector<256x1xf32>
      %div3A_44 = arith.divf %div3A_43, %dot_general3A_39 : vector<256x1xf32>
      %mul3A_45 = vector.broadcast %div3A_44 : vector<256x1xf32> to vector<256x64xf32>
      %mul3A_46 = arith.mulf %dot_general3A_41, %mul3A_45 : vector<256x64xf32>
      %slice3A_47 = vector.extract_strided_slice %get3A_9 {offsets = [0, 64], sizes = [256, 32], strides = [1, 1]} : vector<256x384xbf16> to vector<256x32xbf16>
      %get3A_48 = arith.constant 0 : index
      %get3A_49 = arith.constant 64 : index
      %get3A_50 = vector.load %arg24[%get3A_48, %get3A_49] : memref<2048x384xbf16, #tpu.memory_space<vmem>>, vector<2048x32xbf16>
      %get3A_51 = arith.constant 0 : index
      %get3A_52 = arith.constant 128 : index
      %get3A_53 = vector.load %arg25[%get3A_51, %get3A_52] : memref<2048x768xbf16, #tpu.memory_space<vmem>>, vector<2048x64xbf16>
      %dot_general3A_54 = arith.constant dense<0.000000e+00> : vector<256x2048xf32>
      %dot_general3A_55 = tpu.matmul %slice3A_47, %get3A_50, %dot_general3A_54 {dimension_numbers = #tpu.dot_dimension_numbers<[1], [1], [0], [0], [0, 0, 1, 0], [], []>, transpose_lhs_hint = false} : vector<256x32xbf16>, vector<2048x32xbf16>, vector<256x2048xf32> -> vector<256x2048xf32>
      %exp3A_56 = math.exp %dot_general3A_55 : vector<256x2048xf32>
      %convert_element_type3A_57 = arith.truncf %exp3A_56 : vector<256x2048xf32> to vector<256x2048xbf16>
      %dot_general3A_58 = arith.constant dense<0.000000e+00> : vector<256x1xf32>
      %dot_general3A_59 = tpu.matmul %convert_element_type3A_57, %broadcast_in_dim3A_10, %dot_general3A_58 {dimension_numbers = #tpu.dot_dimension_numbers<[1], [0], [0], [1], [0, 0, 1, 1], [], []>, transpose_lhs_hint = false} : vector<256x2048xbf16>, vector<2048x1xbf16>, vector<256x1xf32> -> vector<256x1xf32>
      %dot_general3A_60 = arith.constant dense<0.000000e+00> : vector<256x64xf32>
      %dot_general3A_61 = tpu.matmul %convert_element_type3A_57, %get3A_53, %dot_general3A_60 {dimension_numbers = #tpu.dot_dimension_numbers<[1], [0], [0], [1], [0, 0, 1, 1], [], []>, transpose_lhs_hint = false} : vector<256x2048xbf16>, vector<2048x64xbf16>, vector<256x64xf32> -> vector<256x64xf32>
      %div3A_62 = arith.constant 1.000000e+00 : f32
      %div3A_63 = vector.broadcast %div3A_62 : f32 to vector<256x1xf32>
      %div3A_64 = arith.divf %div3A_63, %dot_general3A_59 : vector<256x1xf32>
      %mul3A_65 = vector.broadcast %div3A_64 : vector<256x1xf32> to vector<256x64xf32>
      %mul3A_66 = arith.mulf %dot_general3A_61, %mul3A_65 : vector<256x64xf32>
      %slice3A_67 = vector.extract_strided_slice %get3A_9 {offsets = [0, 96], sizes = [256, 32], strides = [1, 1]} : vector<256x384xbf16> to vector<256x32xbf16>
      %get3A_68 = arith.constant 0 : index
      %get3A_69 = arith.constant 96 : index
      %get3A_70 = vector.load %arg24[%get3A_68, %get3A_69] : memref<2048x384xbf16, #tpu.memory_space<vmem>>, vector<2048x32xbf16>
      %get3A_71 = arith.constant 0 : index
      %get3A_72 = arith.constant 192 : index
      %get3A_73 = vector.load %arg25[%get3A_71, %get3A_72] : memref<2048x768xbf16, #tpu.memory_space<vmem>>, vector<2048x64xbf16>
      %dot_general3A_74 = arith.constant dense<0.000000e+00> : vector<256x2048xf32>
      %dot_general3A_75 = tpu.matmul %slice3A_67, %get3A_70, %dot_general3A_74 {dimension_numbers = #tpu.dot_dimension_numbers<[1], [1], [0], [0], [0, 0, 1, 0], [], []>, transpose_lhs_hint = false} : vector<256x32xbf16>, vector<2048x32xbf16>, vector<256x2048xf32> -> vector<256x2048xf32>
      %exp3A_76 = math.exp %dot_general3A_75 : vector<256x2048xf32>
      %convert_element_type3A_77 = arith.truncf %exp3A_76 : vector<256x2048xf32> to vector<256x2048xbf16>
      %dot_general3A_78 = arith.constant dense<0.000000e+00> : vector<256x1xf32>
      %dot_general3A_79 = tpu.matmul %convert_element_type3A_77, %broadcast_in_dim3A_10, %dot_general3A_78 {dimension_numbers = #tpu.dot_dimension_numbers<[1], [0], [0], [1], [0, 0, 1, 1], [], []>, transpose_lhs_hint = false} : vector<256x2048xbf16>, vector<2048x1xbf16>, vector<256x1xf32> -> vector<256x1xf32>
      %dot_general3A_80 = arith.constant dense<0.000000e+00> : vector<256x64xf32>
      %dot_general3A_81 = tpu.matmul %convert_element_type3A_77, %get3A_73, %dot_general3A_80 {dimension_numbers = #tpu.dot_dimension_numbers<[1], [0], [0], [1], [0, 0, 1, 1], [], []>, transpose_lhs_hint = false} : vector<256x2048xbf16>, vector<2048x64xbf16>, vector<256x64xf32> -> vector<256x64xf32>
      %div3A_82 = arith.constant 1.000000e+00 : f32
      %div3A_83 = vector.broadcast %div3A_82 : f32 to vector<256x1xf32>
      %div3A_84 = arith.divf %div3A_83, %dot_general3A_79 : vector<256x1xf32>
      %mul3A_85 = vector.broadcast %div3A_84 : vector<256x1xf32> to vector<256x64xf32>
      %mul3A_86 = arith.mulf %dot_general3A_81, %mul3A_85 : vector<256x64xf32>
      %slice3A_87 = vector.extract_strided_slice %get3A_9 {offsets = [0, 128], sizes = [256, 32], strides = [1, 1]} : vector<256x384xbf16> to vector<256x32xbf16>
      %get3A_88 = arith.constant 0 : index
      %get3A_89 = arith.constant 128 : index
      %get3A_90 = vector.load %arg24[%get3A_88, %get3A_89] : memref<2048x384xbf16, #tpu.memory_space<vmem>>, vector<2048x32xbf16>
      %get3A_91 = arith.constant 0 : index
      %get3A_92 = arith.constant 256 : index
      %get3A_93 = vector.load %arg25[%get3A_91, %get3A_92] : memref<2048x768xbf16, #tpu.memory_space<vmem>>, vector<2048x64xbf16>
      %dot_general3A_94 = arith.constant dense<0.000000e+00> : vector<256x2048xf32>
      %dot_general3A_95 = tpu.matmul %slice3A_87, %get3A_90, %dot_general3A_94 {dimension_numbers = #tpu.dot_dimension_numbers<[1], [1], [0], [0], [0, 0, 1, 0], [], []>, transpose_lhs_hint = false} : vector<256x32xbf16>, vector<2048x32xbf16>, vector<256x2048xf32> -> vector<256x2048xf32>
      %exp3A_96 = math.exp %dot_general3A_95 : vector<256x2048xf32>
      %convert_element_type3A_97 = arith.truncf %exp3A_96 : vector<256x2048xf32> to vector<256x2048xbf16>
      %dot_general3A_98 = arith.constant dense<0.000000e+00> : vector<256x1xf32>
      %dot_general3A_99 = tpu.matmul %convert_element_type3A_97, %broadcast_in_dim3A_10, %dot_general3A_98 {dimension_numbers = #tpu.dot_dimension_numbers<[1], [0], [0], [1], [0, 0, 1, 1], [], []>, transpose_lhs_hint = false} : vector<256x2048xbf16>, vector<2048x1xbf16>, vector<256x1xf32> -> vector<256x1xf32>
      %dot_general3A_100 = arith.constant dense<0.000000e+00> : vector<256x64xf32>
      %dot_general3A_101 = tpu.matmul %convert_element_type3A_97, %get3A_93, %dot_general3A_100 {dimension_numbers = #tpu.dot_dimension_numbers<[1], [0], [0], [1], [0, 0, 1, 1], [], []>, transpose_lhs_hint = false} : vector<256x2048xbf16>, vector<2048x64xbf16>, vector<256x64xf32> -> vector<256x64xf32>
      %div3A_102 = arith.constant 1.000000e+00 : f32
      %div3A_103 = vector.broadcast %div3A_102 : f32 to vector<256x1xf32>
      %div3A_104 = arith.divf %div3A_103, %dot_general3A_99 : vector<256x1xf32>
      %mul3A_105 = vector.broadcast %div3A_104 : vector<256x1xf32> to vector<256x64xf32>
      %mul3A_106 = arith.mulf %dot_general3A_101, %mul3A_105 : vector<256x64xf32>
      %slice3A_107 = vector.extract_strided_slice %get3A_9 {offsets = [0, 160], sizes = [256, 32], strides = [1, 1]} : vector<256x384xbf16> to vector<256x32xbf16>
      %get3A_108 = arith.constant 0 : index
      %get3A_109 = arith.constant 160 : index
      %get3A_110 = vector.load %arg24[%get3A_108, %get3A_109] : memref<2048x384xbf16, #tpu.memory_space<vmem>>, vector<2048x32xbf16>
      %get3A_111 = arith.constant 0 : index
      %get3A_112 = arith.constant 320 : index
      %get3A_113 = vector.load %arg25[%get3A_111, %get3A_112] : memref<2048x768xbf16, #tpu.memory_space<vmem>>, vector<2048x64xbf16>
      %dot_general3A_114 = arith.constant dense<0.000000e+00> : vector<256x2048xf32>
      %dot_general3A_115 = tpu.matmul %slice3A_107, %get3A_110, %dot_general3A_114 {dimension_numbers = #tpu.dot_dimension_numbers<[1], [1], [0], [0], [0, 0, 1, 0], [], []>, transpose_lhs_hint = false} : vector<256x32xbf16>, vector<2048x32xbf16>, vector<256x2048xf32> -> vector<256x2048xf32>
      %exp3A_116 = math.exp %dot_general3A_115 : vector<256x2048xf32>
      %convert_element_type3A_117 = arith.truncf %exp3A_116 : vector<256x2048xf32> to vector<256x2048xbf16>
      %dot_general3A_118 = arith.constant dense<0.000000e+00> : vector<256x1xf32>
      %dot_general3A_119 = tpu.matmul %convert_element_type3A_117, %broadcast_in_dim3A_10, %dot_general3A_118 {dimension_numbers = #tpu.dot_dimension_numbers<[1], [0], [0], [1], [0, 0, 1, 1], [], []>, transpose_lhs_hint = false} : vector<256x2048xbf16>, vector<2048x1xbf16>, vector<256x1xf32> -> vector<256x1xf32>
      %dot_general3A_120 = arith.constant dense<0.000000e+00> : vector<256x64xf32>
      %dot_general3A_121 = tpu.matmul %convert_element_type3A_117, %get3A_113, %dot_general3A_120 {dimension_numbers = #tpu.dot_dimension_numbers<[1], [0], [0], [1], [0, 0, 1, 1], [], []>, transpose_lhs_hint = false} : vector<256x2048xbf16>, vector<2048x64xbf16>, vector<256x64xf32> -> vector<256x64xf32>
      %div3A_122 = arith.constant 1.000000e+00 : f32
      %div3A_123 = vector.broadcast %div3A_122 : f32 to vector<256x1xf32>
      %div3A_124 = arith.divf %div3A_123, %dot_general3A_119 : vector<256x1xf32>
      %mul3A_125 = vector.broadcast %div3A_124 : vector<256x1xf32> to vector<256x64xf32>
      %mul3A_126 = arith.mulf %dot_general3A_121, %mul3A_125 : vector<256x64xf32>
      %slice3A_127 = vector.extract_strided_slice %get3A_9 {offsets = [0, 192], sizes = [256, 32], strides = [1, 1]} : vector<256x384xbf16> to vector<256x32xbf16>
      %get3A_128 = arith.constant 0 : index
      %get3A_129 = arith.constant 192 : index
      %get3A_130 = vector.load %arg24[%get3A_128, %get3A_129] : memref<2048x384xbf16, #tpu.memory_space<vmem>>, vector<2048x32xbf16>
      %get3A_131 = arith.constant 0 : index
      %get3A_132 = arith.constant 384 : index
      %get3A_133 = vector.load %arg25[%get3A_131, %get3A_132] : memref<2048x768xbf16, #tpu.memory_space<vmem>>, vector<2048x64xbf16>
      %dot_general3A_134 = arith.constant dense<0.000000e+00> : vector<256x2048xf32>
      %dot_general3A_135 = tpu.matmul %slice3A_127, %get3A_130, %dot_general3A_134 {dimension_numbers = #tpu.dot_dimension_numbers<[1], [1], [0], [0], [0, 0, 1, 0], [], []>, transpose_lhs_hint = false} : vector<256x32xbf16>, vector<2048x32xbf16>, vector<256x2048xf32> -> vector<256x2048xf32>
      %exp3A_136 = math.exp %dot_general3A_135 : vector<256x2048xf32>
      %convert_element_type3A_137 = arith.truncf %exp3A_136 : vector<256x2048xf32> to vector<256x2048xbf16>
      %dot_general3A_138 = arith.constant dense<0.000000e+00> : vector<256x1xf32>
      %dot_general3A_139 = tpu.matmul %convert_element_type3A_137, %broadcast_in_dim3A_10, %dot_general3A_138 {dimension_numbers = #tpu.dot_dimension_numbers<[1], [0], [0], [1], [0, 0, 1, 1], [], []>, transpose_lhs_hint = false} : vector<256x2048xbf16>, vector<2048x1xbf16>, vector<256x1xf32> -> vector<256x1xf32>
      %dot_general3A_140 = arith.constant dense<0.000000e+00> : vector<256x64xf32>
      %dot_general3A_141 = tpu.matmul %convert_element_type3A_137, %get3A_133, %dot_general3A_140 {dimension_numbers = #tpu.dot_dimension_numbers<[1], [0], [0], [1], [0, 0, 1, 1], [], []>, transpose_lhs_hint = false} : vector<256x2048xbf16>, vector<2048x64xbf16>, vector<256x64xf32> -> vector<256x64xf32>
      %div3A_142 = arith.constant 1.000000e+00 : f32
      %div3A_143 = vector.broadcast %div3A_142 : f32 to vector<256x1xf32>
      %div3A_144 = arith.divf %div3A_143, %dot_general3A_139 : vector<256x1xf32>
      %mul3A_145 = vector.broadcast %div3A_144 : vector<256x1xf32> to vector<256x64xf32>
      %mul3A_146 = arith.mulf %dot_general3A_141, %mul3A_145 : vector<256x64xf32>
      %slice3A_147 = vector.extract_strided_slice %get3A_9 {offsets = [0, 224], sizes = [256, 32], strides = [1, 1]} : vector<256x384xbf16> to vector<256x32xbf16>
      %get3A_148 = arith.constant 0 : index
      %get3A_149 = arith.constant 224 : index
      %get3A_150 = vector.load %arg24[%get3A_148, %get3A_149] : memref<2048x384xbf16, #tpu.memory_space<vmem>>, vector<2048x32xbf16>
      %get3A_151 = arith.constant 0 : index
      %get3A_152 = arith.constant 448 : index
      %get3A_153 = vector.load %arg25[%get3A_151, %get3A_152] : memref<2048x768xbf16, #tpu.memory_space<vmem>>, vector<2048x64xbf16>
      %dot_general3A_154 = arith.constant dense<0.000000e+00> : vector<256x2048xf32>
      %dot_general3A_155 = tpu.matmul %slice3A_147, %get3A_150, %dot_general3A_154 {dimension_numbers = #tpu.dot_dimension_numbers<[1], [1], [0], [0], [0, 0, 1, 0], [], []>, transpose_lhs_hint = false} : vector<256x32xbf16>, vector<2048x32xbf16>, vector<256x2048xf32> -> vector<256x2048xf32>
      %exp3A_156 = math.exp %dot_general3A_155 : vector<256x2048xf32>
      %convert_element_type3A_157 = arith.truncf %exp3A_156 : vector<256x2048xf32> to vector<256x2048xbf16>
      %dot_general3A_158 = arith.constant dense<0.000000e+00> : vector<256x1xf32>
      %dot_general3A_159 = tpu.matmul %convert_element_type3A_157, %broadcast_in_dim3A_10, %dot_general3A_158 {dimension_numbers = #tpu.dot_dimension_numbers<[1], [0], [0], [1], [0, 0, 1, 1], [], []>, transpose_lhs_hint = false} : vector<256x2048xbf16>, vector<2048x1xbf16>, vector<256x1xf32> -> vector<256x1xf32>
      %dot_general3A_160 = arith.constant dense<0.000000e+00> : vector<256x64xf32>
      %dot_general3A_161 = tpu.matmul %convert_element_type3A_157, %get3A_153, %dot_general3A_160 {dimension_numbers = #tpu.dot_dimension_numbers<[1], [0], [0], [1], [0, 0, 1, 1], [], []>, transpose_lhs_hint = false} : vector<256x2048xbf16>, vector<2048x64xbf16>, vector<256x64xf32> -> vector<256x64xf32>
      %div3A_162 = arith.constant 1.000000e+00 : f32
      %div3A_163 = vector.broadcast %div3A_162 : f32 to vector<256x1xf32>
      %div3A_164 = arith.divf %div3A_163, %dot_general3A_159 : vector<256x1xf32>
      %mul3A_165 = vector.broadcast %div3A_164 : vector<256x1xf32> to vector<256x64xf32>
      %mul3A_166 = arith.mulf %dot_general3A_161, %mul3A_165 : vector<256x64xf32>
      %slice3A_167 = vector.extract_strided_slice %get3A_9 {offsets = [0, 256], sizes = [256, 32], strides = [1, 1]} : vector<256x384xbf16> to vector<256x32xbf16>
      %get3A_168 = arith.constant 0 : index
      %get3A_169 = arith.constant 256 : index
      %get3A_170 = vector.load %arg24[%get3A_168, %get3A_169] : memref<2048x384xbf16, #tpu.memory_space<vmem>>, vector<2048x32xbf16>
      %get3A_171 = arith.constant 0 : index
      %get3A_172 = arith.constant 512 : index
      %get3A_173 = vector.load %arg25[%get3A_171, %get3A_172] : memref<2048x768xbf16, #tpu.memory_space<vmem>>, vector<2048x64xbf16>
      %dot_general3A_174 = arith.constant dense<0.000000e+00> : vector<256x2048xf32>
      %dot_general3A_175 = tpu.matmul %slice3A_167, %get3A_170, %dot_general3A_174 {dimension_numbers = #tpu.dot_dimension_numbers<[1], [1], [0], [0], [0, 0, 1, 0], [], []>, transpose_lhs_hint = false} : vector<256x32xbf16>, vector<2048x32xbf16>, vector<256x2048xf32> -> vector<256x2048xf32>
      %exp3A_176 = math.exp %dot_general3A_175 : vector<256x2048xf32>
      %convert_element_type3A_177 = arith.truncf %exp3A_176 : vector<256x2048xf32> to vector<256x2048xbf16>
      %dot_general3A_178 = arith.constant dense<0.000000e+00> : vector<256x1xf32>
      %dot_general3A_179 = tpu.matmul %convert_element_type3A_177, %broadcast_in_dim3A_10, %dot_general3A_178 {dimension_numbers = #tpu.dot_dimension_numbers<[1], [0], [0], [1], [0, 0, 1, 1], [], []>, transpose_lhs_hint = false} : vector<256x2048xbf16>, vector<2048x1xbf16>, vector<256x1xf32> -> vector<256x1xf32>
      %dot_general3A_180 = arith.constant dense<0.000000e+00> : vector<256x64xf32>
      %dot_general3A_181 = tpu.matmul %convert_element_type3A_177, %get3A_173, %dot_general3A_180 {dimension_numbers = #tpu.dot_dimension_numbers<[1], [0], [0], [1], [0, 0, 1, 1], [], []>, transpose_lhs_hint = false} : vector<256x2048xbf16>, vector<2048x64xbf16>, vector<256x64xf32> -> vector<256x64xf32>
      %div3A_182 = arith.constant 1.000000e+00 : f32
      %div3A_183 = vector.broadcast %div3A_182 : f32 to vector<256x1xf32>
      %div3A_184 = arith.divf %div3A_183, %dot_general3A_179 : vector<256x1xf32>
      %mul3A_185 = vector.broadcast %div3A_184 : vector<256x1xf32> to vector<256x64xf32>
      %mul3A_186 = arith.mulf %dot_general3A_181, %mul3A_185 : vector<256x64xf32>
      %slice3A_187 = vector.extract_strided_slice %get3A_9 {offsets = [0, 288], sizes = [256, 32], strides = [1, 1]} : vector<256x384xbf16> to vector<256x32xbf16>
      %get3A_188 = arith.constant 0 : index
      %get3A_189 = arith.constant 288 : index
      %get3A_190 = vector.load %arg24[%get3A_188, %get3A_189] : memref<2048x384xbf16, #tpu.memory_space<vmem>>, vector<2048x32xbf16>
      %get3A_191 = arith.constant 0 : index
      %get3A_192 = arith.constant 576 : index
      %get3A_193 = vector.load %arg25[%get3A_191, %get3A_192] : memref<2048x768xbf16, #tpu.memory_space<vmem>>, vector<2048x64xbf16>
      %dot_general3A_194 = arith.constant dense<0.000000e+00> : vector<256x2048xf32>
      %dot_general3A_195 = tpu.matmul %slice3A_187, %get3A_190, %dot_general3A_194 {dimension_numbers = #tpu.dot_dimension_numbers<[1], [1], [0], [0], [0, 0, 1, 0], [], []>, transpose_lhs_hint = false} : vector<256x32xbf16>, vector<2048x32xbf16>, vector<256x2048xf32> -> vector<256x2048xf32>
      %exp3A_196 = math.exp %dot_general3A_195 : vector<256x2048xf32>
      %convert_element_type3A_197 = arith.truncf %exp3A_196 : vector<256x2048xf32> to vector<256x2048xbf16>
      %dot_general3A_198 = arith.constant dense<0.000000e+00> : vector<256x1xf32>
      %dot_general3A_199 = tpu.matmul %convert_element_type3A_197, %broadcast_in_dim3A_10, %dot_general3A_198 {dimension_numbers = #tpu.dot_dimension_numbers<[1], [0], [0], [1], [0, 0, 1, 1], [], []>, transpose_lhs_hint = false} : vector<256x2048xbf16>, vector<2048x1xbf16>, vector<256x1xf32> -> vector<256x1xf32>
      %dot_general3A_200 = arith.constant dense<0.000000e+00> : vector<256x64xf32>
      %dot_general3A_201 = tpu.matmul %convert_element_type3A_197, %get3A_193, %dot_general3A_200 {dimension_numbers = #tpu.dot_dimension_numbers<[1], [0], [0], [1], [0, 0, 1, 1], [], []>, transpose_lhs_hint = false} : vector<256x2048xbf16>, vector<2048x64xbf16>, vector<256x64xf32> -> vector<256x64xf32>
      %div3A_202 = arith.constant 1.000000e+00 : f32
      %div3A_203 = vector.broadcast %div3A_202 : f32 to vector<256x1xf32>
      %div3A_204 = arith.divf %div3A_203, %dot_general3A_199 : vector<256x1xf32>
      %mul3A_205 = vector.broadcast %div3A_204 : vector<256x1xf32> to vector<256x64xf32>
      %mul3A_206 = arith.mulf %dot_general3A_201, %mul3A_205 : vector<256x64xf32>
      %slice3A_207 = vector.extract_strided_slice %get3A_9 {offsets = [0, 320], sizes = [256, 32], strides = [1, 1]} : vector<256x384xbf16> to vector<256x32xbf16>
      %get3A_208 = arith.constant 0 : index
      %get3A_209 = arith.constant 320 : index
      %get3A_210 = vector.load %arg24[%get3A_208, %get3A_209] : memref<2048x384xbf16, #tpu.memory_space<vmem>>, vector<2048x32xbf16>
      %get3A_211 = arith.constant 0 : index
      %get3A_212 = arith.constant 640 : index
      %get3A_213 = vector.load %arg25[%get3A_211, %get3A_212] : memref<2048x768xbf16, #tpu.memory_space<vmem>>, vector<2048x64xbf16>
      %dot_general3A_214 = arith.constant dense<0.000000e+00> : vector<256x2048xf32>
      %dot_general3A_215 = tpu.matmul %slice3A_207, %get3A_210, %dot_general3A_214 {dimension_numbers = #tpu.dot_dimension_numbers<[1], [1], [0], [0], [0, 0, 1, 0], [], []>, transpose_lhs_hint = false} : vector<256x32xbf16>, vector<2048x32xbf16>, vector<256x2048xf32> -> vector<256x2048xf32>
      %exp3A_216 = math.exp %dot_general3A_215 : vector<256x2048xf32>
      %convert_element_type3A_217 = arith.truncf %exp3A_216 : vector<256x2048xf32> to vector<256x2048xbf16>
      %dot_general3A_218 = arith.constant dense<0.000000e+00> : vector<256x1xf32>
      %dot_general3A_219 = tpu.matmul %convert_element_type3A_217, %broadcast_in_dim3A_10, %dot_general3A_218 {dimension_numbers = #tpu.dot_dimension_numbers<[1], [0], [0], [1], [0, 0, 1, 1], [], []>, transpose_lhs_hint = false} : vector<256x2048xbf16>, vector<2048x1xbf16>, vector<256x1xf32> -> vector<256x1xf32>
      %dot_general3A_220 = arith.constant dense<0.000000e+00> : vector<256x64xf32>
      %dot_general3A_221 = tpu.matmul %convert_element_type3A_217, %get3A_213, %dot_general3A_220 {dimension_numbers = #tpu.dot_dimension_numbers<[1], [0], [0], [1], [0, 0, 1, 1], [], []>, transpose_lhs_hint = false} : vector<256x2048xbf16>, vector<2048x64xbf16>, vector<256x64xf32> -> vector<256x64xf32>
      %div3A_222 = arith.constant 1.000000e+00 : f32
      %div3A_223 = vector.broadcast %div3A_222 : f32 to vector<256x1xf32>
      %div3A_224 = arith.divf %div3A_223, %dot_general3A_219 : vector<256x1xf32>
      %mul3A_225 = vector.broadcast %div3A_224 : vector<256x1xf32> to vector<256x64xf32>
      %mul3A_226 = arith.mulf %dot_general3A_221, %mul3A_225 : vector<256x64xf32>
      %slice3A_227 = vector.extract_strided_slice %get3A_9 {offsets = [0, 352], sizes = [256, 32], strides = [1, 1]} : vector<256x384xbf16> to vector<256x32xbf16>
      %get3A_228 = arith.constant 0 : index
      %get3A_229 = arith.constant 352 : index
      %get3A_230 = vector.load %arg24[%get3A_228, %get3A_229] : memref<2048x384xbf16, #tpu.memory_space<vmem>>, vector<2048x32xbf16>
      %get3A_231 = arith.constant 0 : index
      %get3A_232 = arith.constant 704 : index
      %get3A_233 = vector.load %arg25[%get3A_231, %get3A_232] : memref<2048x768xbf16, #tpu.memory_space<vmem>>, vector<2048x64xbf16>
      %dot_general3A_234 = arith.constant dense<0.000000e+00> : vector<256x2048xf32>
      %dot_general3A_235 = tpu.matmul %slice3A_227, %get3A_230, %dot_general3A_234 {dimension_numbers = #tpu.dot_dimension_numbers<[1], [1], [0], [0], [0, 0, 1, 0], [], []>, transpose_lhs_hint = false} : vector<256x32xbf16>, vector<2048x32xbf16>, vector<256x2048xf32> -> vector<256x2048xf32>
      %exp3A_236 = math.exp %dot_general3A_235 : vector<256x2048xf32>
      %convert_element_type3A_237 = arith.truncf %exp3A_236 : vector<256x2048xf32> to vector<256x2048xbf16>
      %dot_general3A_238 = arith.constant dense<0.000000e+00> : vector<256x1xf32>
      %dot_general3A_239 = tpu.matmul %convert_element_type3A_237, %broadcast_in_dim3A_10, %dot_general3A_238 {dimension_numbers = #tpu.dot_dimension_numbers<[1], [0], [0], [1], [0, 0, 1, 1], [], []>, transpose_lhs_hint = false} : vector<256x2048xbf16>, vector<2048x1xbf16>, vector<256x1xf32> -> vector<256x1xf32>
      %dot_general3A_240 = arith.constant dense<0.000000e+00> : vector<256x64xf32>
      %dot_general3A_241 = tpu.matmul %convert_element_type3A_237, %get3A_233, %dot_general3A_240 {dimension_numbers = #tpu.dot_dimension_numbers<[1], [0], [0], [1], [0, 0, 1, 1], [], []>, transpose_lhs_hint = false} : vector<256x2048xbf16>, vector<2048x64xbf16>, vector<256x64xf32> -> vector<256x64xf32>
      %div3A_242 = arith.constant 1.000000e+00 : f32
      %div3A_243 = vector.broadcast %div3A_242 : f32 to vector<256x1xf32>
      %div3A_244 = arith.divf %div3A_243, %dot_general3A_239 : vector<256x1xf32>
      %mul3A_245 = vector.broadcast %div3A_244 : vector<256x1xf32> to vector<256x64xf32>
      %mul3A_246 = arith.mulf %dot_general3A_241, %mul3A_245 : vector<256x64xf32>
      %concatenate3A = tpu.concatenate %mul3A_26, %mul3A_46, %mul3A_66, %mul3A_86, %mul3A_106, %mul3A_126, %mul3A_146, %mul3A_166, %mul3A_186, %mul3A_206, %mul3A_226, %mul3A_246 in 1 : vector<256x64xf32>, vector<256x64xf32>, vector<256x64xf32>, vector<256x64xf32>, vector<256x64xf32>, vector<256x64xf32>, vector<256x64xf32>, vector<256x64xf32>, vector<256x64xf32>, vector<256x64xf32>, vector<256x64xf32>, vector<256x64xf32> -> vector<256x768xf32>
      %get3A_247 = arith.constant 0 : index
      %get3A_248 = arith.constant 0 : index
      %get3A_249 = vector.load %arg12[%get3A_247, %get3A_248] : memref<768x768xf32, #tpu.memory_space<vmem>>, vector<768x768xf32>
      %dot_general3A_250 = arith.constant dense<0.000000e+00> : vector<256x768xf32>
      %dot_general3A_251 = tpu.matmul %concatenate3A, %get3A_249, %dot_general3A_250 {dimension_numbers = #tpu.dot_dimension_numbers<[1], [0], [0], [1], [0, 0, 1, 1], [], []>, transpose_lhs_hint = false} : vector<256x768xf32>, vector<768x768xf32>, vector<256x768xf32> -> vector<256x768xf32>
      %get3A_252 = arith.constant 0 : index
      %get3A_253 = arith.constant 0 : index
      %get3A_254 = vector.load %arg2[%get3A_252, %get3A_253] : memref<256x768xf32, #tpu.memory_space<vmem>>, vector<256x768xf32>
      %add3A = arith.addf %dot_general3A_251, %get3A_254 : vector<256x768xf32>
      %get3A_255 = arith.constant 0 : index
      %get3A_256 = arith.constant 0 : index
      %get3A_257 = vector.load %arg13[%get3A_255, %get3A_256] : memref<8x768xf32, #tpu.memory_space<vmem>>, vector<1x768xf32>
      %mul3A_258 = arith.mulf %add3A, %add3A : vector<256x768xf32>
      %reduce_sum3A = arith.constant dense<0.000000e+00> : vector<256xf32>
      %reduce_sum3A_259 = vector.multi_reduction <add>, %mul3A_258, %reduce_sum3A [1] : vector<256x768xf32> to vector<256xf32>
      %broadcast_in_dim3A_260 = vector.shape_cast %reduce_sum3A_259 : vector<256xf32> to vector<256x1xf32>
      %div3A_261 = arith.constant 7.680000e+02 : f32
      %div3A_262 = vector.broadcast %div3A_261 : f32 to vector<256x1xf32>
      %div3A_263 = arith.divf %broadcast_in_dim3A_260, %div3A_262 : vector<256x1xf32>
      %sqrt3A = math.sqrt %div3A_263 : vector<256x1xf32>
      %add3A_264 = arith.constant 9.99999974E-6 : f32
      %add3A_265 = vector.broadcast %add3A_264 : f32 to vector<256x1xf32>
      %add3A_266 = arith.addf %sqrt3A, %add3A_265 : vector<256x1xf32>
      %div3A_267 = vector.broadcast %add3A_266 : vector<256x1xf32> to vector<256x768xf32>
      %div3A_268 = arith.divf %add3A, %div3A_267 : vector<256x768xf32>
      %mul3A_269 = vector.broadcast %get3A_257 : vector<1x768xf32> to vector<256x768xf32>
      %mul3A_270 = arith.mulf %div3A_268, %mul3A_269 : vector<256x768xf32>
      %get3A_271 = arith.constant 0 : index
      %get3A_272 = arith.constant 0 : index
      %get3A_273 = vector.load %arg14[%get3A_271, %get3A_272] : memref<768x1024xf32, #tpu.memory_space<vmem>>, vector<768x1024xf32>
      %dot_general3A_274 = arith.constant dense<0.000000e+00> : vector<256x1024xf32>
      %dot_general3A_275 = tpu.matmul %mul3A_270, %get3A_273, %dot_general3A_274 {dimension_numbers = #tpu.dot_dimension_numbers<[1], [0], [0], [1], [0, 0, 1, 1], [], []>, transpose_lhs_hint = false} : vector<256x768xf32>, vector<768x1024xf32>, vector<256x1024xf32> -> vector<256x1024xf32>
      %get3A_276 = arith.constant 0 : index
      %get3A_277 = arith.constant 0 : index
      %get3A_278 = vector.load %arg15[%get3A_276, %get3A_277] : memref<768x1024xf32, #tpu.memory_space<vmem>>, vector<768x1024xf32>
      %dot_general3A_279 = arith.constant dense<0.000000e+00> : vector<256x1024xf32>
      %dot_general3A_280 = tpu.matmul %mul3A_270, %get3A_278, %dot_general3A_279 {dimension_numbers = #tpu.dot_dimension_numbers<[1], [0], [0], [1], [0, 0, 1, 1], [], []>, transpose_lhs_hint = false} : vector<256x768xf32>, vector<768x1024xf32>, vector<256x1024xf32> -> vector<256x1024xf32>
      %neg3A = arith.constant 0.000000e+00 : f32
      %neg3A_281 = vector.broadcast %neg3A : f32 to vector<256x1024xf32>
      %neg3A_282 = arith.subf %neg3A_281, %dot_general3A_275 : vector<256x1024xf32>
      %exp3A_283 = math.exp %neg3A_282 : vector<256x1024xf32>
      %add3A_284 = arith.constant 1.000000e+00 : f32
      %add3A_285 = vector.broadcast %add3A_284 : f32 to vector<256x1024xf32>
      %add3A_286 = arith.addf %add3A_285, %exp3A_283 : vector<256x1024xf32>
      %div3A_287 = arith.constant 1.000000e+00 : f32
      %div3A_288 = vector.broadcast %div3A_287 : f32 to vector<256x1024xf32>
      %div3A_289 = arith.divf %div3A_288, %add3A_286 : vector<256x1024xf32>
      %mul3A_290 = arith.mulf %dot_general3A_275, %div3A_289 : vector<256x1024xf32>
      %mul3A_291 = arith.mulf %mul3A_290, %dot_general3A_280 : vector<256x1024xf32>
      %get3A_292 = arith.constant 0 : index
      %get3A_293 = arith.constant 0 : index
      %get3A_294 = vector.load %arg16[%get3A_292, %get3A_293] : memref<1024x768xf32, #tpu.memory_space<vmem>>, vector<1024x768xf32>
      %dot_general3A_295 = arith.constant dense<0.000000e+00> : vector<256x768xf32>
      %dot_general3A_296 = tpu.matmul %mul3A_291, %get3A_294, %dot_general3A_295 {dimension_numbers = #tpu.dot_dimension_numbers<[1], [0], [0], [1], [0, 0, 1, 1], [], []>, transpose_lhs_hint = false} : vector<256x1024xf32>, vector<1024x768xf32>, vector<256x768xf32> -> vector<256x768xf32>
      %add3A_297 = arith.addf %add3A, %dot_general3A_296 : vector<256x768xf32>
      %swap3A = arith.constant 0 : index
      %swap3A_298 = arith.constant 0 : index
      %swap3A_299 = vector.load %arg20[%swap3A, %swap3A_298] : memref<256x768xf32, #tpu.memory_space<vmem>>, vector<256x768xf32>
      tpu.vector_store %arg20[%swap3A, %swap3A_298], %add3A_297 {strides = array<i32>} : memref<256x768xf32, #tpu.memory_space<vmem>>, vector<256x768xf32>,
      %swap3A_300 = arith.constant 0 : index
      %swap3A_301 = arith.constant 0 : index
      %swap3A_302 = vector.load %arg21[%swap3A_300, %swap3A_301] : memref<256x768xf32, #tpu.memory_space<vmem>>, vector<256x768xf32>
      tpu.vector_store %arg21[%swap3A_300, %swap3A_301], %mul3A_270 {strides = array<i32>} : memref<256x768xf32, #tpu.memory_space<vmem>>, vector<256x768xf32>,
      %get3A_303 = arith.constant 0 : index
      %get3A_304 = arith.constant 0 : index
      %get3A_305 = vector.load %arg17[%get3A_303, %get3A_304] : memref<768x128xf32, #tpu.memory_space<vmem>>, vector<768x128xf32>
      %dot_general3A_306 = arith.constant dense<0.000000e+00> : vector<256x128xf32>
      %dot_general3A_307 = tpu.matmul %mul3A_270, %get3A_305, %dot_general3A_306 {dimension_numbers = #tpu.dot_dimension_numbers<[1], [0], [0], [1], [0, 0, 1, 1], [], []>, transpose_lhs_hint = false} : vector<256x768xf32>, vector<768x128xf32>, vector<256x128xf32> -> vector<256x128xf32>
      %get3A_308 = arith.constant 0 : index
      %get3A_309 = arith.constant 0 : index
      %get3A_310 = vector.load %arg18[%get3A_308, %get3A_309] : memref<8x128xf32, #tpu.memory_space<vmem>>, vector<1x128xf32>
      %mul3A_311 = vector.broadcast %get3A_310 : vector<1x128xf32> to vector<256x128xf32>
      %mul3A_312 = arith.mulf %dot_general3A_307, %mul3A_311 : vector<256x128xf32>
      %get3A_313 = arith.constant 0 : index
      %get3A_314 = arith.constant 0 : index
      %get3A_315 = vector.load %arg19[%get3A_313, %get3A_314] : memref<8x128xf32, #tpu.memory_space<vmem>>, vector<1x128xf32>
      %add3A_316 = vector.broadcast %get3A_315 : vector<1x128xf32> to vector<256x128xf32>
      %add3A_317 = arith.addf %mul3A_312, %add3A_316 : vector<256x128xf32>
      %swap3A_318 = arith.constant 0 : index
      %swap3A_319 = arith.constant 0 : index
      %swap3A_320 = vector.load %arg22[%swap3A_318, %swap3A_319] : memref<256x128xf32, #tpu.memory_space<vmem>>, vector<256x128xf32>
      tpu.vector_store %arg22[%swap3A_318, %swap3A_319], %add3A_317 {strides = array<i32>} : memref<256x128xf32, #tpu.memory_space<vmem>>, vector<256x128xf32>,
    } else {
    }
    return
  }
  func.func @transform_0(%arg0: i32) -> (i32, i32) {
    %min3A = arith.constant 7 : i32
    %min3A_0 = arith.minsi %arg0, %min3A : i32
    %c0_i32 = arith.constant 0 : i32
    %c0_i32_1 = arith.constant 0 : i32
    return %min3A_0, %c0_i32 : i32, i32
  }
  func.func @transform_1(%arg0: i32) -> (i32, i32) {
    %sub3A = arith.constant 8 : i32
    %sub3A_0 = arith.subi %arg0, %sub3A : i32
    %max3A = arith.constant 0 : i32
    %max3A_1 = arith.maxsi %sub3A_0, %max3A : i32
    %c0_i32 = arith.constant 0 : i32
    %c0_i32_2 = arith.constant 0 : i32
    return %max3A_1, %c0_i32 : i32, i32
  }
  func.func @transform_2(%arg0: i32) -> (i32, i32) {
    %c0_i32 = arith.constant 0 : i32
    %c0_i32_0 = arith.constant 0 : i32
    %c0_i32_1 = arith.constant 0 : i32
    return %c0_i32, %c0_i32_0 : i32, i32
  }
  func.func @transform_3(%arg0: i32) -> (i32, i32) {
    %c0_i32 = arith.constant 0 : i32
    %c0_i32_0 = arith.constant 0 : i32
    %c0_i32_1 = arith.constant 0 : i32
    return %c0_i32, %c0_i32_0 : i32, i32
  }
  func.func @transform_4(%arg0: i32) -> (i32, i32) {
    %c0_i32 = arith.constant 0 : i32
    %c0_i32_0 = arith.constant 0 : i32
    %c0_i32_1 = arith.constant 0 : i32
    return %c0_i32, %c0_i32_0 : i32, i32
  }
  func.func @transform_5(%arg0: i32) -> (i32, i32) {
    %c0_i32 = arith.constant 0 : i32
    %c0_i32_0 = arith.constant 0 : i32
    %c0_i32_1 = arith.constant 0 : i32
    return %c0_i32, %c0_i32_0 : i32, i32
  }
  func.func @transform_6(%arg0: i32) -> (i32, i32) {
    %c0_i32 = arith.constant 0 : i32
    %c0_i32_0 = arith.constant 0 : i32
    %c0_i32_1 = arith.constant 0 : i32
    return %c0_i32, %c0_i32_0 : i32, i32
  }
  func.func @transform_7(%arg0: i32) -> (i32, i32) {
    %c0_i32 = arith.constant 0 : i32
    %c0_i32_0 = arith.constant 0 : i32
    %c0_i32_1 = arith.constant 0 : i32
    return %c0_i32, %c0_i32_0 : i32, i32
  }
  func.func @transform_8(%arg0: i32) -> (i32, i32) {
    %min3A = arith.constant 7 : i32
    %min3A_0 = arith.minsi %arg0, %min3A : i32
    %c0_i32 = arith.constant 0 : i32
    %c0_i32_1 = arith.constant 0 : i32
    return %min3A_0, %c0_i32 : i32, i32
  }
  func.func @transform_9(%arg0: i32) -> (i32, i32) {
    %min3A = arith.constant 7 : i32
    %min3A_0 = arith.minsi %arg0, %min3A : i32
    %c0_i32 = arith.constant 0 : i32
    %c0_i32_1 = arith.constant 0 : i32
    return %min3A_0, %c0_i32 : i32, i32
  }
  func.func @transform_10(%arg0: i32) -> (i32, i32) {
    %c0_i32 = arith.constant 0 : i32
    %c0_i32_0 = arith.constant 0 : i32
    %c0_i32_1 = arith.constant 0 : i32
    return %c0_i32, %c0_i32_0 : i32, i32
  }
  func.func @transform_11(%arg0: i32) -> (i32, i32) {
    %c0_i32 = arith.constant 0 : i32
    %c0_i32_0 = arith.constant 0 : i32
    %c0_i32_1 = arith.constant 0 : i32
    return %c0_i32, %c0_i32_0 : i32, i32
  }
  func.func @transform_12(%arg0: i32) -> (i32, i32) {
    %c0_i32 = arith.constant 0 : i32
    %c0_i32_0 = arith.constant 0 : i32
    %c0_i32_1 = arith.constant 0 : i32
    return %c0_i32, %c0_i32_0 : i32, i32
  }
  func.func @transform_13(%arg0: i32) -> (i32, i32) {
    %c0_i32 = arith.constant 0 : i32
    %c0_i32_0 = arith.constant 0 : i32
    %c0_i32_1 = arith.constant 0 : i32
    return %c0_i32, %c0_i32_0 : i32, i32
  }
  func.func @transform_14(%arg0: i32) -> (i32, i32) {
    %c0_i32 = arith.constant 0 : i32
    %c0_i32_0 = arith.constant 0 : i32
    %c0_i32_1 = arith.constant 0 : i32
    return %c0_i32, %c0_i32_0 : i32, i32
  }
  func.func @transform_15(%arg0: i32) -> (i32, i32) {
    %c0_i32 = arith.constant 0 : i32
    %c0_i32_0 = arith.constant 0 : i32
    %c0_i32_1 = arith.constant 0 : i32
    return %c0_i32, %c0_i32_0 : i32, i32
  }
  func.func @transform_16(%arg0: i32) -> (i32, i32) {
    %c0_i32 = arith.constant 0 : i32
    %c0_i32_0 = arith.constant 0 : i32
    %c0_i32_1 = arith.constant 0 : i32
    return %c0_i32, %c0_i32_0 : i32, i32
  }
  func.func @transform_17(%arg0: i32) -> (i32, i32) {
    %c0_i32 = arith.constant 0 : i32
    %c0_i32_0 = arith.constant 0 : i32
    %c0_i32_1 = arith.constant 0 : i32
    return %c0_i32, %c0_i32_0 : i32, i32
  }
  func.func @transform_18(%arg0: i32) -> (i32, i32) {
    %c0_i32 = arith.constant 0 : i32
    %c0_i32_0 = arith.constant 0 : i32
    %c0_i32_1 = arith.constant 0 : i32
    return %c0_i32, %c0_i32_0 : i32, i32
  }
  func.func @transform_19(%arg0: i32) -> (i32, i32) {
    %sub3A = arith.constant 8 : i32
    %sub3A_0 = arith.subi %arg0, %sub3A : i32
    %max3A = arith.constant 0 : i32
    %max3A_1 = arith.maxsi %sub3A_0, %max3A : i32
    %c0_i32 = arith.constant 0 : i32
    %c0_i32_2 = arith.constant 0 : i32
    return %max3A_1, %c0_i32 : i32, i32
  }
  func.func @transform_20(%arg0: i32) -> (i32, i32) {
    %sub3A = arith.constant 8 : i32
    %sub3A_0 = arith.subi %arg0, %sub3A : i32
    %max3A = arith.constant 0 : i32
    %max3A_1 = arith.maxsi %sub3A_0, %max3A : i32
    %c0_i32 = arith.constant 0 : i32
    %c0_i32_2 = arith.constant 0 : i32
    return %max3A_1, %c0_i32 : i32, i32
  }
  func.func @transform_21(%arg0: i32) -> (i32, i32) {
    %sub3A = arith.constant 8 : i32
    %sub3A_0 = arith.subi %arg0, %sub3A : i32
    %max3A = arith.constant 0 : i32
    %max3A_1 = arith.maxsi %sub3A_0, %max3A : i32
    %c0_i32 = arith.constant 0 : i32
    %c0_i32_2 = arith.constant 0 : i32
    return %max3A_1, %c0_i32 : i32, i32
  }
}

module attributes {stable_mosaic.version = 14 : i64} {
  func.func @_dispatch_kernel(%arg0: memref<2048x128xf32, #tpu.memory_space<vmem>>, %arg1: memref<16x128xi32, #tpu.memory_space<vmem>>, %arg2: memref<16x128xf32, #tpu.memory_space<vmem>>, %arg3: memref<8x128xi32, #tpu.memory_space<vmem>>) attributes {dimension_semantics = [], scalar_prefetch = 0 : i64, scratch_operands = 0 : i64, tpu.core_type = #tpu.core_type<tc>} {
    %iota3A = tpu.iota {dimensions = array<i32: 1>} : vector<1x128xi32>
    %convert_element_type3A = arith.sitofp %iota3A : vector<1x128xi32> to vector<1x128xf32>
    %iota3A_0 = tpu.iota {dimensions = array<i32: 1>} : vector<128x128xi32>
    %convert_element_type3A_1 = arith.sitofp %iota3A_0 : vector<128x128xi32> to vector<128x128xf32>
    %iota3A_2 = tpu.iota {dimensions = array<i32: 0>} : vector<128x128xi32>
    %convert_element_type3A_3 = arith.sitofp %iota3A_2 : vector<128x128xi32> to vector<128x128xf32>
    %ge3A = arith.cmpf oge, %convert_element_type3A_3, %convert_element_type3A_1 : vector<128x128xf32>
    %convert_element_type3A_4 = arith.extui %ge3A : vector<128x128xi1> to vector<128x128xi32>
    %convert_element_type3A_5 = arith.sitofp %convert_element_type3A_4 : vector<128x128xi32> to vector<128x128xf32>
    %lt3A = arith.cmpf olt, %convert_element_type3A_3, %convert_element_type3A_1 : vector<128x128xf32>
    %convert_element_type3A_6 = arith.extui %lt3A : vector<128x128xi1> to vector<128x128xi32>
    %convert_element_type3A_7 = arith.sitofp %convert_element_type3A_6 : vector<128x128xi32> to vector<128x128xf32>
    %le3A = arith.cmpf ole, %convert_element_type3A_3, %convert_element_type3A_1 : vector<128x128xf32>
    %convert_element_type3A_8 = arith.extui %le3A : vector<128x128xi1> to vector<128x128xi32>
    %convert_element_type3A_9 = arith.sitofp %convert_element_type3A_8 : vector<128x128xi32> to vector<128x128xf32>
    %eq3A = arith.cmpf oeq, %convert_element_type3A_3, %convert_element_type3A_1 : vector<128x128xf32>
    %convert_element_type3A_10 = arith.extui %eq3A : vector<128x128xi1> to vector<128x128xi32>
    %convert_element_type3A_11 = arith.sitofp %convert_element_type3A_10 : vector<128x128xi32> to vector<128x128xf32>
    %broadcast_in_dim3A = arith.constant 0.000000e+00 : f32
    %broadcast_in_dim3A_12 = vector.broadcast %broadcast_in_dim3A : f32 to vector<1x128xf32>
    %get3A = arith.constant 0 : index
    %get3A_13 = arith.constant 0 : index
    %get3A_14 = vector.load %arg0[%get3A, %get3A_13] : memref<2048x128xf32, #tpu.memory_space<vmem>>, vector<128x128xf32>
    %reduce_max3A = arith.constant dense<0xFF800000> : vector<128xf32>
    %reduce_max3A_15 = vector.multi_reduction <maximumf>, %get3A_14, %reduce_max3A [1] : vector<128x128xf32> to vector<128xf32>
    %broadcast_in_dim3A_16 = vector.shape_cast %reduce_max3A_15 : vector<128xf32> to vector<128x1xf32>
    %ge3A_17 = vector.broadcast %broadcast_in_dim3A_16 : vector<128x1xf32> to vector<128x128xf32>
    %ge3A_18 = arith.cmpf oge, %get3A_14, %ge3A_17 : vector<128x128xf32>
    %jit3A = arith.constant 1.000000e+09 : f32
    %broadcast_in_dim3A_19 = vector.broadcast %jit3A : f32 to vector<128x128xf32>
    %select_n3A = arith.select %ge3A_18, %convert_element_type3A_1, %broadcast_in_dim3A_19 : vector<128x128xi1>, vector<128x128xf32>
    %reduce_min3A = arith.constant dense<0x7F800000> : vector<128xf32>
    %reduce_min3A_20 = vector.multi_reduction <minimumf>, %select_n3A, %reduce_min3A [1] : vector<128x128xf32> to vector<128xf32>
    %broadcast_in_dim3A_21 = vector.shape_cast %reduce_min3A_20 : vector<128xf32> to vector<128x1xf32>
    %eq3A_22 = vector.broadcast %broadcast_in_dim3A_21 : vector<128x1xf32> to vector<128x128xf32>
    %eq3A_23 = arith.cmpf oeq, %convert_element_type3A_1, %eq3A_22 : vector<128x128xf32>
    %convert_element_type3A_24 = arith.extui %eq3A_23 : vector<128x128xi1> to vector<128x128xi32>
    %convert_element_type3A_25 = arith.sitofp %convert_element_type3A_24 : vector<128x128xi32> to vector<128x128xf32>
    %dot_general3A = arith.constant dense<0.000000e+00> : vector<128x128xf32>
    %dot_general3A_26 = tpu.matmul %convert_element_type3A_5, %convert_element_type3A_25, %dot_general3A {dimension_numbers = #tpu.dot_dimension_numbers<[1], [0], [0], [1], [0, 0, 1, 1], [], []>, precision = #tpu.contract_precision<fp32>, transpose_lhs_hint = false} : vector<128x128xf32>, vector<128x128xf32>, vector<128x128xf32> -> vector<128x128xf32>
    %sub3A = arith.constant 1.000000e+00 : f32
    %sub3A_27 = vector.broadcast %sub3A : f32 to vector<128x128xf32>
    %sub3A_28 = arith.subf %dot_general3A_26, %sub3A_27 : vector<128x128xf32>
    %mul3A = arith.mulf %convert_element_type3A_25, %sub3A_28 : vector<128x128xf32>
    %reduce_sum3A = arith.constant dense<0.000000e+00> : vector<128xf32>
    %reduce_sum3A_29 = vector.multi_reduction <add>, %mul3A, %reduce_sum3A [1] : vector<128x128xf32> to vector<128xf32>
    %broadcast_in_dim3A_30 = vector.shape_cast %reduce_sum3A_29 : vector<128xf32> to vector<128x1xf32>
    %mul3A_31 = vector.broadcast %broadcast_in_dim3A_12 : vector<1x128xf32> to vector<128x128xf32>
    %mul3A_32 = arith.mulf %convert_element_type3A_25, %mul3A_31 : vector<128x128xf32>
    %reduce_sum3A_33 = arith.constant dense<0.000000e+00> : vector<128xf32>
    %reduce_sum3A_34 = vector.multi_reduction <add>, %mul3A_32, %reduce_sum3A_33 [1] : vector<128x128xf32> to vector<128xf32>
    %broadcast_in_dim3A_35 = vector.shape_cast %reduce_sum3A_34 : vector<128xf32> to vector<128x1xf32>
    %add3A = arith.addf %broadcast_in_dim3A_30, %broadcast_in_dim3A_35 : vector<128x1xf32>
    %reduce_sum3A_36 = arith.constant dense<0.000000e+00> : vector<128xf32>
    %reduce_sum3A_37 = vector.multi_reduction <add>, %convert_element_type3A_25, %reduce_sum3A_36 [0] : vector<128x128xf32> to vector<128xf32>
    %broadcast_in_dim3A_38 = vector.shape_cast %reduce_sum3A_37 : vector<128xf32> to vector<1x128xf32>
    %add3A_39 = arith.addf %broadcast_in_dim3A_12, %broadcast_in_dim3A_38 : vector<1x128xf32>
    %get3A_40 = arith.constant 128 : index
    %get3A_41 = arith.constant 0 : index
    %get3A_42 = vector.load %arg0[%get3A_40, %get3A_41] : memref<2048x128xf32, #tpu.memory_space<vmem>>, vector<128x128xf32>
    %reduce_max3A_43 = arith.constant dense<0xFF800000> : vector<128xf32>
    %reduce_max3A_44 = vector.multi_reduction <maximumf>, %get3A_42, %reduce_max3A_43 [1] : vector<128x128xf32> to vector<128xf32>
    %broadcast_in_dim3A_45 = vector.shape_cast %reduce_max3A_44 : vector<128xf32> to vector<128x1xf32>
    %ge3A_46 = vector.broadcast %broadcast_in_dim3A_45 : vector<128x1xf32> to vector<128x128xf32>
    %ge3A_47 = arith.cmpf oge, %get3A_42, %ge3A_46 : vector<128x128xf32>
    %jit3A_48 = arith.constant 1.000000e+09 : f32
    %broadcast_in_dim3A_49 = vector.broadcast %jit3A_48 : f32 to vector<128x128xf32>
    %select_n3A_50 = arith.select %ge3A_47, %convert_element_type3A_1, %broadcast_in_dim3A_49 : vector<128x128xi1>, vector<128x128xf32>
    %reduce_min3A_51 = arith.constant dense<0x7F800000> : vector<128xf32>
    %reduce_min3A_52 = vector.multi_reduction <minimumf>, %select_n3A_50, %reduce_min3A_51 [1] : vector<128x128xf32> to vector<128xf32>
    %broadcast_in_dim3A_53 = vector.shape_cast %reduce_min3A_52 : vector<128xf32> to vector<128x1xf32>
    %eq3A_54 = vector.broadcast %broadcast_in_dim3A_53 : vector<128x1xf32> to vector<128x128xf32>
    %eq3A_55 = arith.cmpf oeq, %convert_element_type3A_1, %eq3A_54 : vector<128x128xf32>
    %convert_element_type3A_56 = arith.extui %eq3A_55 : vector<128x128xi1> to vector<128x128xi32>
    %convert_element_type3A_57 = arith.sitofp %convert_element_type3A_56 : vector<128x128xi32> to vector<128x128xf32>
    %dot_general3A_58 = arith.constant dense<0.000000e+00> : vector<128x128xf32>
    %dot_general3A_59 = tpu.matmul %convert_element_type3A_5, %convert_element_type3A_57, %dot_general3A_58 {dimension_numbers = #tpu.dot_dimension_numbers<[1], [0], [0], [1], [0, 0, 1, 1], [], []>, precision = #tpu.contract_precision<fp32>, transpose_lhs_hint = false} : vector<128x128xf32>, vector<128x128xf32>, vector<128x128xf32> -> vector<128x128xf32>
    %sub3A_60 = arith.constant 1.000000e+00 : f32
    %sub3A_61 = vector.broadcast %sub3A_60 : f32 to vector<128x128xf32>
    %sub3A_62 = arith.subf %dot_general3A_59, %sub3A_61 : vector<128x128xf32>
    %mul3A_63 = arith.mulf %convert_element_type3A_57, %sub3A_62 : vector<128x128xf32>
    %reduce_sum3A_64 = arith.constant dense<0.000000e+00> : vector<128xf32>
    %reduce_sum3A_65 = vector.multi_reduction <add>, %mul3A_63, %reduce_sum3A_64 [1] : vector<128x128xf32> to vector<128xf32>
    %broadcast_in_dim3A_66 = vector.shape_cast %reduce_sum3A_65 : vector<128xf32> to vector<128x1xf32>
    %mul3A_67 = vector.broadcast %add3A_39 : vector<1x128xf32> to vector<128x128xf32>
    %mul3A_68 = arith.mulf %convert_element_type3A_57, %mul3A_67 : vector<128x128xf32>
    %reduce_sum3A_69 = arith.constant dense<0.000000e+00> : vector<128xf32>
    %reduce_sum3A_70 = vector.multi_reduction <add>, %mul3A_68, %reduce_sum3A_69 [1] : vector<128x128xf32> to vector<128xf32>
    %broadcast_in_dim3A_71 = vector.shape_cast %reduce_sum3A_70 : vector<128xf32> to vector<128x1xf32>
    %add3A_72 = arith.addf %broadcast_in_dim3A_66, %broadcast_in_dim3A_71 : vector<128x1xf32>
    %reduce_sum3A_73 = arith.constant dense<0.000000e+00> : vector<128xf32>
    %reduce_sum3A_74 = vector.multi_reduction <add>, %convert_element_type3A_57, %reduce_sum3A_73 [0] : vector<128x128xf32> to vector<128xf32>
    %broadcast_in_dim3A_75 = vector.shape_cast %reduce_sum3A_74 : vector<128xf32> to vector<1x128xf32>
    %add3A_76 = arith.addf %add3A_39, %broadcast_in_dim3A_75 : vector<1x128xf32>
    %get3A_77 = arith.constant 256 : index
    %get3A_78 = arith.constant 0 : index
    %get3A_79 = vector.load %arg0[%get3A_77, %get3A_78] : memref<2048x128xf32, #tpu.memory_space<vmem>>, vector<128x128xf32>
    %reduce_max3A_80 = arith.constant dense<0xFF800000> : vector<128xf32>
    %reduce_max3A_81 = vector.multi_reduction <maximumf>, %get3A_79, %reduce_max3A_80 [1] : vector<128x128xf32> to vector<128xf32>
    %broadcast_in_dim3A_82 = vector.shape_cast %reduce_max3A_81 : vector<128xf32> to vector<128x1xf32>
    %ge3A_83 = vector.broadcast %broadcast_in_dim3A_82 : vector<128x1xf32> to vector<128x128xf32>
    %ge3A_84 = arith.cmpf oge, %get3A_79, %ge3A_83 : vector<128x128xf32>
    %jit3A_85 = arith.constant 1.000000e+09 : f32
    %broadcast_in_dim3A_86 = vector.broadcast %jit3A_85 : f32 to vector<128x128xf32>
    %select_n3A_87 = arith.select %ge3A_84, %convert_element_type3A_1, %broadcast_in_dim3A_86 : vector<128x128xi1>, vector<128x128xf32>
    %reduce_min3A_88 = arith.constant dense<0x7F800000> : vector<128xf32>
    %reduce_min3A_89 = vector.multi_reduction <minimumf>, %select_n3A_87, %reduce_min3A_88 [1] : vector<128x128xf32> to vector<128xf32>
    %broadcast_in_dim3A_90 = vector.shape_cast %reduce_min3A_89 : vector<128xf32> to vector<128x1xf32>
    %eq3A_91 = vector.broadcast %broadcast_in_dim3A_90 : vector<128x1xf32> to vector<128x128xf32>
    %eq3A_92 = arith.cmpf oeq, %convert_element_type3A_1, %eq3A_91 : vector<128x128xf32>
    %convert_element_type3A_93 = arith.extui %eq3A_92 : vector<128x128xi1> to vector<128x128xi32>
    %convert_element_type3A_94 = arith.sitofp %convert_element_type3A_93 : vector<128x128xi32> to vector<128x128xf32>
    %dot_general3A_95 = arith.constant dense<0.000000e+00> : vector<128x128xf32>
    %dot_general3A_96 = tpu.matmul %convert_element_type3A_5, %convert_element_type3A_94, %dot_general3A_95 {dimension_numbers = #tpu.dot_dimension_numbers<[1], [0], [0], [1], [0, 0, 1, 1], [], []>, precision = #tpu.contract_precision<fp32>, transpose_lhs_hint = false} : vector<128x128xf32>, vector<128x128xf32>, vector<128x128xf32> -> vector<128x128xf32>
    %sub3A_97 = arith.constant 1.000000e+00 : f32
    %sub3A_98 = vector.broadcast %sub3A_97 : f32 to vector<128x128xf32>
    %sub3A_99 = arith.subf %dot_general3A_96, %sub3A_98 : vector<128x128xf32>
    %mul3A_100 = arith.mulf %convert_element_type3A_94, %sub3A_99 : vector<128x128xf32>
    %reduce_sum3A_101 = arith.constant dense<0.000000e+00> : vector<128xf32>
    %reduce_sum3A_102 = vector.multi_reduction <add>, %mul3A_100, %reduce_sum3A_101 [1] : vector<128x128xf32> to vector<128xf32>
    %broadcast_in_dim3A_103 = vector.shape_cast %reduce_sum3A_102 : vector<128xf32> to vector<128x1xf32>
    %mul3A_104 = vector.broadcast %add3A_76 : vector<1x128xf32> to vector<128x128xf32>
    %mul3A_105 = arith.mulf %convert_element_type3A_94, %mul3A_104 : vector<128x128xf32>
    %reduce_sum3A_106 = arith.constant dense<0.000000e+00> : vector<128xf32>
    %reduce_sum3A_107 = vector.multi_reduction <add>, %mul3A_105, %reduce_sum3A_106 [1] : vector<128x128xf32> to vector<128xf32>
    %broadcast_in_dim3A_108 = vector.shape_cast %reduce_sum3A_107 : vector<128xf32> to vector<128x1xf32>
    %add3A_109 = arith.addf %broadcast_in_dim3A_103, %broadcast_in_dim3A_108 : vector<128x1xf32>
    %reduce_sum3A_110 = arith.constant dense<0.000000e+00> : vector<128xf32>
    %reduce_sum3A_111 = vector.multi_reduction <add>, %convert_element_type3A_94, %reduce_sum3A_110 [0] : vector<128x128xf32> to vector<128xf32>
    %broadcast_in_dim3A_112 = vector.shape_cast %reduce_sum3A_111 : vector<128xf32> to vector<1x128xf32>
    %add3A_113 = arith.addf %add3A_76, %broadcast_in_dim3A_112 : vector<1x128xf32>
    %get3A_114 = arith.constant 384 : index
    %get3A_115 = arith.constant 0 : index
    %get3A_116 = vector.load %arg0[%get3A_114, %get3A_115] : memref<2048x128xf32, #tpu.memory_space<vmem>>, vector<128x128xf32>
    %reduce_max3A_117 = arith.constant dense<0xFF800000> : vector<128xf32>
    %reduce_max3A_118 = vector.multi_reduction <maximumf>, %get3A_116, %reduce_max3A_117 [1] : vector<128x128xf32> to vector<128xf32>
    %broadcast_in_dim3A_119 = vector.shape_cast %reduce_max3A_118 : vector<128xf32> to vector<128x1xf32>
    %ge3A_120 = vector.broadcast %broadcast_in_dim3A_119 : vector<128x1xf32> to vector<128x128xf32>
    %ge3A_121 = arith.cmpf oge, %get3A_116, %ge3A_120 : vector<128x128xf32>
    %jit3A_122 = arith.constant 1.000000e+09 : f32
    %broadcast_in_dim3A_123 = vector.broadcast %jit3A_122 : f32 to vector<128x128xf32>
    %select_n3A_124 = arith.select %ge3A_121, %convert_element_type3A_1, %broadcast_in_dim3A_123 : vector<128x128xi1>, vector<128x128xf32>
    %reduce_min3A_125 = arith.constant dense<0x7F800000> : vector<128xf32>
    %reduce_min3A_126 = vector.multi_reduction <minimumf>, %select_n3A_124, %reduce_min3A_125 [1] : vector<128x128xf32> to vector<128xf32>
    %broadcast_in_dim3A_127 = vector.shape_cast %reduce_min3A_126 : vector<128xf32> to vector<128x1xf32>
    %eq3A_128 = vector.broadcast %broadcast_in_dim3A_127 : vector<128x1xf32> to vector<128x128xf32>
    %eq3A_129 = arith.cmpf oeq, %convert_element_type3A_1, %eq3A_128 : vector<128x128xf32>
    %convert_element_type3A_130 = arith.extui %eq3A_129 : vector<128x128xi1> to vector<128x128xi32>
    %convert_element_type3A_131 = arith.sitofp %convert_element_type3A_130 : vector<128x128xi32> to vector<128x128xf32>
    %dot_general3A_132 = arith.constant dense<0.000000e+00> : vector<128x128xf32>
    %dot_general3A_133 = tpu.matmul %convert_element_type3A_5, %convert_element_type3A_131, %dot_general3A_132 {dimension_numbers = #tpu.dot_dimension_numbers<[1], [0], [0], [1], [0, 0, 1, 1], [], []>, precision = #tpu.contract_precision<fp32>, transpose_lhs_hint = false} : vector<128x128xf32>, vector<128x128xf32>, vector<128x128xf32> -> vector<128x128xf32>
    %sub3A_134 = arith.constant 1.000000e+00 : f32
    %sub3A_135 = vector.broadcast %sub3A_134 : f32 to vector<128x128xf32>
    %sub3A_136 = arith.subf %dot_general3A_133, %sub3A_135 : vector<128x128xf32>
    %mul3A_137 = arith.mulf %convert_element_type3A_131, %sub3A_136 : vector<128x128xf32>
    %reduce_sum3A_138 = arith.constant dense<0.000000e+00> : vector<128xf32>
    %reduce_sum3A_139 = vector.multi_reduction <add>, %mul3A_137, %reduce_sum3A_138 [1] : vector<128x128xf32> to vector<128xf32>
    %broadcast_in_dim3A_140 = vector.shape_cast %reduce_sum3A_139 : vector<128xf32> to vector<128x1xf32>
    %mul3A_141 = vector.broadcast %add3A_113 : vector<1x128xf32> to vector<128x128xf32>
    %mul3A_142 = arith.mulf %convert_element_type3A_131, %mul3A_141 : vector<128x128xf32>
    %reduce_sum3A_143 = arith.constant dense<0.000000e+00> : vector<128xf32>
    %reduce_sum3A_144 = vector.multi_reduction <add>, %mul3A_142, %reduce_sum3A_143 [1] : vector<128x128xf32> to vector<128xf32>
    %broadcast_in_dim3A_145 = vector.shape_cast %reduce_sum3A_144 : vector<128xf32> to vector<128x1xf32>
    %add3A_146 = arith.addf %broadcast_in_dim3A_140, %broadcast_in_dim3A_145 : vector<128x1xf32>
    %reduce_sum3A_147 = arith.constant dense<0.000000e+00> : vector<128xf32>
    %reduce_sum3A_148 = vector.multi_reduction <add>, %convert_element_type3A_131, %reduce_sum3A_147 [0] : vector<128x128xf32> to vector<128xf32>
    %broadcast_in_dim3A_149 = vector.shape_cast %reduce_sum3A_148 : vector<128xf32> to vector<1x128xf32>
    %add3A_150 = arith.addf %add3A_113, %broadcast_in_dim3A_149 : vector<1x128xf32>
    %get3A_151 = arith.constant 512 : index
    %get3A_152 = arith.constant 0 : index
    %get3A_153 = vector.load %arg0[%get3A_151, %get3A_152] : memref<2048x128xf32, #tpu.memory_space<vmem>>, vector<128x128xf32>
    %reduce_max3A_154 = arith.constant dense<0xFF800000> : vector<128xf32>
    %reduce_max3A_155 = vector.multi_reduction <maximumf>, %get3A_153, %reduce_max3A_154 [1] : vector<128x128xf32> to vector<128xf32>
    %broadcast_in_dim3A_156 = vector.shape_cast %reduce_max3A_155 : vector<128xf32> to vector<128x1xf32>
    %ge3A_157 = vector.broadcast %broadcast_in_dim3A_156 : vector<128x1xf32> to vector<128x128xf32>
    %ge3A_158 = arith.cmpf oge, %get3A_153, %ge3A_157 : vector<128x128xf32>
    %jit3A_159 = arith.constant 1.000000e+09 : f32
    %broadcast_in_dim3A_160 = vector.broadcast %jit3A_159 : f32 to vector<128x128xf32>
    %select_n3A_161 = arith.select %ge3A_158, %convert_element_type3A_1, %broadcast_in_dim3A_160 : vector<128x128xi1>, vector<128x128xf32>
    %reduce_min3A_162 = arith.constant dense<0x7F800000> : vector<128xf32>
    %reduce_min3A_163 = vector.multi_reduction <minimumf>, %select_n3A_161, %reduce_min3A_162 [1] : vector<128x128xf32> to vector<128xf32>
    %broadcast_in_dim3A_164 = vector.shape_cast %reduce_min3A_163 : vector<128xf32> to vector<128x1xf32>
    %eq3A_165 = vector.broadcast %broadcast_in_dim3A_164 : vector<128x1xf32> to vector<128x128xf32>
    %eq3A_166 = arith.cmpf oeq, %convert_element_type3A_1, %eq3A_165 : vector<128x128xf32>
    %convert_element_type3A_167 = arith.extui %eq3A_166 : vector<128x128xi1> to vector<128x128xi32>
    %convert_element_type3A_168 = arith.sitofp %convert_element_type3A_167 : vector<128x128xi32> to vector<128x128xf32>
    %dot_general3A_169 = arith.constant dense<0.000000e+00> : vector<128x128xf32>
    %dot_general3A_170 = tpu.matmul %convert_element_type3A_5, %convert_element_type3A_168, %dot_general3A_169 {dimension_numbers = #tpu.dot_dimension_numbers<[1], [0], [0], [1], [0, 0, 1, 1], [], []>, precision = #tpu.contract_precision<fp32>, transpose_lhs_hint = false} : vector<128x128xf32>, vector<128x128xf32>, vector<128x128xf32> -> vector<128x128xf32>
    %sub3A_171 = arith.constant 1.000000e+00 : f32
    %sub3A_172 = vector.broadcast %sub3A_171 : f32 to vector<128x128xf32>
    %sub3A_173 = arith.subf %dot_general3A_170, %sub3A_172 : vector<128x128xf32>
    %mul3A_174 = arith.mulf %convert_element_type3A_168, %sub3A_173 : vector<128x128xf32>
    %reduce_sum3A_175 = arith.constant dense<0.000000e+00> : vector<128xf32>
    %reduce_sum3A_176 = vector.multi_reduction <add>, %mul3A_174, %reduce_sum3A_175 [1] : vector<128x128xf32> to vector<128xf32>
    %broadcast_in_dim3A_177 = vector.shape_cast %reduce_sum3A_176 : vector<128xf32> to vector<128x1xf32>
    %mul3A_178 = vector.broadcast %add3A_150 : vector<1x128xf32> to vector<128x128xf32>
    %mul3A_179 = arith.mulf %convert_element_type3A_168, %mul3A_178 : vector<128x128xf32>
    %reduce_sum3A_180 = arith.constant dense<0.000000e+00> : vector<128xf32>
    %reduce_sum3A_181 = vector.multi_reduction <add>, %mul3A_179, %reduce_sum3A_180 [1] : vector<128x128xf32> to vector<128xf32>
    %broadcast_in_dim3A_182 = vector.shape_cast %reduce_sum3A_181 : vector<128xf32> to vector<128x1xf32>
    %add3A_183 = arith.addf %broadcast_in_dim3A_177, %broadcast_in_dim3A_182 : vector<128x1xf32>
    %reduce_sum3A_184 = arith.constant dense<0.000000e+00> : vector<128xf32>
    %reduce_sum3A_185 = vector.multi_reduction <add>, %convert_element_type3A_168, %reduce_sum3A_184 [0] : vector<128x128xf32> to vector<128xf32>
    %broadcast_in_dim3A_186 = vector.shape_cast %reduce_sum3A_185 : vector<128xf32> to vector<1x128xf32>
    %add3A_187 = arith.addf %add3A_150, %broadcast_in_dim3A_186 : vector<1x128xf32>
    %get3A_188 = arith.constant 640 : index
    %get3A_189 = arith.constant 0 : index
    %get3A_190 = vector.load %arg0[%get3A_188, %get3A_189] : memref<2048x128xf32, #tpu.memory_space<vmem>>, vector<128x128xf32>
    %reduce_max3A_191 = arith.constant dense<0xFF800000> : vector<128xf32>
    %reduce_max3A_192 = vector.multi_reduction <maximumf>, %get3A_190, %reduce_max3A_191 [1] : vector<128x128xf32> to vector<128xf32>
    %broadcast_in_dim3A_193 = vector.shape_cast %reduce_max3A_192 : vector<128xf32> to vector<128x1xf32>
    %ge3A_194 = vector.broadcast %broadcast_in_dim3A_193 : vector<128x1xf32> to vector<128x128xf32>
    %ge3A_195 = arith.cmpf oge, %get3A_190, %ge3A_194 : vector<128x128xf32>
    %jit3A_196 = arith.constant 1.000000e+09 : f32
    %broadcast_in_dim3A_197 = vector.broadcast %jit3A_196 : f32 to vector<128x128xf32>
    %select_n3A_198 = arith.select %ge3A_195, %convert_element_type3A_1, %broadcast_in_dim3A_197 : vector<128x128xi1>, vector<128x128xf32>
    %reduce_min3A_199 = arith.constant dense<0x7F800000> : vector<128xf32>
    %reduce_min3A_200 = vector.multi_reduction <minimumf>, %select_n3A_198, %reduce_min3A_199 [1] : vector<128x128xf32> to vector<128xf32>
    %broadcast_in_dim3A_201 = vector.shape_cast %reduce_min3A_200 : vector<128xf32> to vector<128x1xf32>
    %eq3A_202 = vector.broadcast %broadcast_in_dim3A_201 : vector<128x1xf32> to vector<128x128xf32>
    %eq3A_203 = arith.cmpf oeq, %convert_element_type3A_1, %eq3A_202 : vector<128x128xf32>
    %convert_element_type3A_204 = arith.extui %eq3A_203 : vector<128x128xi1> to vector<128x128xi32>
    %convert_element_type3A_205 = arith.sitofp %convert_element_type3A_204 : vector<128x128xi32> to vector<128x128xf32>
    %dot_general3A_206 = arith.constant dense<0.000000e+00> : vector<128x128xf32>
    %dot_general3A_207 = tpu.matmul %convert_element_type3A_5, %convert_element_type3A_205, %dot_general3A_206 {dimension_numbers = #tpu.dot_dimension_numbers<[1], [0], [0], [1], [0, 0, 1, 1], [], []>, precision = #tpu.contract_precision<fp32>, transpose_lhs_hint = false} : vector<128x128xf32>, vector<128x128xf32>, vector<128x128xf32> -> vector<128x128xf32>
    %sub3A_208 = arith.constant 1.000000e+00 : f32
    %sub3A_209 = vector.broadcast %sub3A_208 : f32 to vector<128x128xf32>
    %sub3A_210 = arith.subf %dot_general3A_207, %sub3A_209 : vector<128x128xf32>
    %mul3A_211 = arith.mulf %convert_element_type3A_205, %sub3A_210 : vector<128x128xf32>
    %reduce_sum3A_212 = arith.constant dense<0.000000e+00> : vector<128xf32>
    %reduce_sum3A_213 = vector.multi_reduction <add>, %mul3A_211, %reduce_sum3A_212 [1] : vector<128x128xf32> to vector<128xf32>
    %broadcast_in_dim3A_214 = vector.shape_cast %reduce_sum3A_213 : vector<128xf32> to vector<128x1xf32>
    %mul3A_215 = vector.broadcast %add3A_187 : vector<1x128xf32> to vector<128x128xf32>
    %mul3A_216 = arith.mulf %convert_element_type3A_205, %mul3A_215 : vector<128x128xf32>
    %reduce_sum3A_217 = arith.constant dense<0.000000e+00> : vector<128xf32>
    %reduce_sum3A_218 = vector.multi_reduction <add>, %mul3A_216, %reduce_sum3A_217 [1] : vector<128x128xf32> to vector<128xf32>
    %broadcast_in_dim3A_219 = vector.shape_cast %reduce_sum3A_218 : vector<128xf32> to vector<128x1xf32>
    %add3A_220 = arith.addf %broadcast_in_dim3A_214, %broadcast_in_dim3A_219 : vector<128x1xf32>
    %reduce_sum3A_221 = arith.constant dense<0.000000e+00> : vector<128xf32>
    %reduce_sum3A_222 = vector.multi_reduction <add>, %convert_element_type3A_205, %reduce_sum3A_221 [0] : vector<128x128xf32> to vector<128xf32>
    %broadcast_in_dim3A_223 = vector.shape_cast %reduce_sum3A_222 : vector<128xf32> to vector<1x128xf32>
    %add3A_224 = arith.addf %add3A_187, %broadcast_in_dim3A_223 : vector<1x128xf32>
    %get3A_225 = arith.constant 768 : index
    %get3A_226 = arith.constant 0 : index
    %get3A_227 = vector.load %arg0[%get3A_225, %get3A_226] : memref<2048x128xf32, #tpu.memory_space<vmem>>, vector<128x128xf32>
    %reduce_max3A_228 = arith.constant dense<0xFF800000> : vector<128xf32>
    %reduce_max3A_229 = vector.multi_reduction <maximumf>, %get3A_227, %reduce_max3A_228 [1] : vector<128x128xf32> to vector<128xf32>
    %broadcast_in_dim3A_230 = vector.shape_cast %reduce_max3A_229 : vector<128xf32> to vector<128x1xf32>
    %ge3A_231 = vector.broadcast %broadcast_in_dim3A_230 : vector<128x1xf32> to vector<128x128xf32>
    %ge3A_232 = arith.cmpf oge, %get3A_227, %ge3A_231 : vector<128x128xf32>
    %jit3A_233 = arith.constant 1.000000e+09 : f32
    %broadcast_in_dim3A_234 = vector.broadcast %jit3A_233 : f32 to vector<128x128xf32>
    %select_n3A_235 = arith.select %ge3A_232, %convert_element_type3A_1, %broadcast_in_dim3A_234 : vector<128x128xi1>, vector<128x128xf32>
    %reduce_min3A_236 = arith.constant dense<0x7F800000> : vector<128xf32>
    %reduce_min3A_237 = vector.multi_reduction <minimumf>, %select_n3A_235, %reduce_min3A_236 [1] : vector<128x128xf32> to vector<128xf32>
    %broadcast_in_dim3A_238 = vector.shape_cast %reduce_min3A_237 : vector<128xf32> to vector<128x1xf32>
    %eq3A_239 = vector.broadcast %broadcast_in_dim3A_238 : vector<128x1xf32> to vector<128x128xf32>
    %eq3A_240 = arith.cmpf oeq, %convert_element_type3A_1, %eq3A_239 : vector<128x128xf32>
    %convert_element_type3A_241 = arith.extui %eq3A_240 : vector<128x128xi1> to vector<128x128xi32>
    %convert_element_type3A_242 = arith.sitofp %convert_element_type3A_241 : vector<128x128xi32> to vector<128x128xf32>
    %dot_general3A_243 = arith.constant dense<0.000000e+00> : vector<128x128xf32>
    %dot_general3A_244 = tpu.matmul %convert_element_type3A_5, %convert_element_type3A_242, %dot_general3A_243 {dimension_numbers = #tpu.dot_dimension_numbers<[1], [0], [0], [1], [0, 0, 1, 1], [], []>, precision = #tpu.contract_precision<fp32>, transpose_lhs_hint = false} : vector<128x128xf32>, vector<128x128xf32>, vector<128x128xf32> -> vector<128x128xf32>
    %sub3A_245 = arith.constant 1.000000e+00 : f32
    %sub3A_246 = vector.broadcast %sub3A_245 : f32 to vector<128x128xf32>
    %sub3A_247 = arith.subf %dot_general3A_244, %sub3A_246 : vector<128x128xf32>
    %mul3A_248 = arith.mulf %convert_element_type3A_242, %sub3A_247 : vector<128x128xf32>
    %reduce_sum3A_249 = arith.constant dense<0.000000e+00> : vector<128xf32>
    %reduce_sum3A_250 = vector.multi_reduction <add>, %mul3A_248, %reduce_sum3A_249 [1] : vector<128x128xf32> to vector<128xf32>
    %broadcast_in_dim3A_251 = vector.shape_cast %reduce_sum3A_250 : vector<128xf32> to vector<128x1xf32>
    %mul3A_252 = vector.broadcast %add3A_224 : vector<1x128xf32> to vector<128x128xf32>
    %mul3A_253 = arith.mulf %convert_element_type3A_242, %mul3A_252 : vector<128x128xf32>
    %reduce_sum3A_254 = arith.constant dense<0.000000e+00> : vector<128xf32>
    %reduce_sum3A_255 = vector.multi_reduction <add>, %mul3A_253, %reduce_sum3A_254 [1] : vector<128x128xf32> to vector<128xf32>
    %broadcast_in_dim3A_256 = vector.shape_cast %reduce_sum3A_255 : vector<128xf32> to vector<128x1xf32>
    %add3A_257 = arith.addf %broadcast_in_dim3A_251, %broadcast_in_dim3A_256 : vector<128x1xf32>
    %reduce_sum3A_258 = arith.constant dense<0.000000e+00> : vector<128xf32>
    %reduce_sum3A_259 = vector.multi_reduction <add>, %convert_element_type3A_242, %reduce_sum3A_258 [0] : vector<128x128xf32> to vector<128xf32>
    %broadcast_in_dim3A_260 = vector.shape_cast %reduce_sum3A_259 : vector<128xf32> to vector<1x128xf32>
    %add3A_261 = arith.addf %add3A_224, %broadcast_in_dim3A_260 : vector<1x128xf32>
    %get3A_262 = arith.constant 896 : index
    %get3A_263 = arith.constant 0 : index
    %get3A_264 = vector.load %arg0[%get3A_262, %get3A_263] : memref<2048x128xf32, #tpu.memory_space<vmem>>, vector<128x128xf32>
    %reduce_max3A_265 = arith.constant dense<0xFF800000> : vector<128xf32>
    %reduce_max3A_266 = vector.multi_reduction <maximumf>, %get3A_264, %reduce_max3A_265 [1] : vector<128x128xf32> to vector<128xf32>
    %broadcast_in_dim3A_267 = vector.shape_cast %reduce_max3A_266 : vector<128xf32> to vector<128x1xf32>
    %ge3A_268 = vector.broadcast %broadcast_in_dim3A_267 : vector<128x1xf32> to vector<128x128xf32>
    %ge3A_269 = arith.cmpf oge, %get3A_264, %ge3A_268 : vector<128x128xf32>
    %jit3A_270 = arith.constant 1.000000e+09 : f32
    %broadcast_in_dim3A_271 = vector.broadcast %jit3A_270 : f32 to vector<128x128xf32>
    %select_n3A_272 = arith.select %ge3A_269, %convert_element_type3A_1, %broadcast_in_dim3A_271 : vector<128x128xi1>, vector<128x128xf32>
    %reduce_min3A_273 = arith.constant dense<0x7F800000> : vector<128xf32>
    %reduce_min3A_274 = vector.multi_reduction <minimumf>, %select_n3A_272, %reduce_min3A_273 [1] : vector<128x128xf32> to vector<128xf32>
    %broadcast_in_dim3A_275 = vector.shape_cast %reduce_min3A_274 : vector<128xf32> to vector<128x1xf32>
    %eq3A_276 = vector.broadcast %broadcast_in_dim3A_275 : vector<128x1xf32> to vector<128x128xf32>
    %eq3A_277 = arith.cmpf oeq, %convert_element_type3A_1, %eq3A_276 : vector<128x128xf32>
    %convert_element_type3A_278 = arith.extui %eq3A_277 : vector<128x128xi1> to vector<128x128xi32>
    %convert_element_type3A_279 = arith.sitofp %convert_element_type3A_278 : vector<128x128xi32> to vector<128x128xf32>
    %dot_general3A_280 = arith.constant dense<0.000000e+00> : vector<128x128xf32>
    %dot_general3A_281 = tpu.matmul %convert_element_type3A_5, %convert_element_type3A_279, %dot_general3A_280 {dimension_numbers = #tpu.dot_dimension_numbers<[1], [0], [0], [1], [0, 0, 1, 1], [], []>, precision = #tpu.contract_precision<fp32>, transpose_lhs_hint = false} : vector<128x128xf32>, vector<128x128xf32>, vector<128x128xf32> -> vector<128x128xf32>
    %sub3A_282 = arith.constant 1.000000e+00 : f32
    %sub3A_283 = vector.broadcast %sub3A_282 : f32 to vector<128x128xf32>
    %sub3A_284 = arith.subf %dot_general3A_281, %sub3A_283 : vector<128x128xf32>
    %mul3A_285 = arith.mulf %convert_element_type3A_279, %sub3A_284 : vector<128x128xf32>
    %reduce_sum3A_286 = arith.constant dense<0.000000e+00> : vector<128xf32>
    %reduce_sum3A_287 = vector.multi_reduction <add>, %mul3A_285, %reduce_sum3A_286 [1] : vector<128x128xf32> to vector<128xf32>
    %broadcast_in_dim3A_288 = vector.shape_cast %reduce_sum3A_287 : vector<128xf32> to vector<128x1xf32>
    %mul3A_289 = vector.broadcast %add3A_261 : vector<1x128xf32> to vector<128x128xf32>
    %mul3A_290 = arith.mulf %convert_element_type3A_279, %mul3A_289 : vector<128x128xf32>
    %reduce_sum3A_291 = arith.constant dense<0.000000e+00> : vector<128xf32>
    %reduce_sum3A_292 = vector.multi_reduction <add>, %mul3A_290, %reduce_sum3A_291 [1] : vector<128x128xf32> to vector<128xf32>
    %broadcast_in_dim3A_293 = vector.shape_cast %reduce_sum3A_292 : vector<128xf32> to vector<128x1xf32>
    %add3A_294 = arith.addf %broadcast_in_dim3A_288, %broadcast_in_dim3A_293 : vector<128x1xf32>
    %reduce_sum3A_295 = arith.constant dense<0.000000e+00> : vector<128xf32>
    %reduce_sum3A_296 = vector.multi_reduction <add>, %convert_element_type3A_279, %reduce_sum3A_295 [0] : vector<128x128xf32> to vector<128xf32>
    %broadcast_in_dim3A_297 = vector.shape_cast %reduce_sum3A_296 : vector<128xf32> to vector<1x128xf32>
    %add3A_298 = arith.addf %add3A_261, %broadcast_in_dim3A_297 : vector<1x128xf32>
    %get3A_299 = arith.constant 1024 : index
    %get3A_300 = arith.constant 0 : index
    %get3A_301 = vector.load %arg0[%get3A_299, %get3A_300] : memref<2048x128xf32, #tpu.memory_space<vmem>>, vector<128x128xf32>
    %reduce_max3A_302 = arith.constant dense<0xFF800000> : vector<128xf32>
    %reduce_max3A_303 = vector.multi_reduction <maximumf>, %get3A_301, %reduce_max3A_302 [1] : vector<128x128xf32> to vector<128xf32>
    %broadcast_in_dim3A_304 = vector.shape_cast %reduce_max3A_303 : vector<128xf32> to vector<128x1xf32>
    %ge3A_305 = vector.broadcast %broadcast_in_dim3A_304 : vector<128x1xf32> to vector<128x128xf32>
    %ge3A_306 = arith.cmpf oge, %get3A_301, %ge3A_305 : vector<128x128xf32>
    %jit3A_307 = arith.constant 1.000000e+09 : f32
    %broadcast_in_dim3A_308 = vector.broadcast %jit3A_307 : f32 to vector<128x128xf32>
    %select_n3A_309 = arith.select %ge3A_306, %convert_element_type3A_1, %broadcast_in_dim3A_308 : vector<128x128xi1>, vector<128x128xf32>
    %reduce_min3A_310 = arith.constant dense<0x7F800000> : vector<128xf32>
    %reduce_min3A_311 = vector.multi_reduction <minimumf>, %select_n3A_309, %reduce_min3A_310 [1] : vector<128x128xf32> to vector<128xf32>
    %broadcast_in_dim3A_312 = vector.shape_cast %reduce_min3A_311 : vector<128xf32> to vector<128x1xf32>
    %eq3A_313 = vector.broadcast %broadcast_in_dim3A_312 : vector<128x1xf32> to vector<128x128xf32>
    %eq3A_314 = arith.cmpf oeq, %convert_element_type3A_1, %eq3A_313 : vector<128x128xf32>
    %convert_element_type3A_315 = arith.extui %eq3A_314 : vector<128x128xi1> to vector<128x128xi32>
    %convert_element_type3A_316 = arith.sitofp %convert_element_type3A_315 : vector<128x128xi32> to vector<128x128xf32>
    %dot_general3A_317 = arith.constant dense<0.000000e+00> : vector<128x128xf32>
    %dot_general3A_318 = tpu.matmul %convert_element_type3A_5, %convert_element_type3A_316, %dot_general3A_317 {dimension_numbers = #tpu.dot_dimension_numbers<[1], [0], [0], [1], [0, 0, 1, 1], [], []>, precision = #tpu.contract_precision<fp32>, transpose_lhs_hint = false} : vector<128x128xf32>, vector<128x128xf32>, vector<128x128xf32> -> vector<128x128xf32>
    %sub3A_319 = arith.constant 1.000000e+00 : f32
    %sub3A_320 = vector.broadcast %sub3A_319 : f32 to vector<128x128xf32>
    %sub3A_321 = arith.subf %dot_general3A_318, %sub3A_320 : vector<128x128xf32>
    %mul3A_322 = arith.mulf %convert_element_type3A_316, %sub3A_321 : vector<128x128xf32>
    %reduce_sum3A_323 = arith.constant dense<0.000000e+00> : vector<128xf32>
    %reduce_sum3A_324 = vector.multi_reduction <add>, %mul3A_322, %reduce_sum3A_323 [1] : vector<128x128xf32> to vector<128xf32>
    %broadcast_in_dim3A_325 = vector.shape_cast %reduce_sum3A_324 : vector<128xf32> to vector<128x1xf32>
    %mul3A_326 = vector.broadcast %add3A_298 : vector<1x128xf32> to vector<128x128xf32>
    %mul3A_327 = arith.mulf %convert_element_type3A_316, %mul3A_326 : vector<128x128xf32>
    %reduce_sum3A_328 = arith.constant dense<0.000000e+00> : vector<128xf32>
    %reduce_sum3A_329 = vector.multi_reduction <add>, %mul3A_327, %reduce_sum3A_328 [1] : vector<128x128xf32> to vector<128xf32>
    %broadcast_in_dim3A_330 = vector.shape_cast %reduce_sum3A_329 : vector<128xf32> to vector<128x1xf32>
    %add3A_331 = arith.addf %broadcast_in_dim3A_325, %broadcast_in_dim3A_330 : vector<128x1xf32>
    %reduce_sum3A_332 = arith.constant dense<0.000000e+00> : vector<128xf32>
    %reduce_sum3A_333 = vector.multi_reduction <add>, %convert_element_type3A_316, %reduce_sum3A_332 [0] : vector<128x128xf32> to vector<128xf32>
    %broadcast_in_dim3A_334 = vector.shape_cast %reduce_sum3A_333 : vector<128xf32> to vector<1x128xf32>
    %add3A_335 = arith.addf %add3A_298, %broadcast_in_dim3A_334 : vector<1x128xf32>
    %get3A_336 = arith.constant 1152 : index
    %get3A_337 = arith.constant 0 : index
    %get3A_338 = vector.load %arg0[%get3A_336, %get3A_337] : memref<2048x128xf32, #tpu.memory_space<vmem>>, vector<128x128xf32>
    %reduce_max3A_339 = arith.constant dense<0xFF800000> : vector<128xf32>
    %reduce_max3A_340 = vector.multi_reduction <maximumf>, %get3A_338, %reduce_max3A_339 [1] : vector<128x128xf32> to vector<128xf32>
    %broadcast_in_dim3A_341 = vector.shape_cast %reduce_max3A_340 : vector<128xf32> to vector<128x1xf32>
    %ge3A_342 = vector.broadcast %broadcast_in_dim3A_341 : vector<128x1xf32> to vector<128x128xf32>
    %ge3A_343 = arith.cmpf oge, %get3A_338, %ge3A_342 : vector<128x128xf32>
    %jit3A_344 = arith.constant 1.000000e+09 : f32
    %broadcast_in_dim3A_345 = vector.broadcast %jit3A_344 : f32 to vector<128x128xf32>
    %select_n3A_346 = arith.select %ge3A_343, %convert_element_type3A_1, %broadcast_in_dim3A_345 : vector<128x128xi1>, vector<128x128xf32>
    %reduce_min3A_347 = arith.constant dense<0x7F800000> : vector<128xf32>
    %reduce_min3A_348 = vector.multi_reduction <minimumf>, %select_n3A_346, %reduce_min3A_347 [1] : vector<128x128xf32> to vector<128xf32>
    %broadcast_in_dim3A_349 = vector.shape_cast %reduce_min3A_348 : vector<128xf32> to vector<128x1xf32>
    %eq3A_350 = vector.broadcast %broadcast_in_dim3A_349 : vector<128x1xf32> to vector<128x128xf32>
    %eq3A_351 = arith.cmpf oeq, %convert_element_type3A_1, %eq3A_350 : vector<128x128xf32>
    %convert_element_type3A_352 = arith.extui %eq3A_351 : vector<128x128xi1> to vector<128x128xi32>
    %convert_element_type3A_353 = arith.sitofp %convert_element_type3A_352 : vector<128x128xi32> to vector<128x128xf32>
    %dot_general3A_354 = arith.constant dense<0.000000e+00> : vector<128x128xf32>
    %dot_general3A_355 = tpu.matmul %convert_element_type3A_5, %convert_element_type3A_353, %dot_general3A_354 {dimension_numbers = #tpu.dot_dimension_numbers<[1], [0], [0], [1], [0, 0, 1, 1], [], []>, precision = #tpu.contract_precision<fp32>, transpose_lhs_hint = false} : vector<128x128xf32>, vector<128x128xf32>, vector<128x128xf32> -> vector<128x128xf32>
    %sub3A_356 = arith.constant 1.000000e+00 : f32
    %sub3A_357 = vector.broadcast %sub3A_356 : f32 to vector<128x128xf32>
    %sub3A_358 = arith.subf %dot_general3A_355, %sub3A_357 : vector<128x128xf32>
    %mul3A_359 = arith.mulf %convert_element_type3A_353, %sub3A_358 : vector<128x128xf32>
    %reduce_sum3A_360 = arith.constant dense<0.000000e+00> : vector<128xf32>
    %reduce_sum3A_361 = vector.multi_reduction <add>, %mul3A_359, %reduce_sum3A_360 [1] : vector<128x128xf32> to vector<128xf32>
    %broadcast_in_dim3A_362 = vector.shape_cast %reduce_sum3A_361 : vector<128xf32> to vector<128x1xf32>
    %mul3A_363 = vector.broadcast %add3A_335 : vector<1x128xf32> to vector<128x128xf32>
    %mul3A_364 = arith.mulf %convert_element_type3A_353, %mul3A_363 : vector<128x128xf32>
    %reduce_sum3A_365 = arith.constant dense<0.000000e+00> : vector<128xf32>
    %reduce_sum3A_366 = vector.multi_reduction <add>, %mul3A_364, %reduce_sum3A_365 [1] : vector<128x128xf32> to vector<128xf32>
    %broadcast_in_dim3A_367 = vector.shape_cast %reduce_sum3A_366 : vector<128xf32> to vector<128x1xf32>
    %add3A_368 = arith.addf %broadcast_in_dim3A_362, %broadcast_in_dim3A_367 : vector<128x1xf32>
    %reduce_sum3A_369 = arith.constant dense<0.000000e+00> : vector<128xf32>
    %reduce_sum3A_370 = vector.multi_reduction <add>, %convert_element_type3A_353, %reduce_sum3A_369 [0] : vector<128x128xf32> to vector<128xf32>
    %broadcast_in_dim3A_371 = vector.shape_cast %reduce_sum3A_370 : vector<128xf32> to vector<1x128xf32>
    %add3A_372 = arith.addf %add3A_335, %broadcast_in_dim3A_371 : vector<1x128xf32>
    %get3A_373 = arith.constant 1280 : index
    %get3A_374 = arith.constant 0 : index
    %get3A_375 = vector.load %arg0[%get3A_373, %get3A_374] : memref<2048x128xf32, #tpu.memory_space<vmem>>, vector<128x128xf32>
    %reduce_max3A_376 = arith.constant dense<0xFF800000> : vector<128xf32>
    %reduce_max3A_377 = vector.multi_reduction <maximumf>, %get3A_375, %reduce_max3A_376 [1] : vector<128x128xf32> to vector<128xf32>
    %broadcast_in_dim3A_378 = vector.shape_cast %reduce_max3A_377 : vector<128xf32> to vector<128x1xf32>
    %ge3A_379 = vector.broadcast %broadcast_in_dim3A_378 : vector<128x1xf32> to vector<128x128xf32>
    %ge3A_380 = arith.cmpf oge, %get3A_375, %ge3A_379 : vector<128x128xf32>
    %jit3A_381 = arith.constant 1.000000e+09 : f32
    %broadcast_in_dim3A_382 = vector.broadcast %jit3A_381 : f32 to vector<128x128xf32>
    %select_n3A_383 = arith.select %ge3A_380, %convert_element_type3A_1, %broadcast_in_dim3A_382 : vector<128x128xi1>, vector<128x128xf32>
    %reduce_min3A_384 = arith.constant dense<0x7F800000> : vector<128xf32>
    %reduce_min3A_385 = vector.multi_reduction <minimumf>, %select_n3A_383, %reduce_min3A_384 [1] : vector<128x128xf32> to vector<128xf32>
    %broadcast_in_dim3A_386 = vector.shape_cast %reduce_min3A_385 : vector<128xf32> to vector<128x1xf32>
    %eq3A_387 = vector.broadcast %broadcast_in_dim3A_386 : vector<128x1xf32> to vector<128x128xf32>
    %eq3A_388 = arith.cmpf oeq, %convert_element_type3A_1, %eq3A_387 : vector<128x128xf32>
    %convert_element_type3A_389 = arith.extui %eq3A_388 : vector<128x128xi1> to vector<128x128xi32>
    %convert_element_type3A_390 = arith.sitofp %convert_element_type3A_389 : vector<128x128xi32> to vector<128x128xf32>
    %dot_general3A_391 = arith.constant dense<0.000000e+00> : vector<128x128xf32>
    %dot_general3A_392 = tpu.matmul %convert_element_type3A_5, %convert_element_type3A_390, %dot_general3A_391 {dimension_numbers = #tpu.dot_dimension_numbers<[1], [0], [0], [1], [0, 0, 1, 1], [], []>, precision = #tpu.contract_precision<fp32>, transpose_lhs_hint = false} : vector<128x128xf32>, vector<128x128xf32>, vector<128x128xf32> -> vector<128x128xf32>
    %sub3A_393 = arith.constant 1.000000e+00 : f32
    %sub3A_394 = vector.broadcast %sub3A_393 : f32 to vector<128x128xf32>
    %sub3A_395 = arith.subf %dot_general3A_392, %sub3A_394 : vector<128x128xf32>
    %mul3A_396 = arith.mulf %convert_element_type3A_390, %sub3A_395 : vector<128x128xf32>
    %reduce_sum3A_397 = arith.constant dense<0.000000e+00> : vector<128xf32>
    %reduce_sum3A_398 = vector.multi_reduction <add>, %mul3A_396, %reduce_sum3A_397 [1] : vector<128x128xf32> to vector<128xf32>
    %broadcast_in_dim3A_399 = vector.shape_cast %reduce_sum3A_398 : vector<128xf32> to vector<128x1xf32>
    %mul3A_400 = vector.broadcast %add3A_372 : vector<1x128xf32> to vector<128x128xf32>
    %mul3A_401 = arith.mulf %convert_element_type3A_390, %mul3A_400 : vector<128x128xf32>
    %reduce_sum3A_402 = arith.constant dense<0.000000e+00> : vector<128xf32>
    %reduce_sum3A_403 = vector.multi_reduction <add>, %mul3A_401, %reduce_sum3A_402 [1] : vector<128x128xf32> to vector<128xf32>
    %broadcast_in_dim3A_404 = vector.shape_cast %reduce_sum3A_403 : vector<128xf32> to vector<128x1xf32>
    %add3A_405 = arith.addf %broadcast_in_dim3A_399, %broadcast_in_dim3A_404 : vector<128x1xf32>
    %reduce_sum3A_406 = arith.constant dense<0.000000e+00> : vector<128xf32>
    %reduce_sum3A_407 = vector.multi_reduction <add>, %convert_element_type3A_390, %reduce_sum3A_406 [0] : vector<128x128xf32> to vector<128xf32>
    %broadcast_in_dim3A_408 = vector.shape_cast %reduce_sum3A_407 : vector<128xf32> to vector<1x128xf32>
    %add3A_409 = arith.addf %add3A_372, %broadcast_in_dim3A_408 : vector<1x128xf32>
    %get3A_410 = arith.constant 1408 : index
    %get3A_411 = arith.constant 0 : index
    %get3A_412 = vector.load %arg0[%get3A_410, %get3A_411] : memref<2048x128xf32, #tpu.memory_space<vmem>>, vector<128x128xf32>
    %reduce_max3A_413 = arith.constant dense<0xFF800000> : vector<128xf32>
    %reduce_max3A_414 = vector.multi_reduction <maximumf>, %get3A_412, %reduce_max3A_413 [1] : vector<128x128xf32> to vector<128xf32>
    %broadcast_in_dim3A_415 = vector.shape_cast %reduce_max3A_414 : vector<128xf32> to vector<128x1xf32>
    %ge3A_416 = vector.broadcast %broadcast_in_dim3A_415 : vector<128x1xf32> to vector<128x128xf32>
    %ge3A_417 = arith.cmpf oge, %get3A_412, %ge3A_416 : vector<128x128xf32>
    %jit3A_418 = arith.constant 1.000000e+09 : f32
    %broadcast_in_dim3A_419 = vector.broadcast %jit3A_418 : f32 to vector<128x128xf32>
    %select_n3A_420 = arith.select %ge3A_417, %convert_element_type3A_1, %broadcast_in_dim3A_419 : vector<128x128xi1>, vector<128x128xf32>
    %reduce_min3A_421 = arith.constant dense<0x7F800000> : vector<128xf32>
    %reduce_min3A_422 = vector.multi_reduction <minimumf>, %select_n3A_420, %reduce_min3A_421 [1] : vector<128x128xf32> to vector<128xf32>
    %broadcast_in_dim3A_423 = vector.shape_cast %reduce_min3A_422 : vector<128xf32> to vector<128x1xf32>
    %eq3A_424 = vector.broadcast %broadcast_in_dim3A_423 : vector<128x1xf32> to vector<128x128xf32>
    %eq3A_425 = arith.cmpf oeq, %convert_element_type3A_1, %eq3A_424 : vector<128x128xf32>
    %convert_element_type3A_426 = arith.extui %eq3A_425 : vector<128x128xi1> to vector<128x128xi32>
    %convert_element_type3A_427 = arith.sitofp %convert_element_type3A_426 : vector<128x128xi32> to vector<128x128xf32>
    %dot_general3A_428 = arith.constant dense<0.000000e+00> : vector<128x128xf32>
    %dot_general3A_429 = tpu.matmul %convert_element_type3A_5, %convert_element_type3A_427, %dot_general3A_428 {dimension_numbers = #tpu.dot_dimension_numbers<[1], [0], [0], [1], [0, 0, 1, 1], [], []>, precision = #tpu.contract_precision<fp32>, transpose_lhs_hint = false} : vector<128x128xf32>, vector<128x128xf32>, vector<128x128xf32> -> vector<128x128xf32>
    %sub3A_430 = arith.constant 1.000000e+00 : f32
    %sub3A_431 = vector.broadcast %sub3A_430 : f32 to vector<128x128xf32>
    %sub3A_432 = arith.subf %dot_general3A_429, %sub3A_431 : vector<128x128xf32>
    %mul3A_433 = arith.mulf %convert_element_type3A_427, %sub3A_432 : vector<128x128xf32>
    %reduce_sum3A_434 = arith.constant dense<0.000000e+00> : vector<128xf32>
    %reduce_sum3A_435 = vector.multi_reduction <add>, %mul3A_433, %reduce_sum3A_434 [1] : vector<128x128xf32> to vector<128xf32>
    %broadcast_in_dim3A_436 = vector.shape_cast %reduce_sum3A_435 : vector<128xf32> to vector<128x1xf32>
    %mul3A_437 = vector.broadcast %add3A_409 : vector<1x128xf32> to vector<128x128xf32>
    %mul3A_438 = arith.mulf %convert_element_type3A_427, %mul3A_437 : vector<128x128xf32>
    %reduce_sum3A_439 = arith.constant dense<0.000000e+00> : vector<128xf32>
    %reduce_sum3A_440 = vector.multi_reduction <add>, %mul3A_438, %reduce_sum3A_439 [1] : vector<128x128xf32> to vector<128xf32>
    %broadcast_in_dim3A_441 = vector.shape_cast %reduce_sum3A_440 : vector<128xf32> to vector<128x1xf32>
    %add3A_442 = arith.addf %broadcast_in_dim3A_436, %broadcast_in_dim3A_441 : vector<128x1xf32>
    %reduce_sum3A_443 = arith.constant dense<0.000000e+00> : vector<128xf32>
    %reduce_sum3A_444 = vector.multi_reduction <add>, %convert_element_type3A_427, %reduce_sum3A_443 [0] : vector<128x128xf32> to vector<128xf32>
    %broadcast_in_dim3A_445 = vector.shape_cast %reduce_sum3A_444 : vector<128xf32> to vector<1x128xf32>
    %add3A_446 = arith.addf %add3A_409, %broadcast_in_dim3A_445 : vector<1x128xf32>
    %get3A_447 = arith.constant 1536 : index
    %get3A_448 = arith.constant 0 : index
    %get3A_449 = vector.load %arg0[%get3A_447, %get3A_448] : memref<2048x128xf32, #tpu.memory_space<vmem>>, vector<128x128xf32>
    %reduce_max3A_450 = arith.constant dense<0xFF800000> : vector<128xf32>
    %reduce_max3A_451 = vector.multi_reduction <maximumf>, %get3A_449, %reduce_max3A_450 [1] : vector<128x128xf32> to vector<128xf32>
    %broadcast_in_dim3A_452 = vector.shape_cast %reduce_max3A_451 : vector<128xf32> to vector<128x1xf32>
    %ge3A_453 = vector.broadcast %broadcast_in_dim3A_452 : vector<128x1xf32> to vector<128x128xf32>
    %ge3A_454 = arith.cmpf oge, %get3A_449, %ge3A_453 : vector<128x128xf32>
    %jit3A_455 = arith.constant 1.000000e+09 : f32
    %broadcast_in_dim3A_456 = vector.broadcast %jit3A_455 : f32 to vector<128x128xf32>
    %select_n3A_457 = arith.select %ge3A_454, %convert_element_type3A_1, %broadcast_in_dim3A_456 : vector<128x128xi1>, vector<128x128xf32>
    %reduce_min3A_458 = arith.constant dense<0x7F800000> : vector<128xf32>
    %reduce_min3A_459 = vector.multi_reduction <minimumf>, %select_n3A_457, %reduce_min3A_458 [1] : vector<128x128xf32> to vector<128xf32>
    %broadcast_in_dim3A_460 = vector.shape_cast %reduce_min3A_459 : vector<128xf32> to vector<128x1xf32>
    %eq3A_461 = vector.broadcast %broadcast_in_dim3A_460 : vector<128x1xf32> to vector<128x128xf32>
    %eq3A_462 = arith.cmpf oeq, %convert_element_type3A_1, %eq3A_461 : vector<128x128xf32>
    %convert_element_type3A_463 = arith.extui %eq3A_462 : vector<128x128xi1> to vector<128x128xi32>
    %convert_element_type3A_464 = arith.sitofp %convert_element_type3A_463 : vector<128x128xi32> to vector<128x128xf32>
    %dot_general3A_465 = arith.constant dense<0.000000e+00> : vector<128x128xf32>
    %dot_general3A_466 = tpu.matmul %convert_element_type3A_5, %convert_element_type3A_464, %dot_general3A_465 {dimension_numbers = #tpu.dot_dimension_numbers<[1], [0], [0], [1], [0, 0, 1, 1], [], []>, precision = #tpu.contract_precision<fp32>, transpose_lhs_hint = false} : vector<128x128xf32>, vector<128x128xf32>, vector<128x128xf32> -> vector<128x128xf32>
    %sub3A_467 = arith.constant 1.000000e+00 : f32
    %sub3A_468 = vector.broadcast %sub3A_467 : f32 to vector<128x128xf32>
    %sub3A_469 = arith.subf %dot_general3A_466, %sub3A_468 : vector<128x128xf32>
    %mul3A_470 = arith.mulf %convert_element_type3A_464, %sub3A_469 : vector<128x128xf32>
    %reduce_sum3A_471 = arith.constant dense<0.000000e+00> : vector<128xf32>
    %reduce_sum3A_472 = vector.multi_reduction <add>, %mul3A_470, %reduce_sum3A_471 [1] : vector<128x128xf32> to vector<128xf32>
    %broadcast_in_dim3A_473 = vector.shape_cast %reduce_sum3A_472 : vector<128xf32> to vector<128x1xf32>
    %mul3A_474 = vector.broadcast %add3A_446 : vector<1x128xf32> to vector<128x128xf32>
    %mul3A_475 = arith.mulf %convert_element_type3A_464, %mul3A_474 : vector<128x128xf32>
    %reduce_sum3A_476 = arith.constant dense<0.000000e+00> : vector<128xf32>
    %reduce_sum3A_477 = vector.multi_reduction <add>, %mul3A_475, %reduce_sum3A_476 [1] : vector<128x128xf32> to vector<128xf32>
    %broadcast_in_dim3A_478 = vector.shape_cast %reduce_sum3A_477 : vector<128xf32> to vector<128x1xf32>
    %add3A_479 = arith.addf %broadcast_in_dim3A_473, %broadcast_in_dim3A_478 : vector<128x1xf32>
    %reduce_sum3A_480 = arith.constant dense<0.000000e+00> : vector<128xf32>
    %reduce_sum3A_481 = vector.multi_reduction <add>, %convert_element_type3A_464, %reduce_sum3A_480 [0] : vector<128x128xf32> to vector<128xf32>
    %broadcast_in_dim3A_482 = vector.shape_cast %reduce_sum3A_481 : vector<128xf32> to vector<1x128xf32>
    %add3A_483 = arith.addf %add3A_446, %broadcast_in_dim3A_482 : vector<1x128xf32>
    %get3A_484 = arith.constant 1664 : index
    %get3A_485 = arith.constant 0 : index
    %get3A_486 = vector.load %arg0[%get3A_484, %get3A_485] : memref<2048x128xf32, #tpu.memory_space<vmem>>, vector<128x128xf32>
    %reduce_max3A_487 = arith.constant dense<0xFF800000> : vector<128xf32>
    %reduce_max3A_488 = vector.multi_reduction <maximumf>, %get3A_486, %reduce_max3A_487 [1] : vector<128x128xf32> to vector<128xf32>
    %broadcast_in_dim3A_489 = vector.shape_cast %reduce_max3A_488 : vector<128xf32> to vector<128x1xf32>
    %ge3A_490 = vector.broadcast %broadcast_in_dim3A_489 : vector<128x1xf32> to vector<128x128xf32>
    %ge3A_491 = arith.cmpf oge, %get3A_486, %ge3A_490 : vector<128x128xf32>
    %jit3A_492 = arith.constant 1.000000e+09 : f32
    %broadcast_in_dim3A_493 = vector.broadcast %jit3A_492 : f32 to vector<128x128xf32>
    %select_n3A_494 = arith.select %ge3A_491, %convert_element_type3A_1, %broadcast_in_dim3A_493 : vector<128x128xi1>, vector<128x128xf32>
    %reduce_min3A_495 = arith.constant dense<0x7F800000> : vector<128xf32>
    %reduce_min3A_496 = vector.multi_reduction <minimumf>, %select_n3A_494, %reduce_min3A_495 [1] : vector<128x128xf32> to vector<128xf32>
    %broadcast_in_dim3A_497 = vector.shape_cast %reduce_min3A_496 : vector<128xf32> to vector<128x1xf32>
    %eq3A_498 = vector.broadcast %broadcast_in_dim3A_497 : vector<128x1xf32> to vector<128x128xf32>
    %eq3A_499 = arith.cmpf oeq, %convert_element_type3A_1, %eq3A_498 : vector<128x128xf32>
    %convert_element_type3A_500 = arith.extui %eq3A_499 : vector<128x128xi1> to vector<128x128xi32>
    %convert_element_type3A_501 = arith.sitofp %convert_element_type3A_500 : vector<128x128xi32> to vector<128x128xf32>
    %dot_general3A_502 = arith.constant dense<0.000000e+00> : vector<128x128xf32>
    %dot_general3A_503 = tpu.matmul %convert_element_type3A_5, %convert_element_type3A_501, %dot_general3A_502 {dimension_numbers = #tpu.dot_dimension_numbers<[1], [0], [0], [1], [0, 0, 1, 1], [], []>, precision = #tpu.contract_precision<fp32>, transpose_lhs_hint = false} : vector<128x128xf32>, vector<128x128xf32>, vector<128x128xf32> -> vector<128x128xf32>
    %sub3A_504 = arith.constant 1.000000e+00 : f32
    %sub3A_505 = vector.broadcast %sub3A_504 : f32 to vector<128x128xf32>
    %sub3A_506 = arith.subf %dot_general3A_503, %sub3A_505 : vector<128x128xf32>
    %mul3A_507 = arith.mulf %convert_element_type3A_501, %sub3A_506 : vector<128x128xf32>
    %reduce_sum3A_508 = arith.constant dense<0.000000e+00> : vector<128xf32>
    %reduce_sum3A_509 = vector.multi_reduction <add>, %mul3A_507, %reduce_sum3A_508 [1] : vector<128x128xf32> to vector<128xf32>
    %broadcast_in_dim3A_510 = vector.shape_cast %reduce_sum3A_509 : vector<128xf32> to vector<128x1xf32>
    %mul3A_511 = vector.broadcast %add3A_483 : vector<1x128xf32> to vector<128x128xf32>
    %mul3A_512 = arith.mulf %convert_element_type3A_501, %mul3A_511 : vector<128x128xf32>
    %reduce_sum3A_513 = arith.constant dense<0.000000e+00> : vector<128xf32>
    %reduce_sum3A_514 = vector.multi_reduction <add>, %mul3A_512, %reduce_sum3A_513 [1] : vector<128x128xf32> to vector<128xf32>
    %broadcast_in_dim3A_515 = vector.shape_cast %reduce_sum3A_514 : vector<128xf32> to vector<128x1xf32>
    %add3A_516 = arith.addf %broadcast_in_dim3A_510, %broadcast_in_dim3A_515 : vector<128x1xf32>
    %reduce_sum3A_517 = arith.constant dense<0.000000e+00> : vector<128xf32>
    %reduce_sum3A_518 = vector.multi_reduction <add>, %convert_element_type3A_501, %reduce_sum3A_517 [0] : vector<128x128xf32> to vector<128xf32>
    %broadcast_in_dim3A_519 = vector.shape_cast %reduce_sum3A_518 : vector<128xf32> to vector<1x128xf32>
    %add3A_520 = arith.addf %add3A_483, %broadcast_in_dim3A_519 : vector<1x128xf32>
    %get3A_521 = arith.constant 1792 : index
    %get3A_522 = arith.constant 0 : index
    %get3A_523 = vector.load %arg0[%get3A_521, %get3A_522] : memref<2048x128xf32, #tpu.memory_space<vmem>>, vector<128x128xf32>
    %reduce_max3A_524 = arith.constant dense<0xFF800000> : vector<128xf32>
    %reduce_max3A_525 = vector.multi_reduction <maximumf>, %get3A_523, %reduce_max3A_524 [1] : vector<128x128xf32> to vector<128xf32>
    %broadcast_in_dim3A_526 = vector.shape_cast %reduce_max3A_525 : vector<128xf32> to vector<128x1xf32>
    %ge3A_527 = vector.broadcast %broadcast_in_dim3A_526 : vector<128x1xf32> to vector<128x128xf32>
    %ge3A_528 = arith.cmpf oge, %get3A_523, %ge3A_527 : vector<128x128xf32>
    %jit3A_529 = arith.constant 1.000000e+09 : f32
    %broadcast_in_dim3A_530 = vector.broadcast %jit3A_529 : f32 to vector<128x128xf32>
    %select_n3A_531 = arith.select %ge3A_528, %convert_element_type3A_1, %broadcast_in_dim3A_530 : vector<128x128xi1>, vector<128x128xf32>
    %reduce_min3A_532 = arith.constant dense<0x7F800000> : vector<128xf32>
    %reduce_min3A_533 = vector.multi_reduction <minimumf>, %select_n3A_531, %reduce_min3A_532 [1] : vector<128x128xf32> to vector<128xf32>
    %broadcast_in_dim3A_534 = vector.shape_cast %reduce_min3A_533 : vector<128xf32> to vector<128x1xf32>
    %eq3A_535 = vector.broadcast %broadcast_in_dim3A_534 : vector<128x1xf32> to vector<128x128xf32>
    %eq3A_536 = arith.cmpf oeq, %convert_element_type3A_1, %eq3A_535 : vector<128x128xf32>
    %convert_element_type3A_537 = arith.extui %eq3A_536 : vector<128x128xi1> to vector<128x128xi32>
    %convert_element_type3A_538 = arith.sitofp %convert_element_type3A_537 : vector<128x128xi32> to vector<128x128xf32>
    %dot_general3A_539 = arith.constant dense<0.000000e+00> : vector<128x128xf32>
    %dot_general3A_540 = tpu.matmul %convert_element_type3A_5, %convert_element_type3A_538, %dot_general3A_539 {dimension_numbers = #tpu.dot_dimension_numbers<[1], [0], [0], [1], [0, 0, 1, 1], [], []>, precision = #tpu.contract_precision<fp32>, transpose_lhs_hint = false} : vector<128x128xf32>, vector<128x128xf32>, vector<128x128xf32> -> vector<128x128xf32>
    %sub3A_541 = arith.constant 1.000000e+00 : f32
    %sub3A_542 = vector.broadcast %sub3A_541 : f32 to vector<128x128xf32>
    %sub3A_543 = arith.subf %dot_general3A_540, %sub3A_542 : vector<128x128xf32>
    %mul3A_544 = arith.mulf %convert_element_type3A_538, %sub3A_543 : vector<128x128xf32>
    %reduce_sum3A_545 = arith.constant dense<0.000000e+00> : vector<128xf32>
    %reduce_sum3A_546 = vector.multi_reduction <add>, %mul3A_544, %reduce_sum3A_545 [1] : vector<128x128xf32> to vector<128xf32>
    %broadcast_in_dim3A_547 = vector.shape_cast %reduce_sum3A_546 : vector<128xf32> to vector<128x1xf32>
    %mul3A_548 = vector.broadcast %add3A_520 : vector<1x128xf32> to vector<128x128xf32>
    %mul3A_549 = arith.mulf %convert_element_type3A_538, %mul3A_548 : vector<128x128xf32>
    %reduce_sum3A_550 = arith.constant dense<0.000000e+00> : vector<128xf32>
    %reduce_sum3A_551 = vector.multi_reduction <add>, %mul3A_549, %reduce_sum3A_550 [1] : vector<128x128xf32> to vector<128xf32>
    %broadcast_in_dim3A_552 = vector.shape_cast %reduce_sum3A_551 : vector<128xf32> to vector<128x1xf32>
    %add3A_553 = arith.addf %broadcast_in_dim3A_547, %broadcast_in_dim3A_552 : vector<128x1xf32>
    %reduce_sum3A_554 = arith.constant dense<0.000000e+00> : vector<128xf32>
    %reduce_sum3A_555 = vector.multi_reduction <add>, %convert_element_type3A_538, %reduce_sum3A_554 [0] : vector<128x128xf32> to vector<128xf32>
    %broadcast_in_dim3A_556 = vector.shape_cast %reduce_sum3A_555 : vector<128xf32> to vector<1x128xf32>
    %add3A_557 = arith.addf %add3A_520, %broadcast_in_dim3A_556 : vector<1x128xf32>
    %get3A_558 = arith.constant 1920 : index
    %get3A_559 = arith.constant 0 : index
    %get3A_560 = vector.load %arg0[%get3A_558, %get3A_559] : memref<2048x128xf32, #tpu.memory_space<vmem>>, vector<128x128xf32>
    %reduce_max3A_561 = arith.constant dense<0xFF800000> : vector<128xf32>
    %reduce_max3A_562 = vector.multi_reduction <maximumf>, %get3A_560, %reduce_max3A_561 [1] : vector<128x128xf32> to vector<128xf32>
    %broadcast_in_dim3A_563 = vector.shape_cast %reduce_max3A_562 : vector<128xf32> to vector<128x1xf32>
    %ge3A_564 = vector.broadcast %broadcast_in_dim3A_563 : vector<128x1xf32> to vector<128x128xf32>
    %ge3A_565 = arith.cmpf oge, %get3A_560, %ge3A_564 : vector<128x128xf32>
    %jit3A_566 = arith.constant 1.000000e+09 : f32
    %broadcast_in_dim3A_567 = vector.broadcast %jit3A_566 : f32 to vector<128x128xf32>
    %select_n3A_568 = arith.select %ge3A_565, %convert_element_type3A_1, %broadcast_in_dim3A_567 : vector<128x128xi1>, vector<128x128xf32>
    %reduce_min3A_569 = arith.constant dense<0x7F800000> : vector<128xf32>
    %reduce_min3A_570 = vector.multi_reduction <minimumf>, %select_n3A_568, %reduce_min3A_569 [1] : vector<128x128xf32> to vector<128xf32>
    %broadcast_in_dim3A_571 = vector.shape_cast %reduce_min3A_570 : vector<128xf32> to vector<128x1xf32>
    %eq3A_572 = vector.broadcast %broadcast_in_dim3A_571 : vector<128x1xf32> to vector<128x128xf32>
    %eq3A_573 = arith.cmpf oeq, %convert_element_type3A_1, %eq3A_572 : vector<128x128xf32>
    %convert_element_type3A_574 = arith.extui %eq3A_573 : vector<128x128xi1> to vector<128x128xi32>
    %convert_element_type3A_575 = arith.sitofp %convert_element_type3A_574 : vector<128x128xi32> to vector<128x128xf32>
    %dot_general3A_576 = arith.constant dense<0.000000e+00> : vector<128x128xf32>
    %dot_general3A_577 = tpu.matmul %convert_element_type3A_5, %convert_element_type3A_575, %dot_general3A_576 {dimension_numbers = #tpu.dot_dimension_numbers<[1], [0], [0], [1], [0, 0, 1, 1], [], []>, precision = #tpu.contract_precision<fp32>, transpose_lhs_hint = false} : vector<128x128xf32>, vector<128x128xf32>, vector<128x128xf32> -> vector<128x128xf32>
    %sub3A_578 = arith.constant 1.000000e+00 : f32
    %sub3A_579 = vector.broadcast %sub3A_578 : f32 to vector<128x128xf32>
    %sub3A_580 = arith.subf %dot_general3A_577, %sub3A_579 : vector<128x128xf32>
    %mul3A_581 = arith.mulf %convert_element_type3A_575, %sub3A_580 : vector<128x128xf32>
    %reduce_sum3A_582 = arith.constant dense<0.000000e+00> : vector<128xf32>
    %reduce_sum3A_583 = vector.multi_reduction <add>, %mul3A_581, %reduce_sum3A_582 [1] : vector<128x128xf32> to vector<128xf32>
    %broadcast_in_dim3A_584 = vector.shape_cast %reduce_sum3A_583 : vector<128xf32> to vector<128x1xf32>
    %mul3A_585 = vector.broadcast %add3A_557 : vector<1x128xf32> to vector<128x128xf32>
    %mul3A_586 = arith.mulf %convert_element_type3A_575, %mul3A_585 : vector<128x128xf32>
    %reduce_sum3A_587 = arith.constant dense<0.000000e+00> : vector<128xf32>
    %reduce_sum3A_588 = vector.multi_reduction <add>, %mul3A_586, %reduce_sum3A_587 [1] : vector<128x128xf32> to vector<128xf32>
    %broadcast_in_dim3A_589 = vector.shape_cast %reduce_sum3A_588 : vector<128xf32> to vector<128x1xf32>
    %add3A_590 = arith.addf %broadcast_in_dim3A_584, %broadcast_in_dim3A_589 : vector<128x1xf32>
    %reduce_sum3A_591 = arith.constant dense<0.000000e+00> : vector<128xf32>
    %reduce_sum3A_592 = vector.multi_reduction <add>, %convert_element_type3A_575, %reduce_sum3A_591 [0] : vector<128x128xf32> to vector<128xf32>
    %broadcast_in_dim3A_593 = vector.shape_cast %reduce_sum3A_592 : vector<128xf32> to vector<1x128xf32>
    %add3A_594 = arith.addf %add3A_557, %broadcast_in_dim3A_593 : vector<1x128xf32>
    %div3A = arith.constant 6.400000e+01 : f32
    %div3A_595 = vector.broadcast %div3A : f32 to vector<1x128xf32>
    %div3A_596 = arith.divf %add3A_594, %div3A_595 : vector<1x128xf32>
    %ceil3A = math.ceil %div3A_596 : vector<1x128xf32>
    %mul3A_597 = arith.constant 6.400000e+01 : f32
    %mul3A_598 = vector.broadcast %mul3A_597 : f32 to vector<1x128xf32>
    %mul3A_599 = arith.mulf %ceil3A, %mul3A_598 : vector<1x128xf32>
    %dot_general3A_600 = arith.constant dense<0.000000e+00> : vector<1x128xf32>
    %dot_general3A_601 = tpu.matmul %mul3A_599, %convert_element_type3A_7, %dot_general3A_600 {dimension_numbers = #tpu.dot_dimension_numbers<[1], [0], [0], [1], [0, 0, 1, 1], [], []>, precision = #tpu.contract_precision<fp32>, transpose_lhs_hint = false} : vector<1x128xf32>, vector<128x128xf32>, vector<1x128xf32> -> vector<1x128xf32>
    %div3A_602 = arith.constant 6.400000e+01 : f32
    %div3A_603 = vector.broadcast %div3A_602 : f32 to vector<1x128xf32>
    %div3A_604 = arith.divf %mul3A_599, %div3A_603 : vector<1x128xf32>
    %dot_general3A_605 = arith.constant dense<0.000000e+00> : vector<1x128xf32>
    %dot_general3A_606 = tpu.matmul %div3A_604, %convert_element_type3A_9, %dot_general3A_605 {dimension_numbers = #tpu.dot_dimension_numbers<[1], [0], [0], [1], [0, 0, 1, 1], [], []>, precision = #tpu.contract_precision<fp32>, transpose_lhs_hint = false} : vector<1x128xf32>, vector<128x128xf32>, vector<1x128xf32> -> vector<1x128xf32>
    %sub3A_607 = arith.subf %dot_general3A_606, %div3A_604 : vector<1x128xf32>
    %reduce_sum3A_608 = vector.shape_cast %div3A_604 : vector<1x128xf32> to vector<1x1x128xf32>
    %reduce_sum3A_609 = arith.constant dense<0.000000e+00> : vector<1xf32>
    %reduce_sum3A_610 = vector.multi_reduction <add>, %reduce_sum3A_608, %reduce_sum3A_609 [1, 2] : vector<1x1x128xf32> to vector<1xf32>
    %reduce_sum3A_611 = vector.shape_cast %reduce_sum3A_610 : vector<1xf32> to vector<1x1x1xf32>
    %reduce_sum3A_612 = vector.extract %reduce_sum3A_611[0, 0, 0] : f32 from vector<1x1x1xf32>
    %iota3A_613 = tpu.iota {dimensions = array<i32: 0>} : vector<128x1xi32>
    %convert_element_type3A_614 = arith.sitofp %iota3A_613 : vector<128x1xi32> to vector<128x1xf32>
    %le3A_615 = vector.broadcast %dot_general3A_606 : vector<1x128xf32> to vector<128x128xf32>
    %le3A_616 = vector.broadcast %convert_element_type3A_614 : vector<128x1xf32> to vector<128x128xf32>
    %le3A_617 = arith.cmpf ole, %le3A_615, %le3A_616 : vector<128x128xf32>
    %convert_element_type3A_618 = arith.extui %le3A_617 : vector<128x128xi1> to vector<128x128xi32>
    %convert_element_type3A_619 = arith.sitofp %convert_element_type3A_618 : vector<128x128xi32> to vector<128x128xf32>
    %reduce_sum3A_620 = arith.constant dense<0.000000e+00> : vector<128xf32>
    %reduce_sum3A_621 = vector.multi_reduction <add>, %convert_element_type3A_619, %reduce_sum3A_620 [1] : vector<128x128xf32> to vector<128xf32>
    %broadcast_in_dim3A_622 = vector.shape_cast %reduce_sum3A_621 : vector<128xf32> to vector<128x1xf32>
    %min3A = arith.constant 1.270000e+02 : f32
    %min3A_623 = vector.broadcast %min3A : f32 to vector<128x1xf32>
    %min3A_624 = arith.minimumf %broadcast_in_dim3A_622, %min3A_623 : vector<128x1xf32>
    %eq3A_625 = vector.broadcast %min3A_624 : vector<128x1xf32> to vector<128x128xf32>
    %eq3A_626 = arith.cmpf oeq, %convert_element_type3A_1, %eq3A_625 : vector<128x128xf32>
    %convert_element_type3A_627 = arith.extui %eq3A_626 : vector<128x128xi1> to vector<128x128xi32>
    %convert_element_type3A_628 = arith.sitofp %convert_element_type3A_627 : vector<128x128xi32> to vector<128x128xf32>
    %mul3A_629 = vector.broadcast %sub3A_607 : vector<1x128xf32> to vector<128x128xf32>
    %mul3A_630 = arith.mulf %convert_element_type3A_628, %mul3A_629 : vector<128x128xf32>
    %reduce_sum3A_631 = arith.constant dense<0.000000e+00> : vector<128xf32>
    %reduce_sum3A_632 = vector.multi_reduction <add>, %mul3A_630, %reduce_sum3A_631 [1] : vector<128x128xf32> to vector<128xf32>
    %broadcast_in_dim3A_633 = vector.shape_cast %reduce_sum3A_632 : vector<128xf32> to vector<128x1xf32>
    %div3A_634 = arith.constant 6.400000e+01 : f32
    %div3A_635 = vector.broadcast %div3A_634 : f32 to vector<1x128xf32>
    %div3A_636 = arith.divf %dot_general3A_601, %div3A_635 : vector<1x128xf32>
    %mul3A_637 = vector.broadcast %div3A_636 : vector<1x128xf32> to vector<128x128xf32>
    %mul3A_638 = arith.mulf %convert_element_type3A_628, %mul3A_637 : vector<128x128xf32>
    %reduce_sum3A_639 = arith.constant dense<0.000000e+00> : vector<128xf32>
    %reduce_sum3A_640 = vector.multi_reduction <add>, %mul3A_638, %reduce_sum3A_639 [1] : vector<128x128xf32> to vector<128xf32>
    %broadcast_in_dim3A_641 = vector.shape_cast %reduce_sum3A_640 : vector<128xf32> to vector<128x1xf32>
    %sub3A_642 = arith.subf %convert_element_type3A_614, %broadcast_in_dim3A_633 : vector<128x1xf32>
    %add3A_643 = arith.addf %broadcast_in_dim3A_641, %sub3A_642 : vector<128x1xf32>
    %lt3A_644 = vector.broadcast %reduce_sum3A_612 : f32 to vector<128x1xf32>
    %lt3A_645 = arith.cmpf olt, %convert_element_type3A_614, %lt3A_644 : vector<128x1xf32>
    %gt3A = arith.constant 0.000000e+00 : f32
    %gt3A_646 = vector.broadcast %gt3A : f32 to vector<1x128xf32>
    %gt3A_647 = arith.cmpf ogt, %add3A_594, %gt3A_646 : vector<1x128xf32>
    %jit3A_648 = arith.constant -1.000000e+00 : f32
    %broadcast_in_dim3A_649 = vector.broadcast %jit3A_648 : f32 to vector<1x128xf32>
    %select_n3A_650 = arith.select %gt3A_647, %convert_element_type3A, %broadcast_in_dim3A_649 : vector<1x128xi1>, vector<1x128xf32>
    %reduce_max3A_651 = vector.shape_cast %select_n3A_650 : vector<1x128xf32> to vector<1x1x128xf32>
    %reduce_max3A_652 = arith.constant dense<0xFF800000> : vector<1xf32>
    %reduce_max3A_653 = vector.multi_reduction <maximumf>, %reduce_max3A_651, %reduce_max3A_652 [1, 2] : vector<1x1x128xf32> to vector<1xf32>
    %reduce_max3A_654 = vector.shape_cast %reduce_max3A_653 : vector<1xf32> to vector<1x1x1xf32>
    %reduce_max3A_655 = vector.extract %reduce_max3A_654[0, 0, 0] : f32 from vector<1x1x1xf32>
    %select_n3A_656 = arith.select %lt3A_645, %add3A_643, %convert_element_type3A_614 : vector<128x1xi1>, vector<128x1xf32>
    %broadcast_in_dim3A_657 = vector.broadcast %reduce_max3A_655 : f32 to vector<128x1xf32>
    %select_n3A_658 = arith.select %lt3A_645, %min3A_624, %broadcast_in_dim3A_657 : vector<128x1xi1>, vector<128x1xf32>
    %dot_general3A_659 = arith.constant dense<0.000000e+00> : vector<1x128xf32>
    %dot_general3A_660 = tpu.matmul %select_n3A_658, %convert_element_type3A_11, %dot_general3A_659 {dimension_numbers = #tpu.dot_dimension_numbers<[0], [0], [1], [1], [0, 1, 1, 1], [], []>, precision = #tpu.contract_precision<fp32>, transpose_lhs_hint = false} : vector<128x1xf32>, vector<128x128xf32>, vector<1x128xf32> -> vector<1x128xf32>
    %dot_general3A_661 = arith.constant dense<0.000000e+00> : vector<1x128xf32>
    %dot_general3A_662 = tpu.matmul %select_n3A_656, %convert_element_type3A_11, %dot_general3A_661 {dimension_numbers = #tpu.dot_dimension_numbers<[0], [0], [1], [1], [0, 1, 1, 1], [], []>, precision = #tpu.contract_precision<fp32>, transpose_lhs_hint = false} : vector<128x1xf32>, vector<128x128xf32>, vector<1x128xf32> -> vector<1x128xf32>
    %convert_element_type3A_663 = arith.extui %lt3A_645 : vector<128x1xi1> to vector<128x1xi32>
    %convert_element_type3A_664 = arith.sitofp %convert_element_type3A_663 : vector<128x1xi32> to vector<128x1xf32>
    %dot_general3A_665 = arith.constant dense<0.000000e+00> : vector<1x128xf32>
    %dot_general3A_666 = tpu.matmul %convert_element_type3A_664, %convert_element_type3A_11, %dot_general3A_665 {dimension_numbers = #tpu.dot_dimension_numbers<[0], [0], [1], [1], [0, 1, 1, 1], [], []>, precision = #tpu.contract_precision<fp32>, transpose_lhs_hint = false} : vector<128x1xf32>, vector<128x128xf32>, vector<1x128xf32> -> vector<1x128xf32>
    %iota3A_667 = tpu.iota {dimensions = array<i32: 0>} : vector<8x128xi32>
    %convert_element_type3A_668 = arith.sitofp %iota3A_667 : vector<8x128xi32> to vector<8x128xf32>
    %eq3A_669 = arith.constant 0.000000e+00 : f32
    %eq3A_670 = vector.broadcast %eq3A_669 : f32 to vector<8x128xf32>
    %eq3A_671 = arith.cmpf oeq, %convert_element_type3A_668, %eq3A_670 : vector<8x128xf32>
    %jit3A_672 = arith.constant 0.000000e+00 : f32
    %broadcast_in_dim3A_673 = vector.shape_cast %dot_general3A_660 : vector<1x128xf32> to vector<1x128xf32>
    %broadcast_in_dim3A_674 = vector.broadcast %broadcast_in_dim3A_673 : vector<1x128xf32> to vector<8x128xf32>
    %broadcast_in_dim3A_675 = vector.broadcast %jit3A_672 : f32 to vector<8x128xf32>
    %select_n3A_676 = arith.select %eq3A_671, %broadcast_in_dim3A_674, %broadcast_in_dim3A_675 : vector<8x128xi1>, vector<8x128xf32>
    %eq3A_677 = arith.constant 1.000000e+00 : f32
    %eq3A_678 = vector.broadcast %eq3A_677 : f32 to vector<8x128xf32>
    %eq3A_679 = arith.cmpf oeq, %convert_element_type3A_668, %eq3A_678 : vector<8x128xf32>
    %jit3A_680 = arith.constant 0.000000e+00 : f32
    %broadcast_in_dim3A_681 = vector.shape_cast %dot_general3A_662 : vector<1x128xf32> to vector<1x128xf32>
    %broadcast_in_dim3A_682 = vector.broadcast %broadcast_in_dim3A_681 : vector<1x128xf32> to vector<8x128xf32>
    %broadcast_in_dim3A_683 = vector.broadcast %jit3A_680 : f32 to vector<8x128xf32>
    %select_n3A_684 = arith.select %eq3A_679, %broadcast_in_dim3A_682, %broadcast_in_dim3A_683 : vector<8x128xi1>, vector<8x128xf32>
    %add3A_685 = arith.addf %select_n3A_676, %select_n3A_684 : vector<8x128xf32>
    %eq3A_686 = arith.constant 2.000000e+00 : f32
    %eq3A_687 = vector.broadcast %eq3A_686 : f32 to vector<8x128xf32>
    %eq3A_688 = arith.cmpf oeq, %convert_element_type3A_668, %eq3A_687 : vector<8x128xf32>
    %jit3A_689 = arith.constant 0.000000e+00 : f32
    %broadcast_in_dim3A_690 = vector.shape_cast %dot_general3A_666 : vector<1x128xf32> to vector<1x128xf32>
    %broadcast_in_dim3A_691 = vector.broadcast %broadcast_in_dim3A_690 : vector<1x128xf32> to vector<8x128xf32>
    %broadcast_in_dim3A_692 = vector.broadcast %jit3A_689 : f32 to vector<8x128xf32>
    %select_n3A_693 = arith.select %eq3A_688, %broadcast_in_dim3A_691, %broadcast_in_dim3A_692 : vector<8x128xi1>, vector<8x128xf32>
    %add3A_694 = arith.addf %add3A_685, %select_n3A_693 : vector<8x128xf32>
    %convert_element_type3A_695 = arith.fptosi %add3A_694 : vector<8x128xf32> to vector<8x128xi32>
    %swap3A = arith.constant 0 : index
    %swap3A_696 = arith.constant 0 : index
    %swap3A_697 = vector.load %arg3[%swap3A, %swap3A_696] : memref<8x128xi32, #tpu.memory_space<vmem>>, vector<8x128xi32>
    tpu.vector_store %arg3[%swap3A, %swap3A_696], %convert_element_type3A_695 {strides = array<i32>} : memref<8x128xi32, #tpu.memory_space<vmem>>, vector<8x128xi32>,
    %broadcast_in_dim3A_698 = arith.constant 0.000000e+00 : f32
    %broadcast_in_dim3A_699 = vector.broadcast %broadcast_in_dim3A_698 : f32 to vector<16x128xf32>
    %iota3A_700 = tpu.iota {dimensions = array<i32: 0>} : vector<16x128xi32>
    %convert_element_type3A_701 = arith.sitofp %iota3A_700 : vector<16x128xi32> to vector<16x128xf32>
    %eq3A_702 = vector.broadcast %broadcast_in_dim3A_21 : vector<128x1xf32> to vector<128x128xf32>
    %eq3A_703 = arith.cmpf oeq, %convert_element_type3A_1, %eq3A_702 : vector<128x128xf32>
    %convert_element_type3A_704 = arith.extui %eq3A_703 : vector<128x128xi1> to vector<128x128xi32>
    %convert_element_type3A_705 = arith.sitofp %convert_element_type3A_704 : vector<128x128xi32> to vector<128x128xf32>
    %mul3A_706 = vector.broadcast %dot_general3A_601 : vector<1x128xf32> to vector<128x128xf32>
    %mul3A_707 = arith.mulf %convert_element_type3A_705, %mul3A_706 : vector<128x128xf32>
    %reduce_sum3A_708 = arith.constant dense<0.000000e+00> : vector<128xf32>
    %reduce_sum3A_709 = vector.multi_reduction <add>, %mul3A_707, %reduce_sum3A_708 [1] : vector<128x128xf32> to vector<128xf32>
    %broadcast_in_dim3A_710 = vector.shape_cast %reduce_sum3A_709 : vector<128xf32> to vector<128x1xf32>
    %add3A_711 = arith.addf %broadcast_in_dim3A_710, %add3A : vector<128x1xf32>
    %dot_general3A_712 = arith.constant dense<0.000000e+00> : vector<1x128xf32>
    %dot_general3A_713 = tpu.matmul %add3A_711, %convert_element_type3A_11, %dot_general3A_712 {dimension_numbers = #tpu.dot_dimension_numbers<[0], [0], [1], [1], [0, 1, 1, 1], [], []>, precision = #tpu.contract_precision<fp32>, transpose_lhs_hint = false} : vector<128x1xf32>, vector<128x128xf32>, vector<1x128xf32> -> vector<1x128xf32>
    %eq3A_714 = arith.constant 0.000000e+00 : f32
    %eq3A_715 = vector.broadcast %eq3A_714 : f32 to vector<16x128xf32>
    %eq3A_716 = arith.cmpf oeq, %convert_element_type3A_701, %eq3A_715 : vector<16x128xf32>
    %jit3A_717 = arith.constant 0.000000e+00 : f32
    %broadcast_in_dim3A_718 = vector.shape_cast %dot_general3A_713 : vector<1x128xf32> to vector<1x128xf32>
    %broadcast_in_dim3A_719 = vector.broadcast %broadcast_in_dim3A_718 : vector<1x128xf32> to vector<16x128xf32>
    %broadcast_in_dim3A_720 = vector.broadcast %jit3A_717 : f32 to vector<16x128xf32>
    %select_n3A_721 = arith.select %eq3A_716, %broadcast_in_dim3A_719, %broadcast_in_dim3A_720 : vector<16x128xi1>, vector<16x128xf32>
    %add3A_722 = arith.addf %broadcast_in_dim3A_699, %select_n3A_721 : vector<16x128xf32>
    %eq3A_723 = vector.broadcast %broadcast_in_dim3A_53 : vector<128x1xf32> to vector<128x128xf32>
    %eq3A_724 = arith.cmpf oeq, %convert_element_type3A_1, %eq3A_723 : vector<128x128xf32>
    %convert_element_type3A_725 = arith.extui %eq3A_724 : vector<128x128xi1> to vector<128x128xi32>
    %convert_element_type3A_726 = arith.sitofp %convert_element_type3A_725 : vector<128x128xi32> to vector<128x128xf32>
    %mul3A_727 = vector.broadcast %dot_general3A_601 : vector<1x128xf32> to vector<128x128xf32>
    %mul3A_728 = arith.mulf %convert_element_type3A_726, %mul3A_727 : vector<128x128xf32>
    %reduce_sum3A_729 = arith.constant dense<0.000000e+00> : vector<128xf32>
    %reduce_sum3A_730 = vector.multi_reduction <add>, %mul3A_728, %reduce_sum3A_729 [1] : vector<128x128xf32> to vector<128xf32>
    %broadcast_in_dim3A_731 = vector.shape_cast %reduce_sum3A_730 : vector<128xf32> to vector<128x1xf32>
    %add3A_732 = arith.addf %broadcast_in_dim3A_731, %add3A_72 : vector<128x1xf32>
    %dot_general3A_733 = arith.constant dense<0.000000e+00> : vector<1x128xf32>
    %dot_general3A_734 = tpu.matmul %add3A_732, %convert_element_type3A_11, %dot_general3A_733 {dimension_numbers = #tpu.dot_dimension_numbers<[0], [0], [1], [1], [0, 1, 1, 1], [], []>, precision = #tpu.contract_precision<fp32>, transpose_lhs_hint = false} : vector<128x1xf32>, vector<128x128xf32>, vector<1x128xf32> -> vector<1x128xf32>
    %eq3A_735 = arith.constant 1.000000e+00 : f32
    %eq3A_736 = vector.broadcast %eq3A_735 : f32 to vector<16x128xf32>
    %eq3A_737 = arith.cmpf oeq, %convert_element_type3A_701, %eq3A_736 : vector<16x128xf32>
    %jit3A_738 = arith.constant 0.000000e+00 : f32
    %broadcast_in_dim3A_739 = vector.shape_cast %dot_general3A_734 : vector<1x128xf32> to vector<1x128xf32>
    %broadcast_in_dim3A_740 = vector.broadcast %broadcast_in_dim3A_739 : vector<1x128xf32> to vector<16x128xf32>
    %broadcast_in_dim3A_741 = vector.broadcast %jit3A_738 : f32 to vector<16x128xf32>
    %select_n3A_742 = arith.select %eq3A_737, %broadcast_in_dim3A_740, %broadcast_in_dim3A_741 : vector<16x128xi1>, vector<16x128xf32>
    %add3A_743 = arith.addf %add3A_722, %select_n3A_742 : vector<16x128xf32>
    %eq3A_744 = vector.broadcast %broadcast_in_dim3A_90 : vector<128x1xf32> to vector<128x128xf32>
    %eq3A_745 = arith.cmpf oeq, %convert_element_type3A_1, %eq3A_744 : vector<128x128xf32>
    %convert_element_type3A_746 = arith.extui %eq3A_745 : vector<128x128xi1> to vector<128x128xi32>
    %convert_element_type3A_747 = arith.sitofp %convert_element_type3A_746 : vector<128x128xi32> to vector<128x128xf32>
    %mul3A_748 = vector.broadcast %dot_general3A_601 : vector<1x128xf32> to vector<128x128xf32>
    %mul3A_749 = arith.mulf %convert_element_type3A_747, %mul3A_748 : vector<128x128xf32>
    %reduce_sum3A_750 = arith.constant dense<0.000000e+00> : vector<128xf32>
    %reduce_sum3A_751 = vector.multi_reduction <add>, %mul3A_749, %reduce_sum3A_750 [1] : vector<128x128xf32> to vector<128xf32>
    %broadcast_in_dim3A_752 = vector.shape_cast %reduce_sum3A_751 : vector<128xf32> to vector<128x1xf32>
    %add3A_753 = arith.addf %broadcast_in_dim3A_752, %add3A_109 : vector<128x1xf32>
    %dot_general3A_754 = arith.constant dense<0.000000e+00> : vector<1x128xf32>
    %dot_general3A_755 = tpu.matmul %add3A_753, %convert_element_type3A_11, %dot_general3A_754 {dimension_numbers = #tpu.dot_dimension_numbers<[0], [0], [1], [1], [0, 1, 1, 1], [], []>, precision = #tpu.contract_precision<fp32>, transpose_lhs_hint = false} : vector<128x1xf32>, vector<128x128xf32>, vector<1x128xf32> -> vector<1x128xf32>
    %eq3A_756 = arith.constant 2.000000e+00 : f32
    %eq3A_757 = vector.broadcast %eq3A_756 : f32 to vector<16x128xf32>
    %eq3A_758 = arith.cmpf oeq, %convert_element_type3A_701, %eq3A_757 : vector<16x128xf32>
    %jit3A_759 = arith.constant 0.000000e+00 : f32
    %broadcast_in_dim3A_760 = vector.shape_cast %dot_general3A_755 : vector<1x128xf32> to vector<1x128xf32>
    %broadcast_in_dim3A_761 = vector.broadcast %broadcast_in_dim3A_760 : vector<1x128xf32> to vector<16x128xf32>
    %broadcast_in_dim3A_762 = vector.broadcast %jit3A_759 : f32 to vector<16x128xf32>
    %select_n3A_763 = arith.select %eq3A_758, %broadcast_in_dim3A_761, %broadcast_in_dim3A_762 : vector<16x128xi1>, vector<16x128xf32>
    %add3A_764 = arith.addf %add3A_743, %select_n3A_763 : vector<16x128xf32>
    %eq3A_765 = vector.broadcast %broadcast_in_dim3A_127 : vector<128x1xf32> to vector<128x128xf32>
    %eq3A_766 = arith.cmpf oeq, %convert_element_type3A_1, %eq3A_765 : vector<128x128xf32>
    %convert_element_type3A_767 = arith.extui %eq3A_766 : vector<128x128xi1> to vector<128x128xi32>
    %convert_element_type3A_768 = arith.sitofp %convert_element_type3A_767 : vector<128x128xi32> to vector<128x128xf32>
    %mul3A_769 = vector.broadcast %dot_general3A_601 : vector<1x128xf32> to vector<128x128xf32>
    %mul3A_770 = arith.mulf %convert_element_type3A_768, %mul3A_769 : vector<128x128xf32>
    %reduce_sum3A_771 = arith.constant dense<0.000000e+00> : vector<128xf32>
    %reduce_sum3A_772 = vector.multi_reduction <add>, %mul3A_770, %reduce_sum3A_771 [1] : vector<128x128xf32> to vector<128xf32>
    %broadcast_in_dim3A_773 = vector.shape_cast %reduce_sum3A_772 : vector<128xf32> to vector<128x1xf32>
    %add3A_774 = arith.addf %broadcast_in_dim3A_773, %add3A_146 : vector<128x1xf32>
    %dot_general3A_775 = arith.constant dense<0.000000e+00> : vector<1x128xf32>
    %dot_general3A_776 = tpu.matmul %add3A_774, %convert_element_type3A_11, %dot_general3A_775 {dimension_numbers = #tpu.dot_dimension_numbers<[0], [0], [1], [1], [0, 1, 1, 1], [], []>, precision = #tpu.contract_precision<fp32>, transpose_lhs_hint = false} : vector<128x1xf32>, vector<128x128xf32>, vector<1x128xf32> -> vector<1x128xf32>
    %eq3A_777 = arith.constant 3.000000e+00 : f32
    %eq3A_778 = vector.broadcast %eq3A_777 : f32 to vector<16x128xf32>
    %eq3A_779 = arith.cmpf oeq, %convert_element_type3A_701, %eq3A_778 : vector<16x128xf32>
    %jit3A_780 = arith.constant 0.000000e+00 : f32
    %broadcast_in_dim3A_781 = vector.shape_cast %dot_general3A_776 : vector<1x128xf32> to vector<1x128xf32>
    %broadcast_in_dim3A_782 = vector.broadcast %broadcast_in_dim3A_781 : vector<1x128xf32> to vector<16x128xf32>
    %broadcast_in_dim3A_783 = vector.broadcast %jit3A_780 : f32 to vector<16x128xf32>
    %select_n3A_784 = arith.select %eq3A_779, %broadcast_in_dim3A_782, %broadcast_in_dim3A_783 : vector<16x128xi1>, vector<16x128xf32>
    %add3A_785 = arith.addf %add3A_764, %select_n3A_784 : vector<16x128xf32>
    %eq3A_786 = vector.broadcast %broadcast_in_dim3A_164 : vector<128x1xf32> to vector<128x128xf32>
    %eq3A_787 = arith.cmpf oeq, %convert_element_type3A_1, %eq3A_786 : vector<128x128xf32>
    %convert_element_type3A_788 = arith.extui %eq3A_787 : vector<128x128xi1> to vector<128x128xi32>
    %convert_element_type3A_789 = arith.sitofp %convert_element_type3A_788 : vector<128x128xi32> to vector<128x128xf32>
    %mul3A_790 = vector.broadcast %dot_general3A_601 : vector<1x128xf32> to vector<128x128xf32>
    %mul3A_791 = arith.mulf %convert_element_type3A_789, %mul3A_790 : vector<128x128xf32>
    %reduce_sum3A_792 = arith.constant dense<0.000000e+00> : vector<128xf32>
    %reduce_sum3A_793 = vector.multi_reduction <add>, %mul3A_791, %reduce_sum3A_792 [1] : vector<128x128xf32> to vector<128xf32>
    %broadcast_in_dim3A_794 = vector.shape_cast %reduce_sum3A_793 : vector<128xf32> to vector<128x1xf32>
    %add3A_795 = arith.addf %broadcast_in_dim3A_794, %add3A_183 : vector<128x1xf32>
    %dot_general3A_796 = arith.constant dense<0.000000e+00> : vector<1x128xf32>
    %dot_general3A_797 = tpu.matmul %add3A_795, %convert_element_type3A_11, %dot_general3A_796 {dimension_numbers = #tpu.dot_dimension_numbers<[0], [0], [1], [1], [0, 1, 1, 1], [], []>, precision = #tpu.contract_precision<fp32>, transpose_lhs_hint = false} : vector<128x1xf32>, vector<128x128xf32>, vector<1x128xf32> -> vector<1x128xf32>
    %eq3A_798 = arith.constant 4.000000e+00 : f32
    %eq3A_799 = vector.broadcast %eq3A_798 : f32 to vector<16x128xf32>
    %eq3A_800 = arith.cmpf oeq, %convert_element_type3A_701, %eq3A_799 : vector<16x128xf32>
    %jit3A_801 = arith.constant 0.000000e+00 : f32
    %broadcast_in_dim3A_802 = vector.shape_cast %dot_general3A_797 : vector<1x128xf32> to vector<1x128xf32>
    %broadcast_in_dim3A_803 = vector.broadcast %broadcast_in_dim3A_802 : vector<1x128xf32> to vector<16x128xf32>
    %broadcast_in_dim3A_804 = vector.broadcast %jit3A_801 : f32 to vector<16x128xf32>
    %select_n3A_805 = arith.select %eq3A_800, %broadcast_in_dim3A_803, %broadcast_in_dim3A_804 : vector<16x128xi1>, vector<16x128xf32>
    %add3A_806 = arith.addf %add3A_785, %select_n3A_805 : vector<16x128xf32>
    %eq3A_807 = vector.broadcast %broadcast_in_dim3A_201 : vector<128x1xf32> to vector<128x128xf32>
    %eq3A_808 = arith.cmpf oeq, %convert_element_type3A_1, %eq3A_807 : vector<128x128xf32>
    %convert_element_type3A_809 = arith.extui %eq3A_808 : vector<128x128xi1> to vector<128x128xi32>
    %convert_element_type3A_810 = arith.sitofp %convert_element_type3A_809 : vector<128x128xi32> to vector<128x128xf32>
    %mul3A_811 = vector.broadcast %dot_general3A_601 : vector<1x128xf32> to vector<128x128xf32>
    %mul3A_812 = arith.mulf %convert_element_type3A_810, %mul3A_811 : vector<128x128xf32>
    %reduce_sum3A_813 = arith.constant dense<0.000000e+00> : vector<128xf32>
    %reduce_sum3A_814 = vector.multi_reduction <add>, %mul3A_812, %reduce_sum3A_813 [1] : vector<128x128xf32> to vector<128xf32>
    %broadcast_in_dim3A_815 = vector.shape_cast %reduce_sum3A_814 : vector<128xf32> to vector<128x1xf32>
    %add3A_816 = arith.addf %broadcast_in_dim3A_815, %add3A_220 : vector<128x1xf32>
    %dot_general3A_817 = arith.constant dense<0.000000e+00> : vector<1x128xf32>
    %dot_general3A_818 = tpu.matmul %add3A_816, %convert_element_type3A_11, %dot_general3A_817 {dimension_numbers = #tpu.dot_dimension_numbers<[0], [0], [1], [1], [0, 1, 1, 1], [], []>, precision = #tpu.contract_precision<fp32>, transpose_lhs_hint = false} : vector<128x1xf32>, vector<128x128xf32>, vector<1x128xf32> -> vector<1x128xf32>
    %eq3A_819 = arith.constant 5.000000e+00 : f32
    %eq3A_820 = vector.broadcast %eq3A_819 : f32 to vector<16x128xf32>
    %eq3A_821 = arith.cmpf oeq, %convert_element_type3A_701, %eq3A_820 : vector<16x128xf32>
    %jit3A_822 = arith.constant 0.000000e+00 : f32
    %broadcast_in_dim3A_823 = vector.shape_cast %dot_general3A_818 : vector<1x128xf32> to vector<1x128xf32>
    %broadcast_in_dim3A_824 = vector.broadcast %broadcast_in_dim3A_823 : vector<1x128xf32> to vector<16x128xf32>
    %broadcast_in_dim3A_825 = vector.broadcast %jit3A_822 : f32 to vector<16x128xf32>
    %select_n3A_826 = arith.select %eq3A_821, %broadcast_in_dim3A_824, %broadcast_in_dim3A_825 : vector<16x128xi1>, vector<16x128xf32>
    %add3A_827 = arith.addf %add3A_806, %select_n3A_826 : vector<16x128xf32>
    %eq3A_828 = vector.broadcast %broadcast_in_dim3A_238 : vector<128x1xf32> to vector<128x128xf32>
    %eq3A_829 = arith.cmpf oeq, %convert_element_type3A_1, %eq3A_828 : vector<128x128xf32>
    %convert_element_type3A_830 = arith.extui %eq3A_829 : vector<128x128xi1> to vector<128x128xi32>
    %convert_element_type3A_831 = arith.sitofp %convert_element_type3A_830 : vector<128x128xi32> to vector<128x128xf32>
    %mul3A_832 = vector.broadcast %dot_general3A_601 : vector<1x128xf32> to vector<128x128xf32>
    %mul3A_833 = arith.mulf %convert_element_type3A_831, %mul3A_832 : vector<128x128xf32>
    %reduce_sum3A_834 = arith.constant dense<0.000000e+00> : vector<128xf32>
    %reduce_sum3A_835 = vector.multi_reduction <add>, %mul3A_833, %reduce_sum3A_834 [1] : vector<128x128xf32> to vector<128xf32>
    %broadcast_in_dim3A_836 = vector.shape_cast %reduce_sum3A_835 : vector<128xf32> to vector<128x1xf32>
    %add3A_837 = arith.addf %broadcast_in_dim3A_836, %add3A_257 : vector<128x1xf32>
    %dot_general3A_838 = arith.constant dense<0.000000e+00> : vector<1x128xf32>
    %dot_general3A_839 = tpu.matmul %add3A_837, %convert_element_type3A_11, %dot_general3A_838 {dimension_numbers = #tpu.dot_dimension_numbers<[0], [0], [1], [1], [0, 1, 1, 1], [], []>, precision = #tpu.contract_precision<fp32>, transpose_lhs_hint = false} : vector<128x1xf32>, vector<128x128xf32>, vector<1x128xf32> -> vector<1x128xf32>
    %eq3A_840 = arith.constant 6.000000e+00 : f32
    %eq3A_841 = vector.broadcast %eq3A_840 : f32 to vector<16x128xf32>
    %eq3A_842 = arith.cmpf oeq, %convert_element_type3A_701, %eq3A_841 : vector<16x128xf32>
    %jit3A_843 = arith.constant 0.000000e+00 : f32
    %broadcast_in_dim3A_844 = vector.shape_cast %dot_general3A_839 : vector<1x128xf32> to vector<1x128xf32>
    %broadcast_in_dim3A_845 = vector.broadcast %broadcast_in_dim3A_844 : vector<1x128xf32> to vector<16x128xf32>
    %broadcast_in_dim3A_846 = vector.broadcast %jit3A_843 : f32 to vector<16x128xf32>
    %select_n3A_847 = arith.select %eq3A_842, %broadcast_in_dim3A_845, %broadcast_in_dim3A_846 : vector<16x128xi1>, vector<16x128xf32>
    %add3A_848 = arith.addf %add3A_827, %select_n3A_847 : vector<16x128xf32>
    %eq3A_849 = vector.broadcast %broadcast_in_dim3A_275 : vector<128x1xf32> to vector<128x128xf32>
    %eq3A_850 = arith.cmpf oeq, %convert_element_type3A_1, %eq3A_849 : vector<128x128xf32>
    %convert_element_type3A_851 = arith.extui %eq3A_850 : vector<128x128xi1> to vector<128x128xi32>
    %convert_element_type3A_852 = arith.sitofp %convert_element_type3A_851 : vector<128x128xi32> to vector<128x128xf32>
    %mul3A_853 = vector.broadcast %dot_general3A_601 : vector<1x128xf32> to vector<128x128xf32>
    %mul3A_854 = arith.mulf %convert_element_type3A_852, %mul3A_853 : vector<128x128xf32>
    %reduce_sum3A_855 = arith.constant dense<0.000000e+00> : vector<128xf32>
    %reduce_sum3A_856 = vector.multi_reduction <add>, %mul3A_854, %reduce_sum3A_855 [1] : vector<128x128xf32> to vector<128xf32>
    %broadcast_in_dim3A_857 = vector.shape_cast %reduce_sum3A_856 : vector<128xf32> to vector<128x1xf32>
    %add3A_858 = arith.addf %broadcast_in_dim3A_857, %add3A_294 : vector<128x1xf32>
    %dot_general3A_859 = arith.constant dense<0.000000e+00> : vector<1x128xf32>
    %dot_general3A_860 = tpu.matmul %add3A_858, %convert_element_type3A_11, %dot_general3A_859 {dimension_numbers = #tpu.dot_dimension_numbers<[0], [0], [1], [1], [0, 1, 1, 1], [], []>, precision = #tpu.contract_precision<fp32>, transpose_lhs_hint = false} : vector<128x1xf32>, vector<128x128xf32>, vector<1x128xf32> -> vector<1x128xf32>
    %eq3A_861 = arith.constant 7.000000e+00 : f32
    %eq3A_862 = vector.broadcast %eq3A_861 : f32 to vector<16x128xf32>
    %eq3A_863 = arith.cmpf oeq, %convert_element_type3A_701, %eq3A_862 : vector<16x128xf32>
    %jit3A_864 = arith.constant 0.000000e+00 : f32
    %broadcast_in_dim3A_865 = vector.shape_cast %dot_general3A_860 : vector<1x128xf32> to vector<1x128xf32>
    %broadcast_in_dim3A_866 = vector.broadcast %broadcast_in_dim3A_865 : vector<1x128xf32> to vector<16x128xf32>
    %broadcast_in_dim3A_867 = vector.broadcast %jit3A_864 : f32 to vector<16x128xf32>
    %select_n3A_868 = arith.select %eq3A_863, %broadcast_in_dim3A_866, %broadcast_in_dim3A_867 : vector<16x128xi1>, vector<16x128xf32>
    %add3A_869 = arith.addf %add3A_848, %select_n3A_868 : vector<16x128xf32>
    %eq3A_870 = vector.broadcast %broadcast_in_dim3A_312 : vector<128x1xf32> to vector<128x128xf32>
    %eq3A_871 = arith.cmpf oeq, %convert_element_type3A_1, %eq3A_870 : vector<128x128xf32>
    %convert_element_type3A_872 = arith.extui %eq3A_871 : vector<128x128xi1> to vector<128x128xi32>
    %convert_element_type3A_873 = arith.sitofp %convert_element_type3A_872 : vector<128x128xi32> to vector<128x128xf32>
    %mul3A_874 = vector.broadcast %dot_general3A_601 : vector<1x128xf32> to vector<128x128xf32>
    %mul3A_875 = arith.mulf %convert_element_type3A_873, %mul3A_874 : vector<128x128xf32>
    %reduce_sum3A_876 = arith.constant dense<0.000000e+00> : vector<128xf32>
    %reduce_sum3A_877 = vector.multi_reduction <add>, %mul3A_875, %reduce_sum3A_876 [1] : vector<128x128xf32> to vector<128xf32>
    %broadcast_in_dim3A_878 = vector.shape_cast %reduce_sum3A_877 : vector<128xf32> to vector<128x1xf32>
    %add3A_879 = arith.addf %broadcast_in_dim3A_878, %add3A_331 : vector<128x1xf32>
    %dot_general3A_880 = arith.constant dense<0.000000e+00> : vector<1x128xf32>
    %dot_general3A_881 = tpu.matmul %add3A_879, %convert_element_type3A_11, %dot_general3A_880 {dimension_numbers = #tpu.dot_dimension_numbers<[0], [0], [1], [1], [0, 1, 1, 1], [], []>, precision = #tpu.contract_precision<fp32>, transpose_lhs_hint = false} : vector<128x1xf32>, vector<128x128xf32>, vector<1x128xf32> -> vector<1x128xf32>
    %eq3A_882 = arith.constant 8.000000e+00 : f32
    %eq3A_883 = vector.broadcast %eq3A_882 : f32 to vector<16x128xf32>
    %eq3A_884 = arith.cmpf oeq, %convert_element_type3A_701, %eq3A_883 : vector<16x128xf32>
    %jit3A_885 = arith.constant 0.000000e+00 : f32
    %broadcast_in_dim3A_886 = vector.shape_cast %dot_general3A_881 : vector<1x128xf32> to vector<1x128xf32>
    %broadcast_in_dim3A_887 = vector.broadcast %broadcast_in_dim3A_886 : vector<1x128xf32> to vector<16x128xf32>
    %broadcast_in_dim3A_888 = vector.broadcast %jit3A_885 : f32 to vector<16x128xf32>
    %select_n3A_889 = arith.select %eq3A_884, %broadcast_in_dim3A_887, %broadcast_in_dim3A_888 : vector<16x128xi1>, vector<16x128xf32>
    %add3A_890 = arith.addf %add3A_869, %select_n3A_889 : vector<16x128xf32>
    %eq3A_891 = vector.broadcast %broadcast_in_dim3A_349 : vector<128x1xf32> to vector<128x128xf32>
    %eq3A_892 = arith.cmpf oeq, %convert_element_type3A_1, %eq3A_891 : vector<128x128xf32>
    %convert_element_type3A_893 = arith.extui %eq3A_892 : vector<128x128xi1> to vector<128x128xi32>
    %convert_element_type3A_894 = arith.sitofp %convert_element_type3A_893 : vector<128x128xi32> to vector<128x128xf32>
    %mul3A_895 = vector.broadcast %dot_general3A_601 : vector<1x128xf32> to vector<128x128xf32>
    %mul3A_896 = arith.mulf %convert_element_type3A_894, %mul3A_895 : vector<128x128xf32>
    %reduce_sum3A_897 = arith.constant dense<0.000000e+00> : vector<128xf32>
    %reduce_sum3A_898 = vector.multi_reduction <add>, %mul3A_896, %reduce_sum3A_897 [1] : vector<128x128xf32> to vector<128xf32>
    %broadcast_in_dim3A_899 = vector.shape_cast %reduce_sum3A_898 : vector<128xf32> to vector<128x1xf32>
    %add3A_900 = arith.addf %broadcast_in_dim3A_899, %add3A_368 : vector<128x1xf32>
    %dot_general3A_901 = arith.constant dense<0.000000e+00> : vector<1x128xf32>
    %dot_general3A_902 = tpu.matmul %add3A_900, %convert_element_type3A_11, %dot_general3A_901 {dimension_numbers = #tpu.dot_dimension_numbers<[0], [0], [1], [1], [0, 1, 1, 1], [], []>, precision = #tpu.contract_precision<fp32>, transpose_lhs_hint = false} : vector<128x1xf32>, vector<128x128xf32>, vector<1x128xf32> -> vector<1x128xf32>
    %eq3A_903 = arith.constant 9.000000e+00 : f32
    %eq3A_904 = vector.broadcast %eq3A_903 : f32 to vector<16x128xf32>
    %eq3A_905 = arith.cmpf oeq, %convert_element_type3A_701, %eq3A_904 : vector<16x128xf32>
    %jit3A_906 = arith.constant 0.000000e+00 : f32
    %broadcast_in_dim3A_907 = vector.shape_cast %dot_general3A_902 : vector<1x128xf32> to vector<1x128xf32>
    %broadcast_in_dim3A_908 = vector.broadcast %broadcast_in_dim3A_907 : vector<1x128xf32> to vector<16x128xf32>
    %broadcast_in_dim3A_909 = vector.broadcast %jit3A_906 : f32 to vector<16x128xf32>
    %select_n3A_910 = arith.select %eq3A_905, %broadcast_in_dim3A_908, %broadcast_in_dim3A_909 : vector<16x128xi1>, vector<16x128xf32>
    %add3A_911 = arith.addf %add3A_890, %select_n3A_910 : vector<16x128xf32>
    %eq3A_912 = vector.broadcast %broadcast_in_dim3A_386 : vector<128x1xf32> to vector<128x128xf32>
    %eq3A_913 = arith.cmpf oeq, %convert_element_type3A_1, %eq3A_912 : vector<128x128xf32>
    %convert_element_type3A_914 = arith.extui %eq3A_913 : vector<128x128xi1> to vector<128x128xi32>
    %convert_element_type3A_915 = arith.sitofp %convert_element_type3A_914 : vector<128x128xi32> to vector<128x128xf32>
    %mul3A_916 = vector.broadcast %dot_general3A_601 : vector<1x128xf32> to vector<128x128xf32>
    %mul3A_917 = arith.mulf %convert_element_type3A_915, %mul3A_916 : vector<128x128xf32>
    %reduce_sum3A_918 = arith.constant dense<0.000000e+00> : vector<128xf32>
    %reduce_sum3A_919 = vector.multi_reduction <add>, %mul3A_917, %reduce_sum3A_918 [1] : vector<128x128xf32> to vector<128xf32>
    %broadcast_in_dim3A_920 = vector.shape_cast %reduce_sum3A_919 : vector<128xf32> to vector<128x1xf32>
    %add3A_921 = arith.addf %broadcast_in_dim3A_920, %add3A_405 : vector<128x1xf32>
    %dot_general3A_922 = arith.constant dense<0.000000e+00> : vector<1x128xf32>
    %dot_general3A_923 = tpu.matmul %add3A_921, %convert_element_type3A_11, %dot_general3A_922 {dimension_numbers = #tpu.dot_dimension_numbers<[0], [0], [1], [1], [0, 1, 1, 1], [], []>, precision = #tpu.contract_precision<fp32>, transpose_lhs_hint = false} : vector<128x1xf32>, vector<128x128xf32>, vector<1x128xf32> -> vector<1x128xf32>
    %eq3A_924 = arith.constant 1.000000e+01 : f32
    %eq3A_925 = vector.broadcast %eq3A_924 : f32 to vector<16x128xf32>
    %eq3A_926 = arith.cmpf oeq, %convert_element_type3A_701, %eq3A_925 : vector<16x128xf32>
    %jit3A_927 = arith.constant 0.000000e+00 : f32
    %broadcast_in_dim3A_928 = vector.shape_cast %dot_general3A_923 : vector<1x128xf32> to vector<1x128xf32>
    %broadcast_in_dim3A_929 = vector.broadcast %broadcast_in_dim3A_928 : vector<1x128xf32> to vector<16x128xf32>
    %broadcast_in_dim3A_930 = vector.broadcast %jit3A_927 : f32 to vector<16x128xf32>
    %select_n3A_931 = arith.select %eq3A_926, %broadcast_in_dim3A_929, %broadcast_in_dim3A_930 : vector<16x128xi1>, vector<16x128xf32>
    %add3A_932 = arith.addf %add3A_911, %select_n3A_931 : vector<16x128xf32>
    %eq3A_933 = vector.broadcast %broadcast_in_dim3A_423 : vector<128x1xf32> to vector<128x128xf32>
    %eq3A_934 = arith.cmpf oeq, %convert_element_type3A_1, %eq3A_933 : vector<128x128xf32>
    %convert_element_type3A_935 = arith.extui %eq3A_934 : vector<128x128xi1> to vector<128x128xi32>
    %convert_element_type3A_936 = arith.sitofp %convert_element_type3A_935 : vector<128x128xi32> to vector<128x128xf32>
    %mul3A_937 = vector.broadcast %dot_general3A_601 : vector<1x128xf32> to vector<128x128xf32>
    %mul3A_938 = arith.mulf %convert_element_type3A_936, %mul3A_937 : vector<128x128xf32>
    %reduce_sum3A_939 = arith.constant dense<0.000000e+00> : vector<128xf32>
    %reduce_sum3A_940 = vector.multi_reduction <add>, %mul3A_938, %reduce_sum3A_939 [1] : vector<128x128xf32> to vector<128xf32>
    %broadcast_in_dim3A_941 = vector.shape_cast %reduce_sum3A_940 : vector<128xf32> to vector<128x1xf32>
    %add3A_942 = arith.addf %broadcast_in_dim3A_941, %add3A_442 : vector<128x1xf32>
    %dot_general3A_943 = arith.constant dense<0.000000e+00> : vector<1x128xf32>
    %dot_general3A_944 = tpu.matmul %add3A_942, %convert_element_type3A_11, %dot_general3A_943 {dimension_numbers = #tpu.dot_dimension_numbers<[0], [0], [1], [1], [0, 1, 1, 1], [], []>, precision = #tpu.contract_precision<fp32>, transpose_lhs_hint = false} : vector<128x1xf32>, vector<128x128xf32>, vector<1x128xf32> -> vector<1x128xf32>
    %eq3A_945 = arith.constant 1.100000e+01 : f32
    %eq3A_946 = vector.broadcast %eq3A_945 : f32 to vector<16x128xf32>
    %eq3A_947 = arith.cmpf oeq, %convert_element_type3A_701, %eq3A_946 : vector<16x128xf32>
    %jit3A_948 = arith.constant 0.000000e+00 : f32
    %broadcast_in_dim3A_949 = vector.shape_cast %dot_general3A_944 : vector<1x128xf32> to vector<1x128xf32>
    %broadcast_in_dim3A_950 = vector.broadcast %broadcast_in_dim3A_949 : vector<1x128xf32> to vector<16x128xf32>
    %broadcast_in_dim3A_951 = vector.broadcast %jit3A_948 : f32 to vector<16x128xf32>
    %select_n3A_952 = arith.select %eq3A_947, %broadcast_in_dim3A_950, %broadcast_in_dim3A_951 : vector<16x128xi1>, vector<16x128xf32>
    %add3A_953 = arith.addf %add3A_932, %select_n3A_952 : vector<16x128xf32>
    %eq3A_954 = vector.broadcast %broadcast_in_dim3A_460 : vector<128x1xf32> to vector<128x128xf32>
    %eq3A_955 = arith.cmpf oeq, %convert_element_type3A_1, %eq3A_954 : vector<128x128xf32>
    %convert_element_type3A_956 = arith.extui %eq3A_955 : vector<128x128xi1> to vector<128x128xi32>
    %convert_element_type3A_957 = arith.sitofp %convert_element_type3A_956 : vector<128x128xi32> to vector<128x128xf32>
    %mul3A_958 = vector.broadcast %dot_general3A_601 : vector<1x128xf32> to vector<128x128xf32>
    %mul3A_959 = arith.mulf %convert_element_type3A_957, %mul3A_958 : vector<128x128xf32>
    %reduce_sum3A_960 = arith.constant dense<0.000000e+00> : vector<128xf32>
    %reduce_sum3A_961 = vector.multi_reduction <add>, %mul3A_959, %reduce_sum3A_960 [1] : vector<128x128xf32> to vector<128xf32>
    %broadcast_in_dim3A_962 = vector.shape_cast %reduce_sum3A_961 : vector<128xf32> to vector<128x1xf32>
    %add3A_963 = arith.addf %broadcast_in_dim3A_962, %add3A_479 : vector<128x1xf32>
    %dot_general3A_964 = arith.constant dense<0.000000e+00> : vector<1x128xf32>
    %dot_general3A_965 = tpu.matmul %add3A_963, %convert_element_type3A_11, %dot_general3A_964 {dimension_numbers = #tpu.dot_dimension_numbers<[0], [0], [1], [1], [0, 1, 1, 1], [], []>, precision = #tpu.contract_precision<fp32>, transpose_lhs_hint = false} : vector<128x1xf32>, vector<128x128xf32>, vector<1x128xf32> -> vector<1x128xf32>
    %eq3A_966 = arith.constant 1.200000e+01 : f32
    %eq3A_967 = vector.broadcast %eq3A_966 : f32 to vector<16x128xf32>
    %eq3A_968 = arith.cmpf oeq, %convert_element_type3A_701, %eq3A_967 : vector<16x128xf32>
    %jit3A_969 = arith.constant 0.000000e+00 : f32
    %broadcast_in_dim3A_970 = vector.shape_cast %dot_general3A_965 : vector<1x128xf32> to vector<1x128xf32>
    %broadcast_in_dim3A_971 = vector.broadcast %broadcast_in_dim3A_970 : vector<1x128xf32> to vector<16x128xf32>
    %broadcast_in_dim3A_972 = vector.broadcast %jit3A_969 : f32 to vector<16x128xf32>
    %select_n3A_973 = arith.select %eq3A_968, %broadcast_in_dim3A_971, %broadcast_in_dim3A_972 : vector<16x128xi1>, vector<16x128xf32>
    %add3A_974 = arith.addf %add3A_953, %select_n3A_973 : vector<16x128xf32>
    %eq3A_975 = vector.broadcast %broadcast_in_dim3A_497 : vector<128x1xf32> to vector<128x128xf32>
    %eq3A_976 = arith.cmpf oeq, %convert_element_type3A_1, %eq3A_975 : vector<128x128xf32>
    %convert_element_type3A_977 = arith.extui %eq3A_976 : vector<128x128xi1> to vector<128x128xi32>
    %convert_element_type3A_978 = arith.sitofp %convert_element_type3A_977 : vector<128x128xi32> to vector<128x128xf32>
    %mul3A_979 = vector.broadcast %dot_general3A_601 : vector<1x128xf32> to vector<128x128xf32>
    %mul3A_980 = arith.mulf %convert_element_type3A_978, %mul3A_979 : vector<128x128xf32>
    %reduce_sum3A_981 = arith.constant dense<0.000000e+00> : vector<128xf32>
    %reduce_sum3A_982 = vector.multi_reduction <add>, %mul3A_980, %reduce_sum3A_981 [1] : vector<128x128xf32> to vector<128xf32>
    %broadcast_in_dim3A_983 = vector.shape_cast %reduce_sum3A_982 : vector<128xf32> to vector<128x1xf32>
    %add3A_984 = arith.addf %broadcast_in_dim3A_983, %add3A_516 : vector<128x1xf32>
    %dot_general3A_985 = arith.constant dense<0.000000e+00> : vector<1x128xf32>
    %dot_general3A_986 = tpu.matmul %add3A_984, %convert_element_type3A_11, %dot_general3A_985 {dimension_numbers = #tpu.dot_dimension_numbers<[0], [0], [1], [1], [0, 1, 1, 1], [], []>, precision = #tpu.contract_precision<fp32>, transpose_lhs_hint = false} : vector<128x1xf32>, vector<128x128xf32>, vector<1x128xf32> -> vector<1x128xf32>
    %eq3A_987 = arith.constant 1.300000e+01 : f32
    %eq3A_988 = vector.broadcast %eq3A_987 : f32 to vector<16x128xf32>
    %eq3A_989 = arith.cmpf oeq, %convert_element_type3A_701, %eq3A_988 : vector<16x128xf32>
    %jit3A_990 = arith.constant 0.000000e+00 : f32
    %broadcast_in_dim3A_991 = vector.shape_cast %dot_general3A_986 : vector<1x128xf32> to vector<1x128xf32>
    %broadcast_in_dim3A_992 = vector.broadcast %broadcast_in_dim3A_991 : vector<1x128xf32> to vector<16x128xf32>
    %broadcast_in_dim3A_993 = vector.broadcast %jit3A_990 : f32 to vector<16x128xf32>
    %select_n3A_994 = arith.select %eq3A_989, %broadcast_in_dim3A_992, %broadcast_in_dim3A_993 : vector<16x128xi1>, vector<16x128xf32>
    %add3A_995 = arith.addf %add3A_974, %select_n3A_994 : vector<16x128xf32>
    %eq3A_996 = vector.broadcast %broadcast_in_dim3A_534 : vector<128x1xf32> to vector<128x128xf32>
    %eq3A_997 = arith.cmpf oeq, %convert_element_type3A_1, %eq3A_996 : vector<128x128xf32>
    %convert_element_type3A_998 = arith.extui %eq3A_997 : vector<128x128xi1> to vector<128x128xi32>
    %convert_element_type3A_999 = arith.sitofp %convert_element_type3A_998 : vector<128x128xi32> to vector<128x128xf32>
    %mul3A_1000 = vector.broadcast %dot_general3A_601 : vector<1x128xf32> to vector<128x128xf32>
    %mul3A_1001 = arith.mulf %convert_element_type3A_999, %mul3A_1000 : vector<128x128xf32>
    %reduce_sum3A_1002 = arith.constant dense<0.000000e+00> : vector<128xf32>
    %reduce_sum3A_1003 = vector.multi_reduction <add>, %mul3A_1001, %reduce_sum3A_1002 [1] : vector<128x128xf32> to vector<128xf32>
    %broadcast_in_dim3A_1004 = vector.shape_cast %reduce_sum3A_1003 : vector<128xf32> to vector<128x1xf32>
    %add3A_1005 = arith.addf %broadcast_in_dim3A_1004, %add3A_553 : vector<128x1xf32>
    %dot_general3A_1006 = arith.constant dense<0.000000e+00> : vector<1x128xf32>
    %dot_general3A_1007 = tpu.matmul %add3A_1005, %convert_element_type3A_11, %dot_general3A_1006 {dimension_numbers = #tpu.dot_dimension_numbers<[0], [0], [1], [1], [0, 1, 1, 1], [], []>, precision = #tpu.contract_precision<fp32>, transpose_lhs_hint = false} : vector<128x1xf32>, vector<128x128xf32>, vector<1x128xf32> -> vector<1x128xf32>
    %eq3A_1008 = arith.constant 1.400000e+01 : f32
    %eq3A_1009 = vector.broadcast %eq3A_1008 : f32 to vector<16x128xf32>
    %eq3A_1010 = arith.cmpf oeq, %convert_element_type3A_701, %eq3A_1009 : vector<16x128xf32>
    %jit3A_1011 = arith.constant 0.000000e+00 : f32
    %broadcast_in_dim3A_1012 = vector.shape_cast %dot_general3A_1007 : vector<1x128xf32> to vector<1x128xf32>
    %broadcast_in_dim3A_1013 = vector.broadcast %broadcast_in_dim3A_1012 : vector<1x128xf32> to vector<16x128xf32>
    %broadcast_in_dim3A_1014 = vector.broadcast %jit3A_1011 : f32 to vector<16x128xf32>
    %select_n3A_1015 = arith.select %eq3A_1010, %broadcast_in_dim3A_1013, %broadcast_in_dim3A_1014 : vector<16x128xi1>, vector<16x128xf32>
    %add3A_1016 = arith.addf %add3A_995, %select_n3A_1015 : vector<16x128xf32>
    %eq3A_1017 = vector.broadcast %broadcast_in_dim3A_571 : vector<128x1xf32> to vector<128x128xf32>
    %eq3A_1018 = arith.cmpf oeq, %convert_element_type3A_1, %eq3A_1017 : vector<128x128xf32>
    %convert_element_type3A_1019 = arith.extui %eq3A_1018 : vector<128x128xi1> to vector<128x128xi32>
    %convert_element_type3A_1020 = arith.sitofp %convert_element_type3A_1019 : vector<128x128xi32> to vector<128x128xf32>
    %mul3A_1021 = vector.broadcast %dot_general3A_601 : vector<1x128xf32> to vector<128x128xf32>
    %mul3A_1022 = arith.mulf %convert_element_type3A_1020, %mul3A_1021 : vector<128x128xf32>
    %reduce_sum3A_1023 = arith.constant dense<0.000000e+00> : vector<128xf32>
    %reduce_sum3A_1024 = vector.multi_reduction <add>, %mul3A_1022, %reduce_sum3A_1023 [1] : vector<128x128xf32> to vector<128xf32>
    %broadcast_in_dim3A_1025 = vector.shape_cast %reduce_sum3A_1024 : vector<128xf32> to vector<128x1xf32>
    %add3A_1026 = arith.addf %broadcast_in_dim3A_1025, %add3A_590 : vector<128x1xf32>
    %dot_general3A_1027 = arith.constant dense<0.000000e+00> : vector<1x128xf32>
    %dot_general3A_1028 = tpu.matmul %add3A_1026, %convert_element_type3A_11, %dot_general3A_1027 {dimension_numbers = #tpu.dot_dimension_numbers<[0], [0], [1], [1], [0, 1, 1, 1], [], []>, precision = #tpu.contract_precision<fp32>, transpose_lhs_hint = false} : vector<128x1xf32>, vector<128x128xf32>, vector<1x128xf32> -> vector<1x128xf32>
    %eq3A_1029 = arith.constant 1.500000e+01 : f32
    %eq3A_1030 = vector.broadcast %eq3A_1029 : f32 to vector<16x128xf32>
    %eq3A_1031 = arith.cmpf oeq, %convert_element_type3A_701, %eq3A_1030 : vector<16x128xf32>
    %jit3A_1032 = arith.constant 0.000000e+00 : f32
    %broadcast_in_dim3A_1033 = vector.shape_cast %dot_general3A_1028 : vector<1x128xf32> to vector<1x128xf32>
    %broadcast_in_dim3A_1034 = vector.broadcast %broadcast_in_dim3A_1033 : vector<1x128xf32> to vector<16x128xf32>
    %broadcast_in_dim3A_1035 = vector.broadcast %jit3A_1032 : f32 to vector<16x128xf32>
    %select_n3A_1036 = arith.select %eq3A_1031, %broadcast_in_dim3A_1034, %broadcast_in_dim3A_1035 : vector<16x128xi1>, vector<16x128xf32>
    %add3A_1037 = arith.addf %add3A_1016, %select_n3A_1036 : vector<16x128xf32>
    %convert_element_type3A_1038 = arith.fptosi %add3A_1037 : vector<16x128xf32> to vector<16x128xi32>
    %swap3A_1039 = arith.constant 0 : index
    %swap3A_1040 = arith.constant 0 : index
    %swap3A_1041 = vector.load %arg1[%swap3A_1039, %swap3A_1040] : memref<16x128xi32, #tpu.memory_space<vmem>>, vector<16x128xi32>
    tpu.vector_store %arg1[%swap3A_1039, %swap3A_1040], %convert_element_type3A_1038 {strides = array<i32>} : memref<16x128xi32, #tpu.memory_space<vmem>>, vector<16x128xi32>,
    %swap3A_1042 = arith.constant 0 : index
    %swap3A_1043 = arith.constant 0 : index
    %swap3A_1044 = vector.load %arg2[%swap3A_1042, %swap3A_1043] : memref<16x128xf32, #tpu.memory_space<vmem>>, vector<16x128xf32>
    tpu.vector_store %arg2[%swap3A_1042, %swap3A_1043], %add3A_1037 {strides = array<i32>} : memref<16x128xf32, #tpu.memory_space<vmem>>, vector<16x128xf32>,
    return
  }
}

module attributes {stable_mosaic.version = 14 : i64} {
  func.func @_moe_kernel(%arg0: i32, %arg1: memref<128xi32, #tpu.memory_space<smem>>, %arg2: memref<128xi32, #tpu.memory_space<smem>>, %arg3: memref<128xi32, #tpu.memory_space<smem>>, %arg4: memref<64x768xf32, #tpu.memory_space<vmem>>, %arg5: memref<1x768x1024xf32, #tpu.memory_space<vmem>>, %arg6: memref<1x768x1024xf32, #tpu.memory_space<vmem>>, %arg7: memref<1x1024x768xf32, #tpu.memory_space<vmem>>, %arg8: memref<64x768xf32, #tpu.memory_space<vmem>>) attributes {dimension_semantics = [#tpu.dimension_semantics<arbitrary>], iteration_bounds = array<i64: 96>, scalar_prefetch = 3 : i64, scratch_operands = 0 : i64, tpu.core_type = #tpu.core_type<tc>, window_params = [{transform_indices = @transform_0, window_bounds = array<i64: 64, 768>}, {transform_indices = @transform_1, window_bounds = array<i64: 1, 768, 1024>}, {transform_indices = @transform_2, window_bounds = array<i64: 1, 768, 1024>}, {transform_indices = @transform_3, window_bounds = array<i64: 1, 1024, 768>}, {transform_indices = @transform_4, window_bounds = array<i64: 64, 768>}]} {
    %get3A = arith.index_cast %arg0 : i32 to index
    %get3A_0 = memref.load %arg3[%get3A] : memref<128xi32, #tpu.memory_space<smem>>
    %eq3A = arith.constant 1 : i32
    %eq3A_1 = arith.cmpi eq, %get3A_0, %eq3A : i32
    %convert_element_type3A = arith.extui %eq3A_1 : i1 to i32
    %cond3A = arith.constant 0 : i32
    %cond3A_2 = arith.cmpi ne, %convert_element_type3A, %cond3A : i32
    scf.if %cond3A_2 {
      %get3A_10 = arith.constant 0 : index
      %get3A_11 = arith.constant 0 : index
      %get3A_12 = vector.load %arg4[%get3A_10, %get3A_11] : memref<64x768xf32, #tpu.memory_space<vmem>>, vector<64x768xf32>
      %get3A_13 = arith.constant 0 : index
      %get3A_14 = arith.constant 0 : index
      %get3A_15 = arith.constant 0 : index
      %get3A_16 = vector.load %arg5[%get3A_13, %get3A_14, %get3A_15] : memref<1x768x1024xf32, #tpu.memory_space<vmem>>, vector<1x768x1024xf32>
      %get3A_17 = vector.shape_cast %get3A_16 : vector<1x768x1024xf32> to vector<768x1024xf32>
      %dot_general3A = arith.constant dense<0.000000e+00> : vector<64x1024xf32>
      %dot_general3A_18 = tpu.matmul %get3A_12, %get3A_17, %dot_general3A {dimension_numbers = #tpu.dot_dimension_numbers<[1], [0], [0], [1], [0, 0, 1, 1], [], []>, transpose_lhs_hint = false} : vector<64x768xf32>, vector<768x1024xf32>, vector<64x1024xf32> -> vector<64x1024xf32>
      %get3A_19 = arith.constant 0 : index
      %get3A_20 = arith.constant 0 : index
      %get3A_21 = arith.constant 0 : index
      %get3A_22 = vector.load %arg6[%get3A_19, %get3A_20, %get3A_21] : memref<1x768x1024xf32, #tpu.memory_space<vmem>>, vector<1x768x1024xf32>
      %get3A_23 = vector.shape_cast %get3A_22 : vector<1x768x1024xf32> to vector<768x1024xf32>
      %dot_general3A_24 = arith.constant dense<0.000000e+00> : vector<64x1024xf32>
      %dot_general3A_25 = tpu.matmul %get3A_12, %get3A_23, %dot_general3A_24 {dimension_numbers = #tpu.dot_dimension_numbers<[1], [0], [0], [1], [0, 0, 1, 1], [], []>, transpose_lhs_hint = false} : vector<64x768xf32>, vector<768x1024xf32>, vector<64x1024xf32> -> vector<64x1024xf32>
      %neg3A = arith.constant 0.000000e+00 : f32
      %neg3A_26 = vector.broadcast %neg3A : f32 to vector<64x1024xf32>
      %neg3A_27 = arith.subf %neg3A_26, %dot_general3A_18 : vector<64x1024xf32>
      %exp3A = math.exp %neg3A_27 : vector<64x1024xf32>
      %add3A = arith.constant 1.000000e+00 : f32
      %add3A_28 = vector.broadcast %add3A : f32 to vector<64x1024xf32>
      %add3A_29 = arith.addf %add3A_28, %exp3A : vector<64x1024xf32>
      %div3A = arith.constant 1.000000e+00 : f32
      %div3A_30 = vector.broadcast %div3A : f32 to vector<64x1024xf32>
      %div3A_31 = arith.divf %div3A_30, %add3A_29 : vector<64x1024xf32>
      %mul3A = arith.mulf %dot_general3A_18, %div3A_31 : vector<64x1024xf32>
      %mul3A_32 = arith.mulf %mul3A, %dot_general3A_25 : vector<64x1024xf32>
      %get3A_33 = arith.constant 0 : index
      %get3A_34 = arith.constant 0 : index
      %get3A_35 = arith.constant 0 : index
      %get3A_36 = vector.load %arg7[%get3A_33, %get3A_34, %get3A_35] : memref<1x1024x768xf32, #tpu.memory_space<vmem>>, vector<1x1024x768xf32>
      %get3A_37 = vector.shape_cast %get3A_36 : vector<1x1024x768xf32> to vector<1024x768xf32>
      %dot_general3A_38 = arith.constant dense<0.000000e+00> : vector<64x768xf32>
      %dot_general3A_39 = tpu.matmul %mul3A_32, %get3A_37, %dot_general3A_38 {dimension_numbers = #tpu.dot_dimension_numbers<[1], [0], [0], [1], [0, 0, 1, 1], [], []>, transpose_lhs_hint = false} : vector<64x1024xf32>, vector<1024x768xf32>, vector<64x768xf32> -> vector<64x768xf32>
      %swap3A = arith.constant 0 : index
      %swap3A_40 = arith.constant 0 : index
      %swap3A_41 = vector.load %arg8[%swap3A, %swap3A_40] : memref<64x768xf32, #tpu.memory_space<vmem>>, vector<64x768xf32>
      tpu.vector_store %arg8[%swap3A, %swap3A_40], %dot_general3A_39 {strides = array<i32>} : memref<64x768xf32, #tpu.memory_space<vmem>>, vector<64x768xf32>,
    } else {
    }
    %get3A_3 = arith.index_cast %arg0 : i32 to index
    %get3A_4 = memref.load %arg3[%get3A_3] : memref<128xi32, #tpu.memory_space<smem>>
    %eq3A_5 = arith.constant 0 : i32
    %eq3A_6 = arith.cmpi eq, %get3A_4, %eq3A_5 : i32
    %convert_element_type3A_7 = arith.extui %eq3A_6 : i1 to i32
    %cond3A_8 = arith.constant 0 : i32
    %cond3A_9 = arith.cmpi ne, %convert_element_type3A_7, %cond3A_8 : i32
    scf.if %cond3A_9 {
      %broadcast_in_dim3A = arith.constant 0.000000e+00 : f32
      %broadcast_in_dim3A_10 = vector.broadcast %broadcast_in_dim3A : f32 to vector<64x768xf32>
      %swap3A = arith.constant 0 : index
      %swap3A_11 = arith.constant 0 : index
      %swap3A_12 = vector.load %arg8[%swap3A, %swap3A_11] : memref<64x768xf32, #tpu.memory_space<vmem>>, vector<64x768xf32>
      tpu.vector_store %arg8[%swap3A, %swap3A_11], %broadcast_in_dim3A_10 {strides = array<i32>} : memref<64x768xf32, #tpu.memory_space<vmem>>, vector<64x768xf32>,
    } else {
    }
    return
  }
  func.func @transform_0(%arg0: i32, %arg1: memref<128xi32, #tpu.memory_space<smem>>, %arg2: memref<128xi32, #tpu.memory_space<smem>>, %arg3: memref<128xi32, #tpu.memory_space<smem>>) -> (i32, i32) {
    %get3A = arith.index_cast %arg0 : i32 to index
    %get3A_0 = memref.load %arg2[%get3A] : memref<128xi32, #tpu.memory_space<smem>>
    %c0_i32 = arith.constant 0 : i32
    %c0_i32_1 = arith.constant 0 : i32
    return %get3A_0, %c0_i32 : i32, i32
  }
  func.func @transform_1(%arg0: i32, %arg1: memref<128xi32, #tpu.memory_space<smem>>, %arg2: memref<128xi32, #tpu.memory_space<smem>>, %arg3: memref<128xi32, #tpu.memory_space<smem>>) -> (i32, i32, i32) {
    %get3A = arith.index_cast %arg0 : i32 to index
    %get3A_0 = memref.load %arg1[%get3A] : memref<128xi32, #tpu.memory_space<smem>>
    %c0_i32 = arith.constant 0 : i32
    %c0_i32_1 = arith.constant 0 : i32
    %c0_i32_2 = arith.constant 0 : i32
    return %get3A_0, %c0_i32, %c0_i32_1 : i32, i32, i32
  }
  func.func @transform_2(%arg0: i32, %arg1: memref<128xi32, #tpu.memory_space<smem>>, %arg2: memref<128xi32, #tpu.memory_space<smem>>, %arg3: memref<128xi32, #tpu.memory_space<smem>>) -> (i32, i32, i32) {
    %get3A = arith.index_cast %arg0 : i32 to index
    %get3A_0 = memref.load %arg1[%get3A] : memref<128xi32, #tpu.memory_space<smem>>
    %c0_i32 = arith.constant 0 : i32
    %c0_i32_1 = arith.constant 0 : i32
    %c0_i32_2 = arith.constant 0 : i32
    return %get3A_0, %c0_i32, %c0_i32_1 : i32, i32, i32
  }
  func.func @transform_3(%arg0: i32, %arg1: memref<128xi32, #tpu.memory_space<smem>>, %arg2: memref<128xi32, #tpu.memory_space<smem>>, %arg3: memref<128xi32, #tpu.memory_space<smem>>) -> (i32, i32, i32) {
    %get3A = arith.index_cast %arg0 : i32 to index
    %get3A_0 = memref.load %arg1[%get3A] : memref<128xi32, #tpu.memory_space<smem>>
    %c0_i32 = arith.constant 0 : i32
    %c0_i32_1 = arith.constant 0 : i32
    %c0_i32_2 = arith.constant 0 : i32
    return %get3A_0, %c0_i32, %c0_i32_1 : i32, i32, i32
  }
  func.func @transform_4(%arg0: i32, %arg1: memref<128xi32, #tpu.memory_space<smem>>, %arg2: memref<128xi32, #tpu.memory_space<smem>>, %arg3: memref<128xi32, #tpu.memory_space<smem>>) -> (i32, i32) {
    %get3A = arith.index_cast %arg0 : i32 to index
    %get3A_0 = memref.load %arg2[%get3A] : memref<128xi32, #tpu.memory_space<smem>>
    %c0_i32 = arith.constant 0 : i32
    %c0_i32_1 = arith.constant 0 : i32
    return %get3A_0, %c0_i32 : i32, i32
  }
}

module attributes {stable_mosaic.version = 14 : i64} {
  func.func @_add_kernel(%arg0: i32, %arg1: memref<256x768xf32, #tpu.memory_space<vmem>>, %arg2: memref<256x768xf32, #tpu.memory_space<vmem>>, %arg3: memref<256x768xf32, #tpu.memory_space<vmem>>) attributes {dimension_semantics = [#tpu.dimension_semantics<arbitrary>], iteration_bounds = array<i64: 8>, scalar_prefetch = 0 : i64, scratch_operands = 0 : i64, tpu.core_type = #tpu.core_type<tc>, window_params = [{transform_indices = @transform_0, window_bounds = array<i64: 256, 768>}, {transform_indices = @transform_1, window_bounds = array<i64: 256, 768>}, {transform_indices = @transform_2, window_bounds = array<i64: 256, 768>}]} {
    %get3A = arith.constant 0 : index
    %get3A_0 = arith.constant 0 : index
    %get3A_1 = vector.load %arg1[%get3A, %get3A_0] : memref<256x768xf32, #tpu.memory_space<vmem>>, vector<256x768xf32>
    %get3A_2 = arith.constant 0 : index
    %get3A_3 = arith.constant 0 : index
    %get3A_4 = vector.load %arg2[%get3A_2, %get3A_3] : memref<256x768xf32, #tpu.memory_space<vmem>>, vector<256x768xf32>
    %add3A = arith.addf %get3A_1, %get3A_4 : vector<256x768xf32>
    %swap3A = arith.constant 0 : index
    %swap3A_5 = arith.constant 0 : index
    %swap3A_6 = vector.load %arg3[%swap3A, %swap3A_5] : memref<256x768xf32, #tpu.memory_space<vmem>>, vector<256x768xf32>
    tpu.vector_store %arg3[%swap3A, %swap3A_5], %add3A {strides = array<i32>} : memref<256x768xf32, #tpu.memory_space<vmem>>, vector<256x768xf32>,
    return
  }
  func.func @transform_0(%arg0: i32) -> (i32, i32) {
    %c0_i32 = arith.constant 0 : i32
    %c0_i32_0 = arith.constant 0 : i32
    return %arg0, %c0_i32 : i32, i32
  }
  func.func @transform_1(%arg0: i32) -> (i32, i32) {
    %c0_i32 = arith.constant 0 : i32
    %c0_i32_0 = arith.constant 0 : i32
    return %arg0, %c0_i32 : i32, i32
  }
  func.func @transform_2(%arg0: i32) -> (i32, i32) {
    %c0_i32 = arith.constant 0 : i32
    %c0_i32_0 = arith.constant 0 : i32
    return %arg0, %c0_i32 : i32, i32
  }
}

</mosaic_0001>

<sc_bundles>
// kernel: kernel.11.cloned.1.call-start
scs
__scs_entry_jumppad:
0x0: {  	(pc) =	sbr.rel $0x88, $3  }
0x1: {  	(tag) =	ssettag $0x0;
	lr =	simm.s32 $0x1  }
0x2: {  	[smem:$0x3F90] =	sst lr;
	_ =	strace $0xD0000000  }
0x3: {  	_ = 	snop  }
0x4: {  	_ = 	snop  }
0x5: {  	_ = 	snop  }
0x6: {  	_ = 	snop  }
0x7: {  	_ = 	snop  }
__scs_overlays_trampoline_lowered:
0x8: {  	[smem:$0x3F9F] =	sst s0  }
0x9: {  	[smem:$0x3FA0] =	sst s1  }
0xa: {  	[smem:$0x3FA1] =	sst s2  }
0xb: {  	[smem:$0x3FA2] =	sst s3  }
0xc: {  	[smem:$0x3FA3] =	sst s4  }
0xd: {  	[smem:$0x3FA4] =	sst s5  }
0xe: {  	[smem:$0x3FA5] =	sst s6  }
0xf: {  	[smem:$0x3FA6] =	sst s7  }
0x10: {  	[smem:$0x3FA7] =	sst s8  }
0x11: {  	[smem:$0x3FA8] =	sst s9;
	s0 =	simm.s32 @!p0 $0x0  }
0x12: {  	s1 =	sld [smem:$0x3F8E];
	s0 =	simm.s32 @p0 $0x1  }
0x13: {  	[smem:$0x3FA9] =	sst s0;
	s0 =	simm.s32 @!p1 $0x0  }
0x14: {  	s2 =	sld [smem:$0x3F8D];
	s0 =	simm.s32 @p1 $0x1  }
0x15: {  	[smem:$0x3FAA] =	sst s0;
	s0 =	simm.s32 @!p2 $0x0  }
0x16: {  	s3 =	sld [smem:$0x3FDB];
	s0 =	simm.s32 @p2 $0x1  }
0x17: {  	s4 =	simm.s32 $0x1BF5;
	[smem:$0x3FAC] =	sst s0  }
0x18: {  	s0 =	sld [smem:$0x3F8F];
	_ =	swait.ge [sflag:s4], $0x0  }
0x19: {  	s7 =	sld [smem:$0x3F90]  }
0x1a: {  	s8 =	sadd.s32 $0xFFFFE003, lr  }
0x1b: {  	s9 =	sadd.s32 $0xFFFFFEF7, lr;
	s5 =	simm.s32 $0xFFFFFFFF;
	p2 =	slt.u32 s8, $0xFFFFF086  }
0x1c: {  	p1 =	slt.u32 s9, $0xF7A;
	s5 =	simm.s32 @!p2 $0x0  }
0x1d: {  	s5 =	simm.s32 @p1 $0x1;
	p0 =	seq.s32 s7, s2  }
0x1e: {  	s7 =	smul.u32 @!p0 $0xF7A, s2;
	p2 =	seq.s32 @!p0 s5, $0x0  }
0x1f: {  	s9 =	smul.u32 $0xF7A, s1;
	s8 =	simm.s32 @!p0 $0x1BF5;
	p2 =	por !p2, p0  }
0x20: {  	[sflag:s8] =	ssyncset.s32 @!p0 $0xFFFFF086;
	s6 =	sadd.s32 @!p0 s3, s7;
	s7 =	simm.s32 @!p0 $0x108  }
0x21: {  	s3 =	sadd.s32 s3, s9;
	s6 =	sadd.s32 @!p0 $0x88, s6;
	s7 =	simm.s32 @p2 $0x1082  }
0x22: {  	[simem:s7], [sflag:s8] =	dma.local @!p0 [hbm:s6], $0xF7A  }
0x23: {  	s9 =	sor.u32 $0xD0000000, s2;
	s6 =	simm.s32 $0x108;
	_ =	swait.ge @!p0 [sflag:s8], $0x0  }
0x24: {  	s3 =	sadd.s32 $0x88, s3;
	s6 =	simm.s32 @!p1 $0x1082;
	[sflag:s4] =	ssyncset.s32 $0xFFFFF086  }
0x25: {  	[simem:s6], [sflag:s4] =	dma.local [hbm:s3], $0xF7A  }
0x26: {  	[smem:$0x3F90] =	sst s1;
	(tag) =	ssettag s2;
	_ =	strace s9  }
0x27: {  	s1 =	sld [smem:$0x3FA0]  }
0x28: {  	s2 =	sld [smem:$0x3FA1]  }
0x29: {  	s4 =	sld [smem:$0x3FA3]  }
0x2a: {  	p0 =	seq.s32 s5, $0x0;
	s5 =	sld [smem:$0x3FA4]  }
0x2b: {  	s6 =	sld [smem:$0x3FA5]  }
0x2c: {  	s7 =	sld [smem:$0x3FA6]  }
0x2d: {  	s3 =	simm.s32 $0x108;
	s8 =	sld [smem:$0x3FA7]  }
0x2e: {  	s3 =	simm.s32 @!p0 $0x1082;
	s9 =	sld [smem:$0x3FA8]  }
0x2f: {  	lr =	sadd.s32 s0, s3;
	s0 =	sld [smem:$0x3F9F]  }
0x30: {  	s3 =	sld [smem:$0x3FA2]  }
0x31: {  	[smem:$0x3FAB] =	sst s10  }
0x32: {  	s10 =	sld [smem:$0x3FA9];
	_ =	sdelay $0x3  }
0x33: {  	p0 =	seq.s32 s10, $0x1;
	s10 =	sld [smem:$0x3FAB];
	_ =	sdelay $0x3  }
0x34: {  	[smem:$0x3FAB] =	sst s10  }
0x35: {  	s10 =	sld [smem:$0x3FAA];
	_ =	sdelay $0x3  }
0x36: {  	p1 =	seq.s32 s10, $0x1;
	s10 =	sld [smem:$0x3FAB];
	_ =	sdelay $0x3  }
0x37: {  	[smem:$0x3FAB] =	sst s10  }
0x38: {  	s10 =	sld [smem:$0x3FAC]  }
0x39: {  	_ = 	snop;
	(pc) =	sbr.ind lr, $3  }
0x3a: {  	_ = 	snop  }
0x3b: {  	_ = 	snop  }
0x3c: {  	p2 =	seq.s32 s10, $0x1;
	s10 =	sld [smem:$0x3FAB]  }
0x3d: {  	_ =	shalt  }
0x3e: {  	_ =	shalt  }
0x3f: {  	_ =	shalt  }
0x40: {  	_ =	shalt  }
0x41: {  	_ =	shalt  }
0x42: {  	_ =	shalt  }
0x43: {  	_ =	shalt  }
0x44: {  	_ =	shalt  }
0x45: {  	_ =	shalt  }
0x46: {  	_ =	shalt  }
0x47: {  	_ =	shalt  }
0x48: {  	_ =	shalt  }
0x49: {  	_ =	shalt  }
0x4a: {  	_ =	shalt  }
0x4b: {  	_ =	shalt  }
0x4c: {  	_ =	shalt  }
0x4d: {  	_ =	shalt  }
0x4e: {  	_ =	shalt  }
0x4f: {  	_ =	shalt  }
0x50: {  	_ =	shalt  }
0x51: {  	_ =	shalt  }
0x52: {  	_ =	shalt  }
0x53: {  	_ =	shalt  }
0x54: {  	_ =	shalt  }
0x55: {  	_ =	shalt  }
0x56: {  	_ =	shalt  }
0x57: {  	_ =	shalt  }
0x58: {  	_ =	shalt  }
0x59: {  	_ =	shalt  }
0x5a: {  	_ =	shalt  }
0x5b: {  	_ =	shalt  }
0x5c: {  	_ =	shalt  }
0x5d: {  	_ =	shalt  }
0x5e: {  	_ =	shalt  }
0x5f: {  	_ =	shalt  }
0x60: {  	_ =	shalt  }
0x61: {  	_ =	shalt  }
0x62: {  	_ =	shalt  }
0x63: {  	_ =	shalt  }
0x64: {  	_ =	shalt  }
0x65: {  	_ =	shalt  }
0x66: {  	_ =	shalt  }
0x67: {  	_ =	shalt  }
0x68: {  	_ =	shalt  }
0x69: {  	_ =	shalt  }
0x6a: {  	_ =	shalt  }
0x6b: {  	_ =	shalt  }
0x6c: {  	_ =	shalt  }
0x6d: {  	_ =	shalt  }
0x6e: {  	_ =	shalt  }
0x6f: {  	_ =	shalt  }
0x70: {  	_ =	shalt  }
0x71: {  	_ =	shalt  }
0x72: {  	_ =	shalt  }
0x73: {  	_ =	shalt  }
0x74: {  	_ =	shalt  }
0x75: {  	_ =	shalt  }
0x76: {  	_ =	shalt  }
0x77: {  	_ =	shalt  }
0x78: {  	_ =	shalt  }
0x79: {  	_ =	shalt  }
0x7a: {  	_ =	shalt  }
0x7b: {  	_ =	shalt  }
0x7c: {  	_ =	shalt  }
0x7d: {  	_ =	shalt  }
0x7e: {  	_ =	shalt  }
0x7f: {  	_ =	shalt  }
0x80: {  	_ =	shalt  }
0x81: {  	_ =	shalt  }
0x82: {  	_ =	shalt  }
0x83: {  	_ =	shalt  }
0x84: {  	_ =	shalt  }
0x85: {  	_ =	shalt  }
0x86: {  	_ =	shalt  }
0x87: {  	_ =	shalt  }
.Lfunc_end0:
.L_simem_size_0:
called_computation.1_lowered:
.L_overlay_start_0:
0x88: {  	s2 =	sld [smem:$0x3FD9]  }
0x89: {  	s3 =	sld [smem:$0x3FFE];
	_ =	sdelay $0x1  }
0x8a: {  	s1 =	srdreg.scid  }
0x8b: {  	s0 =	sand.u32 $0x1, s1  }
0x8c: {  	s16 =	sshll.u32 s0, $0xA;
	s2 =	sadd.s32 s3, s2  }
0x8d: {  	s2 =	sadd.s32 s2, s16  }
0x8e: {  	[smem:$0x3FB7] =	sst s2  }
0x8f: {  	_ = 	snop  }
0x90: {  	(tm) =	ssettm $0x1  }
0x91: {  	s17 =	sld [smem:$0x3FFB];
	_ =	sdelay $0x3  }
0x92: {  	_ =	strace s17  }
0x93: {  	s2 =	sld [smem:$0x3FFC];
	_ =	sdelay $0x3  }
0x94: {  	_ =	strace s2  }
0x95: {  	s2 =	sld [smem:$0x3FFD];
	_ =	sdelay $0x3  }
0x96: {  	_ =	strace s2  }
0x97: {  	_ =	strace $0x8FFFFFFF  }
0x98: {  	s18 =	sld [smem:$0x3FDB];
	_ =	sdelay $0x1  }
0x99: {  	s19 =	simm.s32 $_scs_section_size  }
0x9a: {  	s4 =	simm.s32 $_size__tile_overlayer_lowered;
	s5 =	simm.s32 $_tile_overlayer_lowered  }
0x9b: {  	s22 =	simm.s32 $0x1BFF;
	s21 =	sshll.u32 s5, $0x1;
	s2 =	sadd.s32 s19, s18  }
0x9c: {  	s6 =	simm.s32 $0x0;
	s20 =	sshll.u32 s4, $0x1;
	s4 =	sadd.s32 s21, s2  }
0x9d: {  	[timem:s6], [sflag:s22] =	dma.local [hbm:s4], s20  }
0x9e: {  	_ =	swait.ge [sflag:s22], s20  }
0x9f: {  	s3 =	ssub.s32 $0x0, s20;
	[sflag:s22] =	ssyncset.done $0x0  }
0xa0: {  	[sflag:s22] =	ssyncadd.s32 s3;
	_ =	sdelay $0x1  }
0xa1: {  	s23 =	simm.s32 $0x1B8B  }
0xa2: {  	_ =	swait.ge [sflag:s23], $0x1  }
0xa3: {  	[sflag:s23] =	ssyncset.done $0x0  }
0xa4: {  	s25 =	simm.s32 $0x1B8E;
	s24 =	sld [smem:$0x3FFE];
	[sflag:s23] =	ssyncadd.s32 $0xFFFFFFFF  }
0xa5: {  	s26 =	simm.s32 $execute0_lowered;
	[smem:$0x3FD2] =	sst s25  }
0xa6: {  	s4 =	sshll.u32 s26, $0x1;
	_ =	strace $0x80000049;
	[dreg:$0x1] =	wrdreg $0xFFFFFFFF  }
0xa7: {  	s28 =	simm.s32 $_size_execute0_lowered;
	s2 =	sadd.s32 s2, s4;
	[dreg:$0x0] =	wrdreg $0x0  }
0xa8: {  	s4 =	sshll.u32 s28, $0x1;
	[dreg:$0x2] =	wrdreg s2  }
0xa9: {  	[dreg:$0x3] =	wrdreg s4  }
0xaa: {  	[dreg:$0x4] =	wrdreg $0xC0  }
0xab: {  	_ =	task [dreg:s6], $0x5FFFF  }
0xac: {  	[dreg:$0x1] =	wrdreg $0xFFFFFFFF  }
0xad: {  	[dreg:$0x0] =	wrdreg $0x60  }
0xae: {  	[dreg:$0x2] =	wrdreg s24  }
0xaf: {  	[dreg:$0x3] =	wrdreg $0x9  }
0xb0: {  	_ =	task.clear_ibuf [dreg:s6], $0x4FFFF;
	_ =	strace $0x90000049  }
0xb1: {  	s29 =	simm.s32 $0x9;
	_ =	strace $0x8000004B  }
0xb2: {  	_ =	swait.ge [sflag:s29], $0x1  }
0xb3: {  	[sflag:s29] =	ssyncadd.s32 $0xFFFFFFFF  }
0xb4: {  	_ =	strace $0x9000004B  }
0xb5: {  	_ =	sfence  }
0xb6: {  	s30 =	sld [smem:$0x0];
	_ =	sdelay $0x2  }
0xb7: {  	s31 =	sshll.u32 s1, $0xD;
	s1 =	sshrl.u32 s1, $0x2  }
0xb8: {  	s3 =	sand.u32 $0x4000, s31;
	s1 =	sadd.s32 s1, s30  }
0xb9: {  	s0 =	sor.u32 s3, s0;
	s1 =	sshll.u32 s1, $0x11  }
0xba: {  	s0 =	sor.u32 s1, s0  }
0xbb: {  	s0 =	sadd.s32 $0x8F2B, s0  }
0xbc: {  	[sflag:s0] =	ssyncadd.remote.s32 $0x1  }
0xbd: {  	_ =	sfence.sel $0xFFFF  }
0xbe: {  	[dreg:$0x0] =	wrdreg $0xFFFFFFFF;
	(pc) =	sbr.abs _section_cstart, $3  }
0xbf: {  	[dreg:$0x1] =	wrdreg $0xFFFFFFFF  }
0xc0: {  	_ =	task.clear_ibuf [dreg:s6], $0x2FFFF;
	_ =	strace $0x9FFFFFFF  }
0xc1: {  	(tm) =	ssettm $0x7FFFFFFF  }
tec
execute0_lowered:
.L_overlay_start_1:
0x0: {  	(tag) =	ssettag $0x1  }
0x1: {  	s0 =	rddreg [dreg:$0x0]  }
0x2: {  	s2 =	srdreg.scid;
	s1 =	stileid.u32  }
0x3: {  	s8 =	simm.s32 $0x80;
	s26 =	simm.s32 $0x880;
	s9 =	simm.s32 $0x1080  }
0x4: {  	s10 =	simm.s32 $0x1880;
	s11 =	simm.s32 $0x2080;
	s12 =	simm.s32 $0x2880  }
0x5: {  	s13 =	simm.s32 $0x3080;
	s14 =	simm.s32 $0x3880;
	s15 =	simm.s32 $0x4080  }
0x6: {  	s16 =	simm.s32 $0x4880;
	s17 =	simm.s32 $0x5080;
	s18 =	simm.s32 $0x5880  }
0x7: {  	s19 =	simm.s32 $0x6080;
	s20 =	simm.s32 $0x6880;
	s21 =	simm.s32 $0x7080  }
0x8: {  	s22 =	simm.s32 $0x7880;
	s23 =	simm.s32 $0x8080;
	s24 =	simm.s32 $0x8880  }
0x9: {  	s28 =	simm.s32 $0xA080;
	s29 =	simm.s32 $0xA880;
	s30 =	simm.s32 $0xB080  }
0xa: {  	s31 =	simm.s32 $0xB880;
	s3 =	sand.u32 $0x1, s2;
	s2 =	simm.s32 $0x0  }
0xb: {  	s4 =	sshll.u32 s1, $0x4;
	s5 =	sshll.u32 s3, $0x3;
	[smem:$0x7FF] =	sst s2  }
0xc: {  	s6 =	ssub.s32 $0x2, s3;
	s3 =	sadd.s32 $0x32600, s0;
	s4 =	sor.u32 s5, s4  }
0xd: {  	_ =	strace $0x8000004A;
	s7 =	sshrl.u32 s6, $0x1;
	[dreg:$0x4] =	wrdreg s26  }
0xe: {  	s26 =	simm.s32 $0x9880;
	s5 =	smul.u32 $0x300, s4;
	s4 =	sadd.s32 s4, s0  }
0xf: {  	s6 =	ssub.s32 s6, s7;
	s7 =	simm.s32 $0x2;
	s4 =	sadd.s32 $0x32400, s4  }
0x10: {  	v2 =	vlaneseq.u32;
	s6 =	smax.u32 s6, $0x1;
	s5 =	sadd.s32 s5, s0;
	[dreg:$0x2] =	wrdreg s4  }
0x11: {  	vm0 =	vmmov $0xffff;
	v1 =	vshrl.u32 v2, $0x3;
	s4 =	sadd.s32 $0x32700, s0;
	s25 =	sadd.s32 $0x2400, s5;
	s5 =	sadd.s32 $0x32800, s0  }
0x12: {  	v0 =	vand.u32 $0x7, v2;
	v2 =	vor.u32 $0x8, v2;
	v1 =	vmul.u32 $0x8, v1;
	s0 =	simm.s32 $0x1;
	[dreg:$0x3] =	wrdreg s25;
	s25 =	simm.s32 $0x9080  }
.LBB2_1:
0x13: {  	s1 =	rddreg [dreg:$0x2]  }
0x14: {  	[tilespmem:s2], [sflag:$0x2] =	stream.linear.gather [hbm4b:s1+s2], $0x40, $0x38;
	[tilespmem:$0xC080] =	vst v63  }
0x15: {  	_ =	swait.ge [sflag:s7], $0x40  }
0x16: {  	[sflag:s7] =	ssyncset.done $0x0  }
0x17: {  	[sflag:s7] =	ssyncadd.s32 $0xFFFFFFC0  }
0x18: {  	v3 =	vld [tilespmem:$0x0];
	_ =	sdelay $0x4  }
0x19: {  	v4 =	vshrl.u32 v3, $0x3  }
0x1a: {  	v4 =	vmul.u32 $0x30, v4  }
0x1b: {  	v3 =	vand.u32 $0x7, v3  }
0x1c: {  	v3 =	vor.u32 v3, v4  }
0x1d: {  	v4 =	vperm.xlane v3, v0;
	_ =	sdelay $0x1  }
0x1e: {  	v4 =	vadd.s32 v1, v4;
	_ =	sdelay $0x3  }
0x1f: {  	v3 =	vperm.xlane v3, v2  }
0x20: {  	[tilespmem:s8], [sflag:$0x1] =	stream.indirect_vreg.gather [hbm4b:s3+s2], $0x80, v4, vm0, $0xb8;
	[tilespmem:$0xC080] =	vst v63  }
0x21: {  	s1 =	rddreg [dreg:$0x4];
	v3 =	vadd.s32 v1, v3  }
0x22: {  	[tilespmem:s1], [sflag:$0x1] =	stream.indirect_vreg.gather [hbm4b:s4+s2], $0x80, v4, vm0, $0xb8;
	[tilespmem:$0xC080] =	vst v63  }
0x23: {  	_ = 	snop  }
0x24: {  	[tilespmem:s9], [sflag:$0x1] =	stream.indirect_vreg.gather [hbm4b:s5+s2], $0x80, v4, vm0, $0xb8;
	[tilespmem:$0xC080] =	vst v63  }
0x25: {  	_ = 	snop  }
0x26: {  	[tilespmem:s10], [sflag:$0x1] =	stream.indirect_vreg.gather [hbm4b:s3+s2], $0x80, v3, vm0, $0xb8;
	[tilespmem:$0xC080] =	vst v63  }
0x27: {  	_ = 	snop  }
0x28: {  	[tilespmem:s11], [sflag:$0x1] =	stream.indirect_vreg.gather [hbm4b:s4+s2], $0x80, v3, vm0, $0xb8;
	[tilespmem:$0xC080] =	vst v63  }
0x29: {  	_ = 	snop  }
0x2a: {  	[tilespmem:s12], [sflag:$0x1] =	stream.indirect_vreg.gather [hbm4b:s5+s2], $0x80, v3, vm0, $0xb8;
	[tilespmem:$0xC080] =	vst v63  }
0x2b: {  	v3 =	vld [tilespmem:$0x10];
	_ =	sdelay $0x4  }
0x2c: {  	v61 =	vshrl.u32 v3, $0x3  }
0x2d: {  	v4 =	vmul.u32 $0x30, v61  }
0x2e: {  	v3 =	vand.u32 $0x7, v3  }
0x2f: {  	v3 =	vor.u32 v3, v4  }
0x30: {  	v4 =	vperm.xlane v3, v0;
	_ =	sdelay $0x1  }
0x31: {  	v4 =	vadd.s32 v1, v4;
	_ =	sdelay $0x3  }
0x32: {  	v3 =	vperm.xlane v3, v2  }
0x33: {  	[tilespmem:s13], [sflag:$0x1] =	stream.indirect_vreg.gather [hbm4b:s3+s2], $0x80, v4, vm0, $0xb8;
	[tilespmem:$0xC080] =	vst v63  }
0x34: {  	v3 =	vadd.s32 v1, v3  }
0x35: {  	[tilespmem:s14], [sflag:$0x1] =	stream.indirect_vreg.gather [hbm4b:s4+s2], $0x80, v4, vm0, $0xb8;
	[tilespmem:$0xC080] =	vst v63  }
0x36: {  	_ = 	snop  }
0x37: {  	[tilespmem:s15], [sflag:$0x1] =	stream.indirect_vreg.gather [hbm4b:s5+s2], $0x80, v4, vm0, $0xb8;
	[tilespmem:$0xC080] =	vst v63  }
0x38: {  	_ = 	snop  }
0x39: {  	[tilespmem:s16], [sflag:$0x1] =	stream.indirect_vreg.gather [hbm4b:s3+s2], $0x80, v3, vm0, $0xb8;
	[tilespmem:$0xC080] =	vst v63  }
0x3a: {  	_ = 	snop  }
0x3b: {  	[tilespmem:s17], [sflag:$0x1] =	stream.indirect_vreg.gather [hbm4b:s4+s2], $0x80, v3, vm0, $0xb8;
	[tilespmem:$0xC080] =	vst v63  }
0x3c: {  	_ = 	snop  }
0x3d: {  	[tilespmem:s18], [sflag:$0x1] =	stream.indirect_vreg.gather [hbm4b:s5+s2], $0x80, v3, vm0, $0xb8;
	[tilespmem:$0xC080] =	vst v63  }
0x3e: {  	v3 =	vld [tilespmem:$0x20];
	_ =	sdelay $0x4  }
0x3f: {  	v62 =	vshrl.u32 v3, $0x3  }
0x40: {  	v4 =	vmul.u32 $0x30, v62  }
0x41: {  	v3 =	vand.u32 $0x7, v3  }
0x42: {  	v3 =	vor.u32 v3, v4  }
0x43: {  	v4 =	vperm.xlane v3, v0;
	_ =	sdelay $0x1  }
0x44: {  	v4 =	vadd.s32 v1, v4;
	_ =	sdelay $0x3  }
0x45: {  	v3 =	vperm.xlane v3, v2  }
0x46: {  	[tilespmem:s19], [sflag:$0x1] =	stream.indirect_vreg.gather [hbm4b:s3+s2], $0x80, v4, vm0, $0xb8;
	[tilespmem:$0xC080] =	vst v63  }
0x47: {  	v3 =	vadd.s32 v1, v3  }
0x48: {  	[tilespmem:s20], [sflag:$0x1] =	stream.indirect_vreg.gather [hbm4b:s4+s2], $0x80, v4, vm0, $0xb8;
	[tilespmem:$0xC080] =	vst v63  }
0x49: {  	_ = 	snop  }
0x4a: {  	[tilespmem:s21], [sflag:$0x1] =	stream.indirect_vreg.gather [hbm4b:s5+s2], $0x80, v4, vm0, $0xb8;
	[tilespmem:$0xC080] =	vst v63  }
0x4b: {  	_ = 	snop  }
0x4c: {  	[tilespmem:s22], [sflag:$0x1] =	stream.indirect_vreg.gather [hbm4b:s3+s2], $0x80, v3, vm0, $0xb8;
	[tilespmem:$0xC080] =	vst v63  }
0x4d: {  	_ = 	snop  }
0x4e: {  	[tilespmem:s23], [sflag:$0x1] =	stream.indirect_vreg.gather [hbm4b:s4+s2], $0x80, v3, vm0, $0xb8;
	[tilespmem:$0xC080] =	vst v63  }
0x4f: {  	_ = 	snop  }
0x50: {  	[tilespmem:s24], [sflag:$0x1] =	stream.indirect_vreg.gather [hbm4b:s5+s2], $0x80, v3, vm0, $0xb8;
	[tilespmem:$0xC080] =	vst v63  }
0x51: {  	v3 =	vld [tilespmem:$0x30];
	_ =	sdelay $0x4  }
0x52: {  	v63 =	vshrl.u32 v3, $0x3  }
0x53: {  	v4 =	vmul.u32 $0x30, v63  }
0x54: {  	v3 =	vand.u32 $0x7, v3  }
0x55: {  	v3 =	vor.u32 v3, v4  }
0x56: {  	v4 =	vperm.xlane v3, v0;
	_ =	sdelay $0x1  }
0x57: {  	v4 =	vadd.s32 v1, v4;
	_ =	sdelay $0x3  }
0x58: {  	v3 =	vperm.xlane v3, v2  }
0x59: {  	[tilespmem:s25], [sflag:$0x1] =	stream.indirect_vreg.gather [hbm4b:s3+s2], $0x80, v4, vm0, $0xb8;
	[tilespmem:$0xC080] =	vst v63  }
0x5a: {  	v3 =	vadd.s32 v1, v3  }
0x5b: {  	[tilespmem:s26], [sflag:$0x1] =	stream.indirect_vreg.gather [hbm4b:s4+s2], $0x80, v4, vm0, $0xb8;
	[tilespmem:$0xC080] =	vst v63  }
0x5c: {  	_ = 	snop  }
0x5d: {  	[tilespmem:s28], [sflag:$0x1] =	stream.indirect_vreg.gather [hbm4b:s5+s2], $0x80, v4, vm0, $0xb8;
	[tilespmem:$0xC080] =	vst v63  }
0x5e: {  	_ = 	snop  }
0x5f: {  	[tilespmem:s29], [sflag:$0x1] =	stream.indirect_vreg.gather [hbm4b:s3+s2], $0x80, v3, vm0, $0xb8;
	[tilespmem:$0xC080] =	vst v63  }
0x60: {  	_ = 	snop  }
0x61: {  	[tilespmem:s30], [sflag:$0x1] =	stream.indirect_vreg.gather [hbm4b:s4+s2], $0x80, v3, vm0, $0xb8;
	[tilespmem:$0xC080] =	vst v63  }
0x62: {  	_ = 	snop  }
0x63: {  	[tilespmem:s31], [sflag:$0x1] =	stream.indirect_vreg.gather [hbm4b:s5+s2], $0x80, v3, vm0, $0xb8;
	[tilespmem:$0xC080] =	vst v63  }
0x64: {  	_ =	swait.ge [sflag:s0], $0xC000  }
0x65: {  	p0 =	sne.s32 s6, $0x1;
	[sflag:s0] =	ssyncset.done $0x0  }
.Ltmp0:
0x66: {  	s1 =	rddreg [dreg:$0x3];
	[sflag:s0] =	ssyncadd.s32 $0xFFFF4000;
	(pc) =	sbr.rel @p0 .LBB2_1-.Ltmp0, $4  }
0x67: {  	[hbm4b:s1+s2] =	stream.linear.scatter [tilespmem:s8], [sflag:$0x2], $0xC000, $0x38;
	[tilespmem:$0xC080] =	vst v63  }
0x68: {  	_ =	swait.ge [sflag:s7], $0xC000  }
0x69: {  	[sflag:s7] =	ssyncset.done $0x0  }
0x6a: {  	s6 =	sadd.s32 $0xFFFFFFFF, s6;
	[sflag:s7] =	ssyncadd.s32 $0xFFFF4000  }
0x6b: {  	_ =	sfence.sel $0x180000  }
0x6c: {  	[bflag:$0x0] =	sbarrier.arrive $0xFFFF  }
0x6d: {  	_ =	strace $0x9000004A  }
0x6e: {  	s0 =	stileid.u32;
	[bflag:$0x2] =	sbarrier.arrive $0xFFFF  }
0x6f: {  	p0 =	sne.s32 s0, $0x0;
	s0 =	rddreg [dreg:$0x1]  }
0x70: {  	s0 =	sadd.s32 @!p0 $0x100000, s0  }
0x71: {  	[sflag:s0] =	ssyncadd.tile.s32 @!p0 $0x1;
	_ =	shalt  }
.Lfunc_end2:
_tile_overlayer_lowered:
.L_overlay_start_2:
0x72: {  	(tag) =	ssettag $0x2  }
0x73: {  	s0 =	rddreg [dreg:$0x0];
	s2 =	stileid.u32  }
0x74: {  	s1 =	rddreg [dreg:$0x1];
	p0 =	sne.s32 s2, $0x0  }
0x75: {  	s3 =	rddreg [dreg:$0x2];
	[bflag:$0x3] =	sbarrier.arrive $0xFFFF;
	s2 =	simm.s32 @!p0 $0x1C02  }
0x76: {  	[timem:s3], [sflag:s2] =	dma.local @!p0 [hbm:s0], s1  }
0x77: {  	s0 =	simm.s32 @!p0 $0x2  }
0x78: {  	_ =	swait.ge @!p0 [sflag:s0], s1  }
0x79: {  	s1 =	ssub.s32 @!p0 $0x0, s1;
	[sflag:s0] =	ssyncset.done @!p0 $0x0  }
0x7a: {  	[sflag:s0] =	ssyncadd.s32 @!p0 s1  }
0x7b: {  	[bflag:$0x3] =	sbarrier.arrive $0xFFFF  }
0x7c: {  	_ =	shalt  }

// kernel: kernel.8.cloned.1.call-start
scs
__scs_entry_jumppad:
0x0: {  	(pc) =	sbr.rel $0x88, $3  }
0x1: {  	(tag) =	ssettag $0x0;
	lr =	simm.s32 $0x1  }
0x2: {  	[smem:$0x3F90] =	sst lr;
	_ =	strace $0xD0000000  }
0x3: {  	_ = 	snop  }
0x4: {  	_ = 	snop  }
0x5: {  	_ = 	snop  }
0x6: {  	_ = 	snop  }
0x7: {  	_ = 	snop  }
__scs_overlays_trampoline_lowered:
0x8: {  	[smem:$0x3F9F] =	sst s0  }
0x9: {  	[smem:$0x3FA0] =	sst s1  }
0xa: {  	[smem:$0x3FA1] =	sst s2  }
0xb: {  	[smem:$0x3FA2] =	sst s3  }
0xc: {  	[smem:$0x3FA3] =	sst s4  }
0xd: {  	[smem:$0x3FA4] =	sst s5  }
0xe: {  	[smem:$0x3FA5] =	sst s6  }
0xf: {  	[smem:$0x3FA6] =	sst s7  }
0x10: {  	[smem:$0x3FA7] =	sst s8  }
0x11: {  	[smem:$0x3FA8] =	sst s9;
	s0 =	simm.s32 @!p0 $0x0  }
0x12: {  	s1 =	sld [smem:$0x3F8E];
	s0 =	simm.s32 @p0 $0x1  }
0x13: {  	[smem:$0x3FA9] =	sst s0;
	s0 =	simm.s32 @!p1 $0x0  }
0x14: {  	s2 =	sld [smem:$0x3F8D];
	s0 =	simm.s32 @p1 $0x1  }
0x15: {  	[smem:$0x3FAA] =	sst s0;
	s0 =	simm.s32 @!p2 $0x0  }
0x16: {  	s3 =	sld [smem:$0x3FDB];
	s0 =	simm.s32 @p2 $0x1  }
0x17: {  	s4 =	simm.s32 $0x1BF5;
	[smem:$0x3FAC] =	sst s0  }
0x18: {  	s0 =	sld [smem:$0x3F8F];
	_ =	swait.ge [sflag:s4], $0x0  }
0x19: {  	s7 =	sld [smem:$0x3F90]  }
0x1a: {  	s8 =	sadd.s32 $0xFFFFE003, lr  }
0x1b: {  	s9 =	sadd.s32 $0xFFFFFEF7, lr;
	s5 =	simm.s32 $0xFFFFFFFF;
	p2 =	slt.u32 s8, $0xFFFFF086  }
0x1c: {  	p1 =	slt.u32 s9, $0xF7A;
	s5 =	simm.s32 @!p2 $0x0  }
0x1d: {  	s5 =	simm.s32 @p1 $0x1;
	p0 =	seq.s32 s7, s2  }
0x1e: {  	s7 =	smul.u32 @!p0 $0xF7A, s2;
	p2 =	seq.s32 @!p0 s5, $0x0  }
0x1f: {  	s9 =	smul.u32 $0xF7A, s1;
	s8 =	simm.s32 @!p0 $0x1BF5;
	p2 =	por !p2, p0  }
0x20: {  	[sflag:s8] =	ssyncset.s32 @!p0 $0xFFFFF086;
	s6 =	sadd.s32 @!p0 s3, s7;
	s7 =	simm.s32 @!p0 $0x108  }
0x21: {  	s3 =	sadd.s32 s3, s9;
	s6 =	sadd.s32 @!p0 $0x88, s6;
	s7 =	simm.s32 @p2 $0x1082  }
0x22: {  	[simem:s7], [sflag:s8] =	dma.local @!p0 [hbm:s6], $0xF7A  }
0x23: {  	s9 =	sor.u32 $0xD0000000, s2;
	s6 =	simm.s32 $0x108;
	_ =	swait.ge @!p0 [sflag:s8], $0x0  }
0x24: {  	s3 =	sadd.s32 $0x88, s3;
	s6 =	simm.s32 @!p1 $0x1082;
	[sflag:s4] =	ssyncset.s32 $0xFFFFF086  }
0x25: {  	[simem:s6], [sflag:s4] =	dma.local [hbm:s3], $0xF7A  }
0x26: {  	[smem:$0x3F90] =	sst s1;
	(tag) =	ssettag s2;
	_ =	strace s9  }
0x27: {  	s1 =	sld [smem:$0x3FA0]  }
0x28: {  	s2 =	sld [smem:$0x3FA1]  }
0x29: {  	s4 =	sld [smem:$0x3FA3]  }
0x2a: {  	p0 =	seq.s32 s5, $0x0;
	s5 =	sld [smem:$0x3FA4]  }
0x2b: {  	s6 =	sld [smem:$0x3FA5]  }
0x2c: {  	s7 =	sld [smem:$0x3FA6]  }
0x2d: {  	s3 =	simm.s32 $0x108;
	s8 =	sld [smem:$0x3FA7]  }
0x2e: {  	s3 =	simm.s32 @!p0 $0x1082;
	s9 =	sld [smem:$0x3FA8]  }
0x2f: {  	lr =	sadd.s32 s0, s3;
	s0 =	sld [smem:$0x3F9F]  }
0x30: {  	s3 =	sld [smem:$0x3FA2]  }
0x31: {  	[smem:$0x3FAB] =	sst s10  }
0x32: {  	s10 =	sld [smem:$0x3FA9];
	_ =	sdelay $0x3  }
0x33: {  	p0 =	seq.s32 s10, $0x1;
	s10 =	sld [smem:$0x3FAB];
	_ =	sdelay $0x3  }
0x34: {  	[smem:$0x3FAB] =	sst s10  }
0x35: {  	s10 =	sld [smem:$0x3FAA];
	_ =	sdelay $0x3  }
0x36: {  	p1 =	seq.s32 s10, $0x1;
	s10 =	sld [smem:$0x3FAB];
	_ =	sdelay $0x3  }
0x37: {  	[smem:$0x3FAB] =	sst s10  }
0x38: {  	s10 =	sld [smem:$0x3FAC]  }
0x39: {  	_ = 	snop;
	(pc) =	sbr.ind lr, $3  }
0x3a: {  	_ = 	snop  }
0x3b: {  	_ = 	snop  }
0x3c: {  	p2 =	seq.s32 s10, $0x1;
	s10 =	sld [smem:$0x3FAB]  }
0x3d: {  	_ =	shalt  }
0x3e: {  	_ =	shalt  }
0x3f: {  	_ =	shalt  }
0x40: {  	_ =	shalt  }
0x41: {  	_ =	shalt  }
0x42: {  	_ =	shalt  }
0x43: {  	_ =	shalt  }
0x44: {  	_ =	shalt  }
0x45: {  	_ =	shalt  }
0x46: {  	_ =	shalt  }
0x47: {  	_ =	shalt  }
0x48: {  	_ =	shalt  }
0x49: {  	_ =	shalt  }
0x4a: {  	_ =	shalt  }
0x4b: {  	_ =	shalt  }
0x4c: {  	_ =	shalt  }
0x4d: {  	_ =	shalt  }
0x4e: {  	_ =	shalt  }
0x4f: {  	_ =	shalt  }
0x50: {  	_ =	shalt  }
0x51: {  	_ =	shalt  }
0x52: {  	_ =	shalt  }
0x53: {  	_ =	shalt  }
0x54: {  	_ =	shalt  }
0x55: {  	_ =	shalt  }
0x56: {  	_ =	shalt  }
0x57: {  	_ =	shalt  }
0x58: {  	_ =	shalt  }
0x59: {  	_ =	shalt  }
0x5a: {  	_ =	shalt  }
0x5b: {  	_ =	shalt  }
0x5c: {  	_ =	shalt  }
0x5d: {  	_ =	shalt  }
0x5e: {  	_ =	shalt  }
0x5f: {  	_ =	shalt  }
0x60: {  	_ =	shalt  }
0x61: {  	_ =	shalt  }
0x62: {  	_ =	shalt  }
0x63: {  	_ =	shalt  }
0x64: {  	_ =	shalt  }
0x65: {  	_ =	shalt  }
0x66: {  	_ =	shalt  }
0x67: {  	_ =	shalt  }
0x68: {  	_ =	shalt  }
0x69: {  	_ =	shalt  }
0x6a: {  	_ =	shalt  }
0x6b: {  	_ =	shalt  }
0x6c: {  	_ =	shalt  }
0x6d: {  	_ =	shalt  }
0x6e: {  	_ =	shalt  }
0x6f: {  	_ =	shalt  }
0x70: {  	_ =	shalt  }
0x71: {  	_ =	shalt  }
0x72: {  	_ =	shalt  }
0x73: {  	_ =	shalt  }
0x74: {  	_ =	shalt  }
0x75: {  	_ =	shalt  }
0x76: {  	_ =	shalt  }
0x77: {  	_ =	shalt  }
0x78: {  	_ =	shalt  }
0x79: {  	_ =	shalt  }
0x7a: {  	_ =	shalt  }
0x7b: {  	_ =	shalt  }
0x7c: {  	_ =	shalt  }
0x7d: {  	_ =	shalt  }
0x7e: {  	_ =	shalt  }
0x7f: {  	_ =	shalt  }
0x80: {  	_ =	shalt  }
0x81: {  	_ =	shalt  }
0x82: {  	_ =	shalt  }
0x83: {  	_ =	shalt  }
0x84: {  	_ =	shalt  }
0x85: {  	_ =	shalt  }
0x86: {  	_ =	shalt  }
0x87: {  	_ =	shalt  }
.Lfunc_end0:
.L_simem_size_0:
called_computation_lowered:
.L_overlay_start_0:
0x88: {  	s2 =	sld [smem:$0x3FD9]  }
0x89: {  	s3 =	sld [smem:$0x3FFE];
	_ =	sdelay $0x1  }
0x8a: {  	s1 =	srdreg.scid  }
0x8b: {  	s0 =	sand.u32 $0x1, s1  }
0x8c: {  	s16 =	sshll.u32 s0, $0xA;
	s2 =	sadd.s32 s3, s2  }
0x8d: {  	s2 =	sadd.s32 s2, s16  }
0x8e: {  	[smem:$0x3FB7] =	sst s2  }
0x8f: {  	_ = 	snop  }
0x90: {  	(tm) =	ssettm $0x1  }
0x91: {  	s17 =	sld [smem:$0x3FFB];
	_ =	sdelay $0x3  }
0x92: {  	_ =	strace s17  }
0x93: {  	s2 =	sld [smem:$0x3FFC];
	_ =	sdelay $0x3  }
0x94: {  	_ =	strace s2  }
0x95: {  	s2 =	sld [smem:$0x3FFD];
	_ =	sdelay $0x3  }
0x96: {  	_ =	strace s2  }
0x97: {  	_ =	strace $0x8FFFFFFF  }
0x98: {  	s18 =	sld [smem:$0x3FDB];
	_ =	sdelay $0x1  }
0x99: {  	s19 =	simm.s32 $_scs_section_size  }
0x9a: {  	s4 =	simm.s32 $_size__tile_overlayer_lowered;
	s5 =	simm.s32 $_tile_overlayer_lowered  }
0x9b: {  	s22 =	simm.s32 $0x1BFF;
	s21 =	sshll.u32 s5, $0x1;
	s2 =	sadd.s32 s19, s18  }
0x9c: {  	s6 =	simm.s32 $0x0;
	s20 =	sshll.u32 s4, $0x1;
	s4 =	sadd.s32 s21, s2  }
0x9d: {  	[timem:s6], [sflag:s22] =	dma.local [hbm:s4], s20  }
0x9e: {  	_ =	swait.ge [sflag:s22], s20  }
0x9f: {  	s3 =	ssub.s32 $0x0, s20;
	[sflag:s22] =	ssyncset.done $0x0  }
0xa0: {  	[sflag:s22] =	ssyncadd.s32 s3;
	_ =	sdelay $0x1  }
0xa1: {  	s23 =	simm.s32 $0x1B8B  }
0xa2: {  	_ =	swait.ge [sflag:s23], $0x1  }
0xa3: {  	[sflag:s23] =	ssyncset.done $0x0  }
0xa4: {  	s25 =	simm.s32 $0x1B8E;
	s24 =	sld [smem:$0x3FFE];
	[sflag:s23] =	ssyncadd.s32 $0xFFFFFFFF  }
0xa5: {  	s26 =	simm.s32 $execute0_lowered;
	[smem:$0x3FD2] =	sst s25  }
0xa6: {  	s4 =	sshll.u32 s26, $0x1;
	_ =	strace $0x80000046;
	[dreg:$0x1] =	wrdreg $0xFFFFFFFF  }
0xa7: {  	s28 =	simm.s32 $_size_execute0_lowered;
	s2 =	sadd.s32 s2, s4;
	[dreg:$0x0] =	wrdreg $0x0  }
0xa8: {  	s4 =	sshll.u32 s28, $0x1;
	[dreg:$0x2] =	wrdreg s2  }
0xa9: {  	[dreg:$0x3] =	wrdreg s4  }
0xaa: {  	[dreg:$0x4] =	wrdreg $0xC0  }
0xab: {  	_ =	task [dreg:s6], $0x5FFFF  }
0xac: {  	[dreg:$0x1] =	wrdreg $0xFFFFFFFF  }
0xad: {  	[dreg:$0x0] =	wrdreg $0x60  }
0xae: {  	[dreg:$0x2] =	wrdreg s24  }
0xaf: {  	[dreg:$0x3] =	wrdreg $0x9  }
0xb0: {  	_ =	task.clear_ibuf [dreg:s6], $0x4FFFF;
	_ =	strace $0x90000046  }
0xb1: {  	s29 =	simm.s32 $0x9;
	_ =	strace $0x80000048  }
0xb2: {  	_ =	swait.ge [sflag:s29], $0x1  }
0xb3: {  	[sflag:s29] =	ssyncadd.s32 $0xFFFFFFFF  }
0xb4: {  	_ =	strace $0x90000048  }
0xb5: {  	_ =	sfence  }
0xb6: {  	s30 =	sld [smem:$0x0];
	_ =	sdelay $0x2  }
0xb7: {  	s31 =	sshll.u32 s1, $0xD;
	s1 =	sshrl.u32 s1, $0x2  }
0xb8: {  	s3 =	sand.u32 $0x4000, s31;
	s1 =	sadd.s32 s1, s30  }
0xb9: {  	s0 =	sor.u32 s3, s0;
	s1 =	sshll.u32 s1, $0x11  }
0xba: {  	s0 =	sor.u32 s1, s0  }
0xbb: {  	s0 =	sadd.s32 $0x8F2B, s0  }
0xbc: {  	[sflag:s0] =	ssyncadd.remote.s32 $0x1  }
0xbd: {  	_ =	sfence.sel $0xFFFF  }
0xbe: {  	[dreg:$0x0] =	wrdreg $0xFFFFFFFF;
	(pc) =	sbr.abs _section_cstart, $3  }
0xbf: {  	[dreg:$0x1] =	wrdreg $0xFFFFFFFF  }
0xc0: {  	_ =	task.clear_ibuf [dreg:s6], $0x2FFFF;
	_ =	strace $0x9FFFFFFF  }
0xc1: {  	(tm) =	ssettm $0x7FFFFFFF  }
tec
execute0_lowered:
.L_overlay_start_1:
0x0: {  	(tag) =	ssettag $0x1  }
0x1: {  	s1 =	srdreg.scid  }
0x2: {  	s0 =	stileid.u32;
	s5 =	rddreg [dreg:$0x0]  }
0x3: {  	s2 =	simm.s32 $0x0;
	s7 =	simm.s32 $0x2;
	s8 =	simm.s32 $0x80  }
0x4: {  	s26 =	simm.s32 $0x880;
	s9 =	simm.s32 $0x1080;
	s10 =	simm.s32 $0x1880  }
0x5: {  	s11 =	simm.s32 $0x2080;
	s12 =	simm.s32 $0x2880;
	s13 =	simm.s32 $0x3080  }
0x6: {  	s14 =	simm.s32 $0x3880;
	s15 =	simm.s32 $0x4080;
	s16 =	simm.s32 $0x4880  }
0x7: {  	s17 =	simm.s32 $0x5080;
	s18 =	simm.s32 $0x5880;
	s19 =	simm.s32 $0x6080  }
0x8: {  	s20 =	simm.s32 $0x6880;
	s21 =	simm.s32 $0x7080;
	s22 =	simm.s32 $0x7880  }
0x9: {  	s23 =	simm.s32 $0x8080;
	s24 =	simm.s32 $0x8880;
	s25 =	simm.s32 $0x9080  }
0xa: {  	s28 =	simm.s32 $0xA080;
	s29 =	simm.s32 $0xA880;
	s30 =	simm.s32 $0xB080  }
0xb: {  	s31 =	simm.s32 $0xB880;
	s1 =	sand.u32 $0x1, s1;
	[smem:$0x7FF] =	sst s2  }
0xc: {  	s3 =	sshll.u32 s0, $0x4;
	s4 =	sshll.u32 s1, $0x3;
	_ =	strace $0x80000047  }
0xd: {  	s1 =	ssub.s32 $0x2, s1;
	[dreg:$0x4] =	wrdreg s26;
	s3 =	sor.u32 s4, s3  }
0xe: {  	s6 =	sshrl.u32 s1, $0x1;
	s4 =	smul.u32 $0x300, s3;
	s3 =	sadd.s32 s3, s5  }
0xf: {  	s26 =	simm.s32 $0x9880;
	s1 =	ssub.s32 s1, s6;
	s3 =	sadd.s32 $0x32400, s3  }
0x10: {  	v2 =	vlaneseq.u32;
	s6 =	smax.u32 s1, $0x1;
	s1 =	simm.s32 $0x1;
	s4 =	sadd.s32 s4, s5  }
0x11: {  	vm0 =	vmmov $0xffff;
	v1 =	vshrl.u32 v2, $0x3;
	[dreg:$0x2] =	wrdreg s3;
	s3 =	sadd.s32 $0x32600, s5;
	s4 =	sadd.s32 $0x2400, s4  }
0x12: {  	v0 =	vand.u32 $0x7, v2;
	v2 =	vor.u32 $0x8, v2;
	v1 =	vmul.u32 $0x8, v1;
	[dreg:$0x3] =	wrdreg s4;
	s4 =	sadd.s32 $0x32700, s5;
	s5 =	sadd.s32 $0x32800, s5  }
.LBB2_1:
0x13: {  	s0 =	rddreg [dreg:$0x2]  }
0x14: {  	[tilespmem:s2], [sflag:$0x2] =	stream.linear.gather [hbm4b:s0+s2], $0x40, $0x38;
	[tilespmem:$0xC080] =	vst v63  }
0x15: {  	_ =	swait.ge [sflag:s7], $0x40  }
0x16: {  	[sflag:s7] =	ssyncset.done $0x0  }
0x17: {  	s0 =	rddreg [dreg:$0x3];
	[sflag:s7] =	ssyncadd.s32 $0xFFFFFFC0  }
0x18: {  	[tilespmem:s8], [sflag:$0x2] =	stream.linear.gather [hbm4b:s0+s2], $0xC000, $0x38;
	[tilespmem:$0xC080] =	vst v63  }
0x19: {  	_ =	swait.ge [sflag:s7], $0xC000  }
0x1a: {  	[sflag:s7] =	ssyncset.done $0x0  }
0x1b: {  	[sflag:s7] =	ssyncadd.s32 $0xFFFF4000  }
0x1c: {  	v3 =	vld [tilespmem:$0x0];
	_ =	sdelay $0x4  }
0x1d: {  	v4 =	vshrl.u32 v3, $0x3  }
0x1e: {  	v4 =	vmul.u32 $0x30, v4  }
0x1f: {  	v3 =	vand.u32 $0x7, v3  }
0x20: {  	v3 =	vor.u32 v3, v4  }
0x21: {  	v4 =	vperm.xlane v3, v0;
	_ =	sdelay $0x1  }
0x22: {  	v4 =	vadd.s32 v1, v4;
	_ =	sdelay $0x3  }
0x23: {  	v3 =	vperm.xlane v3, v2  }
0x24: {  	[hbm4b:s3+s2] =	stream.indirect_vreg.scatter [tilespmem:s8], [sflag:$0x1], $0x80, v4, vm0, $0xb8;
	[tilespmem:$0xC080] =	vst v63  }
0x25: {  	s0 =	rddreg [dreg:$0x4];
	v3 =	vadd.s32 v1, v3  }
0x26: {  	[hbm4b:s4+s2] =	stream.indirect_vreg.scatter [tilespmem:s0], [sflag:$0x1], $0x80, v4, vm0, $0xb8;
	[tilespmem:$0xC080] =	vst v63  }
0x27: {  	_ = 	snop  }
0x28: {  	[hbm4b:s5+s2] =	stream.indirect_vreg.scatter [tilespmem:s9], [sflag:$0x1], $0x80, v4, vm0, $0xb8;
	[tilespmem:$0xC080] =	vst v63  }
0x29: {  	_ = 	snop  }
0x2a: {  	[hbm4b:s3+s2] =	stream.indirect_vreg.scatter [tilespmem:s10], [sflag:$0x1], $0x80, v3, vm0, $0xb8;
	[tilespmem:$0xC080] =	vst v63  }
0x2b: {  	_ = 	snop  }
0x2c: {  	[hbm4b:s4+s2] =	stream.indirect_vreg.scatter [tilespmem:s11], [sflag:$0x1], $0x80, v3, vm0, $0xb8;
	[tilespmem:$0xC080] =	vst v63  }
0x2d: {  	_ = 	snop  }
0x2e: {  	[hbm4b:s5+s2] =	stream.indirect_vreg.scatter [tilespmem:s12], [sflag:$0x1], $0x80, v3, vm0, $0xb8;
	[tilespmem:$0xC080] =	vst v63  }
0x2f: {  	v3 =	vld [tilespmem:$0x10];
	_ =	sdelay $0x4  }
0x30: {  	v61 =	vshrl.u32 v3, $0x3  }
0x31: {  	v4 =	vmul.u32 $0x30, v61  }
0x32: {  	v3 =	vand.u32 $0x7, v3  }
0x33: {  	v3 =	vor.u32 v3, v4  }
0x34: {  	v4 =	vperm.xlane v3, v0;
	_ =	sdelay $0x1  }
0x35: {  	v4 =	vadd.s32 v1, v4;
	_ =	sdelay $0x3  }
0x36: {  	v3 =	vperm.xlane v3, v2  }
0x37: {  	[hbm4b:s3+s2] =	stream.indirect_vreg.scatter [tilespmem:s13], [sflag:$0x1], $0x80, v4, vm0, $0xb8;
	[tilespmem:$0xC080] =	vst v63  }
0x38: {  	v3 =	vadd.s32 v1, v3  }
0x39: {  	[hbm4b:s4+s2] =	stream.indirect_vreg.scatter [tilespmem:s14], [sflag:$0x1], $0x80, v4, vm0, $0xb8;
	[tilespmem:$0xC080] =	vst v63  }
0x3a: {  	_ = 	snop  }
0x3b: {  	[hbm4b:s5+s2] =	stream.indirect_vreg.scatter [tilespmem:s15], [sflag:$0x1], $0x80, v4, vm0, $0xb8;
	[tilespmem:$0xC080] =	vst v63  }
0x3c: {  	_ = 	snop  }
0x3d: {  	[hbm4b:s3+s2] =	stream.indirect_vreg.scatter [tilespmem:s16], [sflag:$0x1], $0x80, v3, vm0, $0xb8;
	[tilespmem:$0xC080] =	vst v63  }
0x3e: {  	_ = 	snop  }
0x3f: {  	[hbm4b:s4+s2] =	stream.indirect_vreg.scatter [tilespmem:s17], [sflag:$0x1], $0x80, v3, vm0, $0xb8;
	[tilespmem:$0xC080] =	vst v63  }
0x40: {  	_ = 	snop  }
0x41: {  	[hbm4b:s5+s2] =	stream.indirect_vreg.scatter [tilespmem:s18], [sflag:$0x1], $0x80, v3, vm0, $0xb8;
	[tilespmem:$0xC080] =	vst v63  }
0x42: {  	v3 =	vld [tilespmem:$0x20];
	_ =	sdelay $0x4  }
0x43: {  	v62 =	vshrl.u32 v3, $0x3  }
0x44: {  	v4 =	vmul.u32 $0x30, v62  }
0x45: {  	v3 =	vand.u32 $0x7, v3  }
0x46: {  	v3 =	vor.u32 v3, v4  }
0x47: {  	v4 =	vperm.xlane v3, v0;
	_ =	sdelay $0x1  }
0x48: {  	v4 =	vadd.s32 v1, v4;
	_ =	sdelay $0x3  }
0x49: {  	v3 =	vperm.xlane v3, v2  }
0x4a: {  	[hbm4b:s3+s2] =	stream.indirect_vreg.scatter [tilespmem:s19], [sflag:$0x1], $0x80, v4, vm0, $0xb8;
	[tilespmem:$0xC080] =	vst v63  }
0x4b: {  	v3 =	vadd.s32 v1, v3  }
0x4c: {  	[hbm4b:s4+s2] =	stream.indirect_vreg.scatter [tilespmem:s20], [sflag:$0x1], $0x80, v4, vm0, $0xb8;
	[tilespmem:$0xC080] =	vst v63  }
0x4d: {  	_ = 	snop  }
0x4e: {  	[hbm4b:s5+s2] =	stream.indirect_vreg.scatter [tilespmem:s21], [sflag:$0x1], $0x80, v4, vm0, $0xb8;
	[tilespmem:$0xC080] =	vst v63  }
0x4f: {  	_ = 	snop  }
0x50: {  	[hbm4b:s3+s2] =	stream.indirect_vreg.scatter [tilespmem:s22], [sflag:$0x1], $0x80, v3, vm0, $0xb8;
	[tilespmem:$0xC080] =	vst v63  }
0x51: {  	_ = 	snop  }
0x52: {  	[hbm4b:s4+s2] =	stream.indirect_vreg.scatter [tilespmem:s23], [sflag:$0x1], $0x80, v3, vm0, $0xb8;
	[tilespmem:$0xC080] =	vst v63  }
0x53: {  	_ = 	snop  }
0x54: {  	[hbm4b:s5+s2] =	stream.indirect_vreg.scatter [tilespmem:s24], [sflag:$0x1], $0x80, v3, vm0, $0xb8;
	[tilespmem:$0xC080] =	vst v63  }
0x55: {  	v3 =	vld [tilespmem:$0x30];
	_ =	sdelay $0x4  }
0x56: {  	v63 =	vshrl.u32 v3, $0x3  }
0x57: {  	v4 =	vmul.u32 $0x30, v63  }
0x58: {  	v3 =	vand.u32 $0x7, v3  }
0x59: {  	v3 =	vor.u32 v3, v4  }
0x5a: {  	v4 =	vperm.xlane v3, v0;
	_ =	sdelay $0x1  }
0x5b: {  	v4 =	vadd.s32 v1, v4;
	_ =	sdelay $0x3  }
0x5c: {  	v3 =	vperm.xlane v3, v2  }
0x5d: {  	[hbm4b:s3+s2] =	stream.indirect_vreg.scatter [tilespmem:s25], [sflag:$0x1], $0x80, v4, vm0, $0xb8;
	[tilespmem:$0xC080] =	vst v63  }
0x5e: {  	v3 =	vadd.s32 v1, v3  }
0x5f: {  	[hbm4b:s4+s2] =	stream.indirect_vreg.scatter [tilespmem:s26], [sflag:$0x1], $0x80, v4, vm0, $0xb8;
	[tilespmem:$0xC080] =	vst v63  }
0x60: {  	_ = 	snop  }
0x61: {  	[hbm4b:s5+s2] =	stream.indirect_vreg.scatter [tilespmem:s28], [sflag:$0x1], $0x80, v4, vm0, $0xb8;
	[tilespmem:$0xC080] =	vst v63  }
0x62: {  	_ = 	snop  }
0x63: {  	[hbm4b:s3+s2] =	stream.indirect_vreg.scatter [tilespmem:s29], [sflag:$0x1], $0x80, v3, vm0, $0xb8;
	[tilespmem:$0xC080] =	vst v63  }
0x64: {  	p0 =	sne.s32 s6, $0x1  }
0x65: {  	[hbm4b:s4+s2] =	stream.indirect_vreg.scatter [tilespmem:s30], [sflag:$0x1], $0x80, v3, vm0, $0xb8;
	[tilespmem:$0xC080] =	vst v63  }
.Ltmp0:
0x66: {  	_ = 	snop;
	(pc) =	sbr.rel @p0 .LBB2_1-.Ltmp0, $4  }
0x67: {  	[hbm4b:s5+s2] =	stream.indirect_vreg.scatter [tilespmem:s31], [sflag:$0x1], $0x80, v3, vm0, $0xb8;
	[tilespmem:$0xC080] =	vst v63  }
0x68: {  	_ =	swait.ge [sflag:s1], $0xC000  }
0x69: {  	[sflag:s1] =	ssyncset.done $0x0  }
0x6a: {  	s6 =	sadd.s32 $0xFFFFFFFF, s6;
	[sflag:s1] =	ssyncadd.s32 $0xFFFF4000  }
0x6b: {  	_ =	sfence.sel $0x180000  }
0x6c: {  	[bflag:$0x0] =	sbarrier.arrive $0xFFFF  }
0x6d: {  	_ =	strace $0x90000047  }
0x6e: {  	s0 =	stileid.u32;
	[bflag:$0x2] =	sbarrier.arrive $0xFFFF  }
0x6f: {  	p0 =	sne.s32 s0, $0x0;
	s0 =	rddreg [dreg:$0x1]  }
0x70: {  	s0 =	sadd.s32 @!p0 $0x100000, s0  }
0x71: {  	[sflag:s0] =	ssyncadd.tile.s32 @!p0 $0x1;
	_ =	shalt  }
.Lfunc_end2:
_tile_overlayer_lowered:
.L_overlay_start_2:
0x72: {  	(tag) =	ssettag $0x2  }
0x73: {  	s0 =	rddreg [dreg:$0x0];
	s2 =	stileid.u32  }
0x74: {  	s1 =	rddreg [dreg:$0x1];
	p0 =	sne.s32 s2, $0x0  }
0x75: {  	s3 =	rddreg [dreg:$0x2];
	[bflag:$0x3] =	sbarrier.arrive $0xFFFF;
	s2 =	simm.s32 @!p0 $0x1C02  }
0x76: {  	[timem:s3], [sflag:s2] =	dma.local @!p0 [hbm:s0], s1  }
0x77: {  	s0 =	simm.s32 @!p0 $0x2  }
0x78: {  	_ =	swait.ge @!p0 [sflag:s0], s1  }
0x79: {  	s1 =	ssub.s32 @!p0 $0x0, s1;
	[sflag:s0] =	ssyncset.done @!p0 $0x0  }
0x7a: {  	[sflag:s0] =	ssyncadd.s32 @!p0 s1  }
0x7b: {  	[bflag:$0x3] =	sbarrier.arrive $0xFFFF  }
0x7c: {  	_ =	shalt  }

</sc_bundles>
